<compile_context>
chip_gen: v7x
topology: tpu7x:2x2x1
jax: 0.10.2.dev20260603
libtpu: 0.0.44.dev20260713+nightly
codegen_flags: <defaults>
</compile_context>

<pallas_src>
import jax
import jax.numpy as jnp
from jax import lax
from jax.experimental import pallas as pl
from jax.experimental.pallas import tpu as pltpu
from jax.experimental.pallas import tpu_sc as plsc

BIN_NUM = 5
NUM_GENES = 16906
EMBED_DIM = 200
BATCH = 8
EPS = 1e-6

LBLK = 1024
GRID = (NUM_GENES + LBLK - 1) // LBLK
LPAD = GRID * LBLK
TAIL_PID = GRID - 1

WBIG = 640
WSML = 512
NBIG = 4
COVER = NBIG * WBIG + (32 - NBIG) * WSML


def _table_blk(x_ref, tw_ref, g2v_ref, gdp_ref, id_ref, st_ref):
    x = x_ref[...]
    x = jnp.where(jnp.isnan(x), 0.0, x)
    x = jnp.clip(x, 0.0, float(BIN_NUM))
    ids_f = lax.round(x, lax.RoundingMethod.TO_NEAREST_EVEN)
    ids_i = ids_f.astype(jnp.int32)
    id_ref[...] = ids_i
    tw = tw_ref[...]
    g2v = g2v_ref[...]
    ntw = jnp.sum(tw * tw, axis=1, keepdims=True)
    ng = jnp.sum(g2v * g2v, axis=1)[None, :]
    gd = lax.dot_general(tw, g2v, (((1,), (1,)), ((), ())),
                         preferred_element_type=jnp.float32)
    gdp_ref[...] = 2.0 * gd + ntw + ng

    @pl.when(pl.program_id(0) == TAIL_PID)
    def _tail_scales():
        kiota = lax.broadcasted_iota(jnp.int32, (BATCH, LBLK, 8), 2)
        onehot = (ids_i[:, :, None] == kiota).astype(jnp.float32)
        for b in range(BATCH):
            te = jnp.dot(onehot[b], tw, preferred_element_type=jnp.float32)
            h = te + g2v
            ms = jnp.mean(h * h, axis=-1)
            st_ref[b, :] = lax.rsqrt(ms + EPS)


def _table(x, tw8, g2v):
    return pl.pallas_call(
        _table_blk,
        grid=(GRID,),
        in_specs=[
            pl.BlockSpec((BATCH, LBLK), lambda i: (0, i)),
            pl.BlockSpec((8, EMBED_DIM), lambda i: (0, 0)),
            pl.BlockSpec((LBLK, EMBED_DIM), lambda i: (i, 0)),
        ],
        out_specs=[
            pl.BlockSpec((8, LBLK), lambda i: (0, i)),
            pl.BlockSpec((BATCH, LBLK), lambda i: (0, i)),
            pl.BlockSpec((BATCH, LBLK), lambda i: (0, 0)),
        ],
        out_shape=[
            jax.ShapeDtypeStruct((8, LPAD), jnp.float32),
            jax.ShapeDtypeStruct((BATCH, LPAD), jnp.int32),
            jax.ShapeDtypeStruct((BATCH, LBLK), jnp.float32),
        ],
    )(x, tw8, g2v)


def _rsqrt_nr(y):
    i = plsc.bitcast(y, jnp.int32)
    i = 0x5F3759DF - lax.shift_right_logical(i, 1)
    r = plsc.bitcast(i, jnp.float32)
    for _ in range(3):
        r = r * (1.5 - 0.5 * y * r * r)
    return r


def _sc_scales_body(gdp_hbm, id_hbm, s_hbm, gd_v, id_v, s_v):
    wid = lax.axis_index("s") * 2 + lax.axis_index("c")

    def run(c0, w):
        for k in range(6):
            pltpu.sync_copy(gdp_hbm.at[k, pl.ds(c0, w)],
                            gd_v.at[pl.ds(k * WBIG, w)])
        for b in range(BATCH):
            pltpu.sync_copy(id_hbm.at[b, pl.ds(c0, w)],
                            id_v.at[pl.ds(b * WBIG, w)])

        def b_body(b, carry):
            @plsc.parallel_loop(0, w // 16, unroll=4)
            def j_body(j):
                col = j * 16
                idv = id_v[pl.ds(b * WBIG + col, 16)]
                acc = jnp.zeros((16,), jnp.float32)
                for k in range(6):
                    gk = gd_v[pl.ds(k * WBIG + col, 16)]
                    acc = jnp.where(idv == k, gk, acc)
                y = jnp.maximum(acc * (1.0 / EMBED_DIM), 0.0) + EPS
                s_v[pl.ds(b * WBIG + col, 16)] = _rsqrt_nr(y)

            return carry

        lax.fori_loop(0, BATCH, b_body, 0)
        for b in range(BATCH):
            pltpu.sync_copy(s_v.at[pl.ds(b * WBIG, w)],
                            s_hbm.at[b, pl.ds(c0, w)])

    @pl.when(wid < NBIG)
    def _big():
        run(pl.multiple_of(wid * WBIG, 128), WBIG)

    @pl.when(wid >= NBIG)
    def _small():
        run(pl.multiple_of(NBIG * WBIG + (wid - NBIG) * WSML, 128), WSML)


def _sc_scales(gdp, ids):
    mesh = plsc.VectorSubcoreMesh(core_axis_name="c", subcore_axis_name="s")
    return pl.kernel(
        _sc_scales_body,
        out_type=jax.ShapeDtypeStruct((BATCH, LPAD), jnp.float32),
        mesh=mesh,
        compiler_params=pltpu.CompilerParams(use_tc_tiling_on_sc=False,
                                             needs_layout_passes=False),
        scratch_types=[
            pltpu.VMEM((6 * WBIG,), jnp.float32),
            pltpu.VMEM((BATCH * WBIG,), jnp.int32),
            pltpu.VMEM((BATCH * WBIG,), jnp.float32),
        ],
    )(gdp, ids)


def _main_blk(id_ref, tw_ref, g2v_ref, w_ref, s_ref, st_ref, out_ref):
    ids_i = id_ref[...]
    kiota = lax.broadcasted_iota(jnp.int32, (BATCH, LBLK, 8), 2)
    onehot = (ids_i[:, :, None] == kiota).astype(jnp.float32)
    tw = tw_ref[...]
    g2v = g2v_ref[...]
    w = w_ref[...]
    is_tail = pl.program_id(0) == TAIL_PID
    s_blk = jnp.where(is_tail, st_ref[...], s_ref[...])
    for b in range(BATCH):
        te = jnp.dot(onehot[b], tw, preferred_element_type=jnp.float32)
        h = te + g2v
        out_ref[b, :, :] = h * s_blk[b][:, None] * w


def _main(ids, tw8, g2v, w2d, s, st):
    return pl.pallas_call(
        _main_blk,
        grid=(GRID,),
        in_specs=[
            pl.BlockSpec((BATCH, LBLK), lambda i: (0, i)),
            pl.BlockSpec((8, EMBED_DIM), lambda i: (0, 0)),
            pl.BlockSpec((LBLK, EMBED_DIM), lambda i: (i, 0)),
            pl.BlockSpec((1, EMBED_DIM), lambda i: (0, 0)),
            pl.BlockSpec((BATCH, LBLK), lambda i: (0, i)),
            pl.BlockSpec((BATCH, LBLK), lambda i: (0, 0)),
        ],
        out_specs=pl.BlockSpec((BATCH, LBLK, EMBED_DIM), lambda i: (0, i, 0)),
        out_shape=jax.ShapeDtypeStruct((BATCH, NUM_GENES, EMBED_DIM),
                                       jnp.float32),
    )(ids, tw8, g2v, w2d, s, st)


def kernel(x, token_weight, gene2vec_weight, rms_weight):
    tw8 = jnp.concatenate(
        [token_weight, jnp.zeros((1, EMBED_DIM), token_weight.dtype)], axis=0
    )
    w2d = rms_weight.reshape(1, EMBED_DIM)
    gdp, ids, st = _table(x, tw8, gene2vec_weight)
    s = _sc_scales(gdp, ids)
    return _main(ids, tw8, gene2vec_weight, w2d, s, st)

# --- scband reference (transcript-rebuilt; emitter-appended) ---
"""Pipeline reference for scband-sc-bert-input-encoder-15410342658716 (READ-ONLY COPY).

The authoritative reference and input builder live on the scoring server;
editing this copy changes nothing except your own understanding.
"""

import jax, jax.numpy as jnp
import numpy as np

BIN_NUM = 5          # scBERT default bin count -> token vocab = BIN_NUM + 2 = 7
NUM_GENES = 16906    # real scBERT gene panel size
EMBED_DIM = 200      # scBERT hidden_size == embed_dim -> output_projection is Identity
BATCH = 8
EPS = 1e-6


def setup_inputs(seed: int = 0) -> dict:
    key = jax.random.key(seed)
    k1, k2, k3 = jax.random.split(key, 3)
    # continuous expression values; clamp/round inside forward keeps ids in [0, BIN_NUM]
    x = jax.random.normal(k1, (BATCH, NUM_GENES), dtype=jnp.float32) * 1.5
    token_weight = jax.random.normal(k2, (BIN_NUM + 2, EMBED_DIM), dtype=jnp.float32) * 0.02
    gene2vec_weight = jax.random.normal(k3, (NUM_GENES, EMBED_DIM), dtype=jnp.float32) * 0.02
    rms_weight = jnp.ones((EMBED_DIM,), dtype=jnp.float32)
    return {
        "x": x,
        "token_weight": token_weight,
        "gene2vec_weight": gene2vec_weight,
        "rms_weight": rms_weight,
    }


def reference(x, token_weight, gene2vec_weight, rms_weight):
    # _discretize: nan_to_num -> clamp [0, bin_num] -> round -> int
    tokens = jnp.nan_to_num(x.astype(jnp.float32), nan=0.0)
    tokens = jnp.clip(tokens, 0.0, float(BIN_NUM))
    token_ids = jnp.round(tokens).astype(jnp.int32)
    # token embedding lookup: (B, L, D)
    token_embed = jnp.take(token_weight, token_ids, axis=0)
    # gene2vec positional embedding at positions arange(num_genes), broadcast over batch
    positions = jnp.arange(NUM_GENES, dtype=jnp.int32)
    gene_embed = jnp.take(gene2vec_weight, positions, axis=0)[None, :, :]
    h = token_embed + gene_embed
    # output_projection is Identity since source_dim == embed_dim == 200
    # RMSNorm
    ms = jnp.mean(h * h, axis=-1, keepdims=True)
    h = h * jax.lax.rsqrt(ms + EPS) * rms_weight
    # dropout p=0.0 -> identity
    return h

if __name__ == "__main__":
    import jax
    _d = setup_inputs()
    print(jax.jit(kernel)(*tuple(_d.values())))

</pallas_src>

<mosaic_0001>
#map = affine_map<(d0, d1) -> (0, 0)>
module attributes {stable_mosaic.version = 14 : i64} {
  func.func @_sc_scales_body(%arg0: i32, %arg1: i32, %arg2: memref<8x17408xf32, #tpu.memory_space<hbm>>, %arg3: memref<8x17408xi32, #tpu.memory_space<hbm>>, %arg4: memref<8x17408xf32, #tpu.memory_space<hbm>>, %arg5: memref<3840xf32, #tpu.memory_space<vmem>>, %arg6: memref<5120xi32, #tpu.memory_space<vmem>>, %arg7: memref<5120xf32, #tpu.memory_space<vmem>>) attributes {dimension_semantics = [#tpu.dimension_semantics<core_parallel>, #tpu.dimension_semantics<subcore_parallel>], iteration_bounds = array<i64: 2, 16>, scalar_prefetch = 0 : i64, scratch_operands = 3 : i64, tpu.core_type = #tpu.core_type<sc_vector_subcore>, window_params = [{transform_indices = #map}, {transform_indices = #map}, {transform_indices = #map}]} {
    %mul3A = arith.constant 2 : i32
    %mul3A_0 = arith.muli %arg1, %mul3A : i32
    %add3A = arith.addi %mul3A_0, %arg0 : i32
    %lt3A = arith.constant 4 : i32
    %lt3A_1 = arith.cmpi slt, %add3A, %lt3A : i32
    %convert_element_type3A = arith.extui %lt3A_1 : i1 to i32
    %cond3A = arith.constant 0 : i32
    %cond3A_2 = arith.cmpi ne, %convert_element_type3A, %cond3A : i32
    scf.if %cond3A_2 {
      %mul3A_7 = arith.constant 640 : i32
      %mul3A_8 = arith.muli %add3A, %mul3A_7 : i32
      %multiple_of3A = tpu.assume_multiple %mul3A_8, 128 : i32
      %run_scoped3A = arith.constant 0 : i32
      "tpu.region"() ({
        %run_scoped3A_35 = tpu.sem_alloc : memref<!tpu.dma_semaphore, #tpu.memory_space<semaphore_mem>>
        %dma_start3A = arith.constant 0 : i32
        %dma_start3A_36 = tpu.memref_slice %arg5[%dma_start3A] : memref<3840xf32, #tpu.memory_space<vmem>> -> memref<640xf32, #tpu.memory_space<vmem>>
        %dma_start3A_37 = tpu.memref_slice %arg2[%run_scoped3A, %multiple_of3A] : memref<8x17408xf32, #tpu.memory_space<hbm>> -> memref<1x640xf32, #tpu.memory_space<hbm>>
        %dma_start3A_38 = tpu.memref_squeeze %dma_start3A_37 : memref<1x640xf32, #tpu.memory_space<hbm>> -> memref<640xf32, #tpu.memory_space<hbm>>
        %dma_start3A_39 = arith.constant 0 : i32
        %dma_start3A_40 = tpu.memref_slice %arg5[%dma_start3A_39] : memref<3840xf32, #tpu.memory_space<vmem>> -> memref<640xf32, #tpu.memory_space<vmem>>
        %dma_start3A_41 = tpu.memref_slice %arg2[%run_scoped3A, %multiple_of3A] : memref<8x17408xf32, #tpu.memory_space<hbm>> -> memref<1x640xf32, #tpu.memory_space<hbm>>
        %dma_start3A_42 = tpu.memref_squeeze %dma_start3A_41 : memref<1x640xf32, #tpu.memory_space<hbm>> -> memref<640xf32, #tpu.memory_space<hbm>>
        tpu.enqueue_dma source(%dma_start3A_42 : memref<640xf32, #tpu.memory_space<hbm>>) target(%dma_start3A_40 : memref<640xf32, #tpu.memory_space<vmem>>) target_semaphore(%run_scoped3A_35 : memref<!tpu.dma_semaphore, #tpu.memory_space<semaphore_mem>>)
        %dma_wait3A = arith.constant 0 : i32
        %dma_wait3A_43 = tpu.memref_slice %arg5[%dma_wait3A] : memref<3840xf32, #tpu.memory_space<vmem>> -> memref<640xf32, #tpu.memory_space<vmem>>
        %dma_wait3A_44 = tpu.memref_slice %arg2[%run_scoped3A, %multiple_of3A] : memref<8x17408xf32, #tpu.memory_space<hbm>> -> memref<1x640xf32, #tpu.memory_space<hbm>>
        %dma_wait3A_45 = tpu.memref_squeeze %dma_wait3A_44 : memref<1x640xf32, #tpu.memory_space<hbm>> -> memref<640xf32, #tpu.memory_space<hbm>>
        %dma_wait3A_46 = arith.constant 0 : i32
        %dma_wait3A_47 = tpu.memref_slice %arg5[%dma_wait3A_46] : memref<3840xf32, #tpu.memory_space<vmem>> -> memref<640xf32, #tpu.memory_space<vmem>>
        %dma_wait3A_48 = tpu.memref_slice %arg2[%run_scoped3A, %multiple_of3A] : memref<8x17408xf32, #tpu.memory_space<hbm>> -> memref<1x640xf32, #tpu.memory_space<hbm>>
        %dma_wait3A_49 = tpu.memref_squeeze %dma_wait3A_48 : memref<1x640xf32, #tpu.memory_space<hbm>> -> memref<640xf32, #tpu.memory_space<hbm>>
        tpu.wait_dma2 semaphore(%run_scoped3A_35 : memref<!tpu.dma_semaphore, #tpu.memory_space<semaphore_mem>>) src(%dma_wait3A_49 : memref<640xf32, #tpu.memory_space<hbm>>) dst(%dma_wait3A_47 : memref<640xf32, #tpu.memory_space<vmem>>)
        tpu.yield
      }) : () -> ()
      %run_scoped3A_9 = arith.constant 1 : i32
      "tpu.region"() ({
        %run_scoped3A_35 = tpu.sem_alloc : memref<!tpu.dma_semaphore, #tpu.memory_space<semaphore_mem>>
        %dma_start3A = arith.constant 640 : i32
        %dma_start3A_36 = tpu.memref_slice %arg5[%dma_start3A] : memref<3840xf32, #tpu.memory_space<vmem>> -> memref<640xf32, #tpu.memory_space<vmem>>
        %dma_start3A_37 = tpu.memref_slice %arg2[%run_scoped3A_9, %multiple_of3A] : memref<8x17408xf32, #tpu.memory_space<hbm>> -> memref<1x640xf32, #tpu.memory_space<hbm>>
        %dma_start3A_38 = tpu.memref_squeeze %dma_start3A_37 : memref<1x640xf32, #tpu.memory_space<hbm>> -> memref<640xf32, #tpu.memory_space<hbm>>
        %dma_start3A_39 = arith.constant 640 : i32
        %dma_start3A_40 = tpu.memref_slice %arg5[%dma_start3A_39] : memref<3840xf32, #tpu.memory_space<vmem>> -> memref<640xf32, #tpu.memory_space<vmem>>
        %dma_start3A_41 = tpu.memref_slice %arg2[%run_scoped3A_9, %multiple_of3A] : memref<8x17408xf32, #tpu.memory_space<hbm>> -> memref<1x640xf32, #tpu.memory_space<hbm>>
        %dma_start3A_42 = tpu.memref_squeeze %dma_start3A_41 : memref<1x640xf32, #tpu.memory_space<hbm>> -> memref<640xf32, #tpu.memory_space<hbm>>
        tpu.enqueue_dma source(%dma_start3A_42 : memref<640xf32, #tpu.memory_space<hbm>>) target(%dma_start3A_40 : memref<640xf32, #tpu.memory_space<vmem>>) target_semaphore(%run_scoped3A_35 : memref<!tpu.dma_semaphore, #tpu.memory_space<semaphore_mem>>)
        %dma_wait3A = arith.constant 640 : i32
        %dma_wait3A_43 = tpu.memref_slice %arg5[%dma_wait3A] : memref<3840xf32, #tpu.memory_space<vmem>> -> memref<640xf32, #tpu.memory_space<vmem>>
        %dma_wait3A_44 = tpu.memref_slice %arg2[%run_scoped3A_9, %multiple_of3A] : memref<8x17408xf32, #tpu.memory_space<hbm>> -> memref<1x640xf32, #tpu.memory_space<hbm>>
        %dma_wait3A_45 = tpu.memref_squeeze %dma_wait3A_44 : memref<1x640xf32, #tpu.memory_space<hbm>> -> memref<640xf32, #tpu.memory_space<hbm>>
        %dma_wait3A_46 = arith.constant 640 : i32
        %dma_wait3A_47 = tpu.memref_slice %arg5[%dma_wait3A_46] : memref<3840xf32, #tpu.memory_space<vmem>> -> memref<640xf32, #tpu.memory_space<vmem>>
        %dma_wait3A_48 = tpu.memref_slice %arg2[%run_scoped3A_9, %multiple_of3A] : memref<8x17408xf32, #tpu.memory_space<hbm>> -> memref<1x640xf32, #tpu.memory_space<hbm>>
        %dma_wait3A_49 = tpu.memref_squeeze %dma_wait3A_48 : memref<1x640xf32, #tpu.memory_space<hbm>> -> memref<640xf32, #tpu.memory_space<hbm>>
        tpu.wait_dma2 semaphore(%run_scoped3A_35 : memref<!tpu.dma_semaphore, #tpu.memory_space<semaphore_mem>>) src(%dma_wait3A_49 : memref<640xf32, #tpu.memory_space<hbm>>) dst(%dma_wait3A_47 : memref<640xf32, #tpu.memory_space<vmem>>)
        tpu.yield
      }) : () -> ()
      %run_scoped3A_10 = arith.constant 2 : i32
      "tpu.region"() ({
        %run_scoped3A_35 = tpu.sem_alloc : memref<!tpu.dma_semaphore, #tpu.memory_space<semaphore_mem>>
        %dma_start3A = arith.constant 1280 : i32
        %dma_start3A_36 = tpu.memref_slice %arg5[%dma_start3A] : memref<3840xf32, #tpu.memory_space<vmem>> -> memref<640xf32, #tpu.memory_space<vmem>>
        %dma_start3A_37 = tpu.memref_slice %arg2[%run_scoped3A_10, %multiple_of3A] : memref<8x17408xf32, #tpu.memory_space<hbm>> -> memref<1x640xf32, #tpu.memory_space<hbm>>
        %dma_start3A_38 = tpu.memref_squeeze %dma_start3A_37 : memref<1x640xf32, #tpu.memory_space<hbm>> -> memref<640xf32, #tpu.memory_space<hbm>>
        %dma_start3A_39 = arith.constant 1280 : i32
        %dma_start3A_40 = tpu.memref_slice %arg5[%dma_start3A_39] : memref<3840xf32, #tpu.memory_space<vmem>> -> memref<640xf32, #tpu.memory_space<vmem>>
        %dma_start3A_41 = tpu.memref_slice %arg2[%run_scoped3A_10, %multiple_of3A] : memref<8x17408xf32, #tpu.memory_space<hbm>> -> memref<1x640xf32, #tpu.memory_space<hbm>>
        %dma_start3A_42 = tpu.memref_squeeze %dma_start3A_41 : memref<1x640xf32, #tpu.memory_space<hbm>> -> memref<640xf32, #tpu.memory_space<hbm>>
        tpu.enqueue_dma source(%dma_start3A_42 : memref<640xf32, #tpu.memory_space<hbm>>) target(%dma_start3A_40 : memref<640xf32, #tpu.memory_space<vmem>>) target_semaphore(%run_scoped3A_35 : memref<!tpu.dma_semaphore, #tpu.memory_space<semaphore_mem>>)
        %dma_wait3A = arith.constant 1280 : i32
        %dma_wait3A_43 = tpu.memref_slice %arg5[%dma_wait3A] : memref<3840xf32, #tpu.memory_space<vmem>> -> memref<640xf32, #tpu.memory_space<vmem>>
        %dma_wait3A_44 = tpu.memref_slice %arg2[%run_scoped3A_10, %multiple_of3A] : memref<8x17408xf32, #tpu.memory_space<hbm>> -> memref<1x640xf32, #tpu.memory_space<hbm>>
        %dma_wait3A_45 = tpu.memref_squeeze %dma_wait3A_44 : memref<1x640xf32, #tpu.memory_space<hbm>> -> memref<640xf32, #tpu.memory_space<hbm>>
        %dma_wait3A_46 = arith.constant 1280 : i32
        %dma_wait3A_47 = tpu.memref_slice %arg5[%dma_wait3A_46] : memref<3840xf32, #tpu.memory_space<vmem>> -> memref<640xf32, #tpu.memory_space<vmem>>
        %dma_wait3A_48 = tpu.memref_slice %arg2[%run_scoped3A_10, %multiple_of3A] : memref<8x17408xf32, #tpu.memory_space<hbm>> -> memref<1x640xf32, #tpu.memory_space<hbm>>
        %dma_wait3A_49 = tpu.memref_squeeze %dma_wait3A_48 : memref<1x640xf32, #tpu.memory_space<hbm>> -> memref<640xf32, #tpu.memory_space<hbm>>
        tpu.wait_dma2 semaphore(%run_scoped3A_35 : memref<!tpu.dma_semaphore, #tpu.memory_space<semaphore_mem>>) src(%dma_wait3A_49 : memref<640xf32, #tpu.memory_space<hbm>>) dst(%dma_wait3A_47 : memref<640xf32, #tpu.memory_space<vmem>>)
        tpu.yield
      }) : () -> ()
      %run_scoped3A_11 = arith.constant 3 : i32
      "tpu.region"() ({
        %run_scoped3A_35 = tpu.sem_alloc : memref<!tpu.dma_semaphore, #tpu.memory_space<semaphore_mem>>
        %dma_start3A = arith.constant 1920 : i32
        %dma_start3A_36 = tpu.memref_slice %arg5[%dma_start3A] : memref<3840xf32, #tpu.memory_space<vmem>> -> memref<640xf32, #tpu.memory_space<vmem>>
        %dma_start3A_37 = tpu.memref_slice %arg2[%run_scoped3A_11, %multiple_of3A] : memref<8x17408xf32, #tpu.memory_space<hbm>> -> memref<1x640xf32, #tpu.memory_space<hbm>>
        %dma_start3A_38 = tpu.memref_squeeze %dma_start3A_37 : memref<1x640xf32, #tpu.memory_space<hbm>> -> memref<640xf32, #tpu.memory_space<hbm>>
        %dma_start3A_39 = arith.constant 1920 : i32
        %dma_start3A_40 = tpu.memref_slice %arg5[%dma_start3A_39] : memref<3840xf32, #tpu.memory_space<vmem>> -> memref<640xf32, #tpu.memory_space<vmem>>
        %dma_start3A_41 = tpu.memref_slice %arg2[%run_scoped3A_11, %multiple_of3A] : memref<8x17408xf32, #tpu.memory_space<hbm>> -> memref<1x640xf32, #tpu.memory_space<hbm>>
        %dma_start3A_42 = tpu.memref_squeeze %dma_start3A_41 : memref<1x640xf32, #tpu.memory_space<hbm>> -> memref<640xf32, #tpu.memory_space<hbm>>
        tpu.enqueue_dma source(%dma_start3A_42 : memref<640xf32, #tpu.memory_space<hbm>>) target(%dma_start3A_40 : memref<640xf32, #tpu.memory_space<vmem>>) target_semaphore(%run_scoped3A_35 : memref<!tpu.dma_semaphore, #tpu.memory_space<semaphore_mem>>)
        %dma_wait3A = arith.constant 1920 : i32
        %dma_wait3A_43 = tpu.memref_slice %arg5[%dma_wait3A] : memref<3840xf32, #tpu.memory_space<vmem>> -> memref<640xf32, #tpu.memory_space<vmem>>
        %dma_wait3A_44 = tpu.memref_slice %arg2[%run_scoped3A_11, %multiple_of3A] : memref<8x17408xf32, #tpu.memory_space<hbm>> -> memref<1x640xf32, #tpu.memory_space<hbm>>
        %dma_wait3A_45 = tpu.memref_squeeze %dma_wait3A_44 : memref<1x640xf32, #tpu.memory_space<hbm>> -> memref<640xf32, #tpu.memory_space<hbm>>
        %dma_wait3A_46 = arith.constant 1920 : i32
        %dma_wait3A_47 = tpu.memref_slice %arg5[%dma_wait3A_46] : memref<3840xf32, #tpu.memory_space<vmem>> -> memref<640xf32, #tpu.memory_space<vmem>>
        %dma_wait3A_48 = tpu.memref_slice %arg2[%run_scoped3A_11, %multiple_of3A] : memref<8x17408xf32, #tpu.memory_space<hbm>> -> memref<1x640xf32, #tpu.memory_space<hbm>>
        %dma_wait3A_49 = tpu.memref_squeeze %dma_wait3A_48 : memref<1x640xf32, #tpu.memory_space<hbm>> -> memref<640xf32, #tpu.memory_space<hbm>>
        tpu.wait_dma2 semaphore(%run_scoped3A_35 : memref<!tpu.dma_semaphore, #tpu.memory_space<semaphore_mem>>) src(%dma_wait3A_49 : memref<640xf32, #tpu.memory_space<hbm>>) dst(%dma_wait3A_47 : memref<640xf32, #tpu.memory_space<vmem>>)
        tpu.yield
      }) : () -> ()
      %run_scoped3A_12 = arith.constant 4 : i32
      "tpu.region"() ({
        %run_scoped3A_35 = tpu.sem_alloc : memref<!tpu.dma_semaphore, #tpu.memory_space<semaphore_mem>>
        %dma_start3A = arith.constant 2560 : i32
        %dma_start3A_36 = tpu.memref_slice %arg5[%dma_start3A] : memref<3840xf32, #tpu.memory_space<vmem>> -> memref<640xf32, #tpu.memory_space<vmem>>
        %dma_start3A_37 = tpu.memref_slice %arg2[%run_scoped3A_12, %multiple_of3A] : memref<8x17408xf32, #tpu.memory_space<hbm>> -> memref<1x640xf32, #tpu.memory_space<hbm>>
        %dma_start3A_38 = tpu.memref_squeeze %dma_start3A_37 : memref<1x640xf32, #tpu.memory_space<hbm>> -> memref<640xf32, #tpu.memory_space<hbm>>
        %dma_start3A_39 = arith.constant 2560 : i32
        %dma_start3A_40 = tpu.memref_slice %arg5[%dma_start3A_39] : memref<3840xf32, #tpu.memory_space<vmem>> -> memref<640xf32, #tpu.memory_space<vmem>>
        %dma_start3A_41 = tpu.memref_slice %arg2[%run_scoped3A_12, %multiple_of3A] : memref<8x17408xf32, #tpu.memory_space<hbm>> -> memref<1x640xf32, #tpu.memory_space<hbm>>
        %dma_start3A_42 = tpu.memref_squeeze %dma_start3A_41 : memref<1x640xf32, #tpu.memory_space<hbm>> -> memref<640xf32, #tpu.memory_space<hbm>>
        tpu.enqueue_dma source(%dma_start3A_42 : memref<640xf32, #tpu.memory_space<hbm>>) target(%dma_start3A_40 : memref<640xf32, #tpu.memory_space<vmem>>) target_semaphore(%run_scoped3A_35 : memref<!tpu.dma_semaphore, #tpu.memory_space<semaphore_mem>>)
        %dma_wait3A = arith.constant 2560 : i32
        %dma_wait3A_43 = tpu.memref_slice %arg5[%dma_wait3A] : memref<3840xf32, #tpu.memory_space<vmem>> -> memref<640xf32, #tpu.memory_space<vmem>>
        %dma_wait3A_44 = tpu.memref_slice %arg2[%run_scoped3A_12, %multiple_of3A] : memref<8x17408xf32, #tpu.memory_space<hbm>> -> memref<1x640xf32, #tpu.memory_space<hbm>>
        %dma_wait3A_45 = tpu.memref_squeeze %dma_wait3A_44 : memref<1x640xf32, #tpu.memory_space<hbm>> -> memref<640xf32, #tpu.memory_space<hbm>>
        %dma_wait3A_46 = arith.constant 2560 : i32
        %dma_wait3A_47 = tpu.memref_slice %arg5[%dma_wait3A_46] : memref<3840xf32, #tpu.memory_space<vmem>> -> memref<640xf32, #tpu.memory_space<vmem>>
        %dma_wait3A_48 = tpu.memref_slice %arg2[%run_scoped3A_12, %multiple_of3A] : memref<8x17408xf32, #tpu.memory_space<hbm>> -> memref<1x640xf32, #tpu.memory_space<hbm>>
        %dma_wait3A_49 = tpu.memref_squeeze %dma_wait3A_48 : memref<1x640xf32, #tpu.memory_space<hbm>> -> memref<640xf32, #tpu.memory_space<hbm>>
        tpu.wait_dma2 semaphore(%run_scoped3A_35 : memref<!tpu.dma_semaphore, #tpu.memory_space<semaphore_mem>>) src(%dma_wait3A_49 : memref<640xf32, #tpu.memory_space<hbm>>) dst(%dma_wait3A_47 : memref<640xf32, #tpu.memory_space<vmem>>)
        tpu.yield
      }) : () -> ()
      %run_scoped3A_13 = arith.constant 5 : i32
      "tpu.region"() ({
        %run_scoped3A_35 = tpu.sem_alloc : memref<!tpu.dma_semaphore, #tpu.memory_space<semaphore_mem>>
        %dma_start3A = arith.constant 3200 : i32
        %dma_start3A_36 = tpu.memref_slice %arg5[%dma_start3A] : memref<3840xf32, #tpu.memory_space<vmem>> -> memref<640xf32, #tpu.memory_space<vmem>>
        %dma_start3A_37 = tpu.memref_slice %arg2[%run_scoped3A_13, %multiple_of3A] : memref<8x17408xf32, #tpu.memory_space<hbm>> -> memref<1x640xf32, #tpu.memory_space<hbm>>
        %dma_start3A_38 = tpu.memref_squeeze %dma_start3A_37 : memref<1x640xf32, #tpu.memory_space<hbm>> -> memref<640xf32, #tpu.memory_space<hbm>>
        %dma_start3A_39 = arith.constant 3200 : i32
        %dma_start3A_40 = tpu.memref_slice %arg5[%dma_start3A_39] : memref<3840xf32, #tpu.memory_space<vmem>> -> memref<640xf32, #tpu.memory_space<vmem>>
        %dma_start3A_41 = tpu.memref_slice %arg2[%run_scoped3A_13, %multiple_of3A] : memref<8x17408xf32, #tpu.memory_space<hbm>> -> memref<1x640xf32, #tpu.memory_space<hbm>>
        %dma_start3A_42 = tpu.memref_squeeze %dma_start3A_41 : memref<1x640xf32, #tpu.memory_space<hbm>> -> memref<640xf32, #tpu.memory_space<hbm>>
        tpu.enqueue_dma source(%dma_start3A_42 : memref<640xf32, #tpu.memory_space<hbm>>) target(%dma_start3A_40 : memref<640xf32, #tpu.memory_space<vmem>>) target_semaphore(%run_scoped3A_35 : memref<!tpu.dma_semaphore, #tpu.memory_space<semaphore_mem>>)
        %dma_wait3A = arith.constant 3200 : i32
        %dma_wait3A_43 = tpu.memref_slice %arg5[%dma_wait3A] : memref<3840xf32, #tpu.memory_space<vmem>> -> memref<640xf32, #tpu.memory_space<vmem>>
        %dma_wait3A_44 = tpu.memref_slice %arg2[%run_scoped3A_13, %multiple_of3A] : memref<8x17408xf32, #tpu.memory_space<hbm>> -> memref<1x640xf32, #tpu.memory_space<hbm>>
        %dma_wait3A_45 = tpu.memref_squeeze %dma_wait3A_44 : memref<1x640xf32, #tpu.memory_space<hbm>> -> memref<640xf32, #tpu.memory_space<hbm>>
        %dma_wait3A_46 = arith.constant 3200 : i32
        %dma_wait3A_47 = tpu.memref_slice %arg5[%dma_wait3A_46] : memref<3840xf32, #tpu.memory_space<vmem>> -> memref<640xf32, #tpu.memory_space<vmem>>
        %dma_wait3A_48 = tpu.memref_slice %arg2[%run_scoped3A_13, %multiple_of3A] : memref<8x17408xf32, #tpu.memory_space<hbm>> -> memref<1x640xf32, #tpu.memory_space<hbm>>
        %dma_wait3A_49 = tpu.memref_squeeze %dma_wait3A_48 : memref<1x640xf32, #tpu.memory_space<hbm>> -> memref<640xf32, #tpu.memory_space<hbm>>
        tpu.wait_dma2 semaphore(%run_scoped3A_35 : memref<!tpu.dma_semaphore, #tpu.memory_space<semaphore_mem>>) src(%dma_wait3A_49 : memref<640xf32, #tpu.memory_space<hbm>>) dst(%dma_wait3A_47 : memref<640xf32, #tpu.memory_space<vmem>>)
        tpu.yield
      }) : () -> ()
      %run_scoped3A_14 = arith.constant 0 : i32
      "tpu.region"() ({
        %run_scoped3A_35 = tpu.sem_alloc : memref<!tpu.dma_semaphore, #tpu.memory_space<semaphore_mem>>
        %dma_start3A = arith.constant 0 : i32
        %dma_start3A_36 = tpu.memref_slice %arg6[%dma_start3A] : memref<5120xi32, #tpu.memory_space<vmem>> -> memref<640xi32, #tpu.memory_space<vmem>>
        %dma_start3A_37 = tpu.memref_slice %arg3[%run_scoped3A_14, %multiple_of3A] : memref<8x17408xi32, #tpu.memory_space<hbm>> -> memref<1x640xi32, #tpu.memory_space<hbm>>
        %dma_start3A_38 = tpu.memref_squeeze %dma_start3A_37 : memref<1x640xi32, #tpu.memory_space<hbm>> -> memref<640xi32, #tpu.memory_space<hbm>>
        %dma_start3A_39 = arith.constant 0 : i32
        %dma_start3A_40 = tpu.memref_slice %arg6[%dma_start3A_39] : memref<5120xi32, #tpu.memory_space<vmem>> -> memref<640xi32, #tpu.memory_space<vmem>>
        %dma_start3A_41 = tpu.memref_slice %arg3[%run_scoped3A_14, %multiple_of3A] : memref<8x17408xi32, #tpu.memory_space<hbm>> -> memref<1x640xi32, #tpu.memory_space<hbm>>
        %dma_start3A_42 = tpu.memref_squeeze %dma_start3A_41 : memref<1x640xi32, #tpu.memory_space<hbm>> -> memref<640xi32, #tpu.memory_space<hbm>>
        tpu.enqueue_dma source(%dma_start3A_42 : memref<640xi32, #tpu.memory_space<hbm>>) target(%dma_start3A_40 : memref<640xi32, #tpu.memory_space<vmem>>) target_semaphore(%run_scoped3A_35 : memref<!tpu.dma_semaphore, #tpu.memory_space<semaphore_mem>>)
        %dma_wait3A = arith.constant 0 : i32
        %dma_wait3A_43 = tpu.memref_slice %arg6[%dma_wait3A] : memref<5120xi32, #tpu.memory_space<vmem>> -> memref<640xi32, #tpu.memory_space<vmem>>
        %dma_wait3A_44 = tpu.memref_slice %arg3[%run_scoped3A_14, %multiple_of3A] : memref<8x17408xi32, #tpu.memory_space<hbm>> -> memref<1x640xi32, #tpu.memory_space<hbm>>
        %dma_wait3A_45 = tpu.memref_squeeze %dma_wait3A_44 : memref<1x640xi32, #tpu.memory_space<hbm>> -> memref<640xi32, #tpu.memory_space<hbm>>
        %dma_wait3A_46 = arith.constant 0 : i32
        %dma_wait3A_47 = tpu.memref_slice %arg6[%dma_wait3A_46] : memref<5120xi32, #tpu.memory_space<vmem>> -> memref<640xi32, #tpu.memory_space<vmem>>
        %dma_wait3A_48 = tpu.memref_slice %arg3[%run_scoped3A_14, %multiple_of3A] : memref<8x17408xi32, #tpu.memory_space<hbm>> -> memref<1x640xi32, #tpu.memory_space<hbm>>
        %dma_wait3A_49 = tpu.memref_squeeze %dma_wait3A_48 : memref<1x640xi32, #tpu.memory_space<hbm>> -> memref<640xi32, #tpu.memory_space<hbm>>
        tpu.wait_dma2 semaphore(%run_scoped3A_35 : memref<!tpu.dma_semaphore, #tpu.memory_space<semaphore_mem>>) src(%dma_wait3A_49 : memref<640xi32, #tpu.memory_space<hbm>>) dst(%dma_wait3A_47 : memref<640xi32, #tpu.memory_space<vmem>>)
        tpu.yield
      }) : () -> ()
      %run_scoped3A_15 = arith.constant 1 : i32
      "tpu.region"() ({
        %run_scoped3A_35 = tpu.sem_alloc : memref<!tpu.dma_semaphore, #tpu.memory_space<semaphore_mem>>
        %dma_start3A = arith.constant 640 : i32
        %dma_start3A_36 = tpu.memref_slice %arg6[%dma_start3A] : memref<5120xi32, #tpu.memory_space<vmem>> -> memref<640xi32, #tpu.memory_space<vmem>>
        %dma_start3A_37 = tpu.memref_slice %arg3[%run_scoped3A_15, %multiple_of3A] : memref<8x17408xi32, #tpu.memory_space<hbm>> -> memref<1x640xi32, #tpu.memory_space<hbm>>
        %dma_start3A_38 = tpu.memref_squeeze %dma_start3A_37 : memref<1x640xi32, #tpu.memory_space<hbm>> -> memref<640xi32, #tpu.memory_space<hbm>>
        %dma_start3A_39 = arith.constant 640 : i32
        %dma_start3A_40 = tpu.memref_slice %arg6[%dma_start3A_39] : memref<5120xi32, #tpu.memory_space<vmem>> -> memref<640xi32, #tpu.memory_space<vmem>>
        %dma_start3A_41 = tpu.memref_slice %arg3[%run_scoped3A_15, %multiple_of3A] : memref<8x17408xi32, #tpu.memory_space<hbm>> -> memref<1x640xi32, #tpu.memory_space<hbm>>
        %dma_start3A_42 = tpu.memref_squeeze %dma_start3A_41 : memref<1x640xi32, #tpu.memory_space<hbm>> -> memref<640xi32, #tpu.memory_space<hbm>>
        tpu.enqueue_dma source(%dma_start3A_42 : memref<640xi32, #tpu.memory_space<hbm>>) target(%dma_start3A_40 : memref<640xi32, #tpu.memory_space<vmem>>) target_semaphore(%run_scoped3A_35 : memref<!tpu.dma_semaphore, #tpu.memory_space<semaphore_mem>>)
        %dma_wait3A = arith.constant 640 : i32
        %dma_wait3A_43 = tpu.memref_slice %arg6[%dma_wait3A] : memref<5120xi32, #tpu.memory_space<vmem>> -> memref<640xi32, #tpu.memory_space<vmem>>
        %dma_wait3A_44 = tpu.memref_slice %arg3[%run_scoped3A_15, %multiple_of3A] : memref<8x17408xi32, #tpu.memory_space<hbm>> -> memref<1x640xi32, #tpu.memory_space<hbm>>
        %dma_wait3A_45 = tpu.memref_squeeze %dma_wait3A_44 : memref<1x640xi32, #tpu.memory_space<hbm>> -> memref<640xi32, #tpu.memory_space<hbm>>
        %dma_wait3A_46 = arith.constant 640 : i32
        %dma_wait3A_47 = tpu.memref_slice %arg6[%dma_wait3A_46] : memref<5120xi32, #tpu.memory_space<vmem>> -> memref<640xi32, #tpu.memory_space<vmem>>
        %dma_wait3A_48 = tpu.memref_slice %arg3[%run_scoped3A_15, %multiple_of3A] : memref<8x17408xi32, #tpu.memory_space<hbm>> -> memref<1x640xi32, #tpu.memory_space<hbm>>
        %dma_wait3A_49 = tpu.memref_squeeze %dma_wait3A_48 : memref<1x640xi32, #tpu.memory_space<hbm>> -> memref<640xi32, #tpu.memory_space<hbm>>
        tpu.wait_dma2 semaphore(%run_scoped3A_35 : memref<!tpu.dma_semaphore, #tpu.memory_space<semaphore_mem>>) src(%dma_wait3A_49 : memref<640xi32, #tpu.memory_space<hbm>>) dst(%dma_wait3A_47 : memref<640xi32, #tpu.memory_space<vmem>>)
        tpu.yield
      }) : () -> ()
      %run_scoped3A_16 = arith.constant 2 : i32
      "tpu.region"() ({
        %run_scoped3A_35 = tpu.sem_alloc : memref<!tpu.dma_semaphore, #tpu.memory_space<semaphore_mem>>
        %dma_start3A = arith.constant 1280 : i32
        %dma_start3A_36 = tpu.memref_slice %arg6[%dma_start3A] : memref<5120xi32, #tpu.memory_space<vmem>> -> memref<640xi32, #tpu.memory_space<vmem>>
        %dma_start3A_37 = tpu.memref_slice %arg3[%run_scoped3A_16, %multiple_of3A] : memref<8x17408xi32, #tpu.memory_space<hbm>> -> memref<1x640xi32, #tpu.memory_space<hbm>>
        %dma_start3A_38 = tpu.memref_squeeze %dma_start3A_37 : memref<1x640xi32, #tpu.memory_space<hbm>> -> memref<640xi32, #tpu.memory_space<hbm>>
        %dma_start3A_39 = arith.constant 1280 : i32
        %dma_start3A_40 = tpu.memref_slice %arg6[%dma_start3A_39] : memref<5120xi32, #tpu.memory_space<vmem>> -> memref<640xi32, #tpu.memory_space<vmem>>
        %dma_start3A_41 = tpu.memref_slice %arg3[%run_scoped3A_16, %multiple_of3A] : memref<8x17408xi32, #tpu.memory_space<hbm>> -> memref<1x640xi32, #tpu.memory_space<hbm>>
        %dma_start3A_42 = tpu.memref_squeeze %dma_start3A_41 : memref<1x640xi32, #tpu.memory_space<hbm>> -> memref<640xi32, #tpu.memory_space<hbm>>
        tpu.enqueue_dma source(%dma_start3A_42 : memref<640xi32, #tpu.memory_space<hbm>>) target(%dma_start3A_40 : memref<640xi32, #tpu.memory_space<vmem>>) target_semaphore(%run_scoped3A_35 : memref<!tpu.dma_semaphore, #tpu.memory_space<semaphore_mem>>)
        %dma_wait3A = arith.constant 1280 : i32
        %dma_wait3A_43 = tpu.memref_slice %arg6[%dma_wait3A] : memref<5120xi32, #tpu.memory_space<vmem>> -> memref<640xi32, #tpu.memory_space<vmem>>
        %dma_wait3A_44 = tpu.memref_slice %arg3[%run_scoped3A_16, %multiple_of3A] : memref<8x17408xi32, #tpu.memory_space<hbm>> -> memref<1x640xi32, #tpu.memory_space<hbm>>
        %dma_wait3A_45 = tpu.memref_squeeze %dma_wait3A_44 : memref<1x640xi32, #tpu.memory_space<hbm>> -> memref<640xi32, #tpu.memory_space<hbm>>
        %dma_wait3A_46 = arith.constant 1280 : i32
        %dma_wait3A_47 = tpu.memref_slice %arg6[%dma_wait3A_46] : memref<5120xi32, #tpu.memory_space<vmem>> -> memref<640xi32, #tpu.memory_space<vmem>>
        %dma_wait3A_48 = tpu.memref_slice %arg3[%run_scoped3A_16, %multiple_of3A] : memref<8x17408xi32, #tpu.memory_space<hbm>> -> memref<1x640xi32, #tpu.memory_space<hbm>>
        %dma_wait3A_49 = tpu.memref_squeeze %dma_wait3A_48 : memref<1x640xi32, #tpu.memory_space<hbm>> -> memref<640xi32, #tpu.memory_space<hbm>>
        tpu.wait_dma2 semaphore(%run_scoped3A_35 : memref<!tpu.dma_semaphore, #tpu.memory_space<semaphore_mem>>) src(%dma_wait3A_49 : memref<640xi32, #tpu.memory_space<hbm>>) dst(%dma_wait3A_47 : memref<640xi32, #tpu.memory_space<vmem>>)
        tpu.yield
      }) : () -> ()
      %run_scoped3A_17 = arith.constant 3 : i32
      "tpu.region"() ({
        %run_scoped3A_35 = tpu.sem_alloc : memref<!tpu.dma_semaphore, #tpu.memory_space<semaphore_mem>>
        %dma_start3A = arith.constant 1920 : i32
        %dma_start3A_36 = tpu.memref_slice %arg6[%dma_start3A] : memref<5120xi32, #tpu.memory_space<vmem>> -> memref<640xi32, #tpu.memory_space<vmem>>
        %dma_start3A_37 = tpu.memref_slice %arg3[%run_scoped3A_17, %multiple_of3A] : memref<8x17408xi32, #tpu.memory_space<hbm>> -> memref<1x640xi32, #tpu.memory_space<hbm>>
        %dma_start3A_38 = tpu.memref_squeeze %dma_start3A_37 : memref<1x640xi32, #tpu.memory_space<hbm>> -> memref<640xi32, #tpu.memory_space<hbm>>
        %dma_start3A_39 = arith.constant 1920 : i32
        %dma_start3A_40 = tpu.memref_slice %arg6[%dma_start3A_39] : memref<5120xi32, #tpu.memory_space<vmem>> -> memref<640xi32, #tpu.memory_space<vmem>>
        %dma_start3A_41 = tpu.memref_slice %arg3[%run_scoped3A_17, %multiple_of3A] : memref<8x17408xi32, #tpu.memory_space<hbm>> -> memref<1x640xi32, #tpu.memory_space<hbm>>
        %dma_start3A_42 = tpu.memref_squeeze %dma_start3A_41 : memref<1x640xi32, #tpu.memory_space<hbm>> -> memref<640xi32, #tpu.memory_space<hbm>>
        tpu.enqueue_dma source(%dma_start3A_42 : memref<640xi32, #tpu.memory_space<hbm>>) target(%dma_start3A_40 : memref<640xi32, #tpu.memory_space<vmem>>) target_semaphore(%run_scoped3A_35 : memref<!tpu.dma_semaphore, #tpu.memory_space<semaphore_mem>>)
        %dma_wait3A = arith.constant 1920 : i32
        %dma_wait3A_43 = tpu.memref_slice %arg6[%dma_wait3A] : memref<5120xi32, #tpu.memory_space<vmem>> -> memref<640xi32, #tpu.memory_space<vmem>>
        %dma_wait3A_44 = tpu.memref_slice %arg3[%run_scoped3A_17, %multiple_of3A] : memref<8x17408xi32, #tpu.memory_space<hbm>> -> memref<1x640xi32, #tpu.memory_space<hbm>>
        %dma_wait3A_45 = tpu.memref_squeeze %dma_wait3A_44 : memref<1x640xi32, #tpu.memory_space<hbm>> -> memref<640xi32, #tpu.memory_space<hbm>>
        %dma_wait3A_46 = arith.constant 1920 : i32
        %dma_wait3A_47 = tpu.memref_slice %arg6[%dma_wait3A_46] : memref<5120xi32, #tpu.memory_space<vmem>> -> memref<640xi32, #tpu.memory_space<vmem>>
        %dma_wait3A_48 = tpu.memref_slice %arg3[%run_scoped3A_17, %multiple_of3A] : memref<8x17408xi32, #tpu.memory_space<hbm>> -> memref<1x640xi32, #tpu.memory_space<hbm>>
        %dma_wait3A_49 = tpu.memref_squeeze %dma_wait3A_48 : memref<1x640xi32, #tpu.memory_space<hbm>> -> memref<640xi32, #tpu.memory_space<hbm>>
        tpu.wait_dma2 semaphore(%run_scoped3A_35 : memref<!tpu.dma_semaphore, #tpu.memory_space<semaphore_mem>>) src(%dma_wait3A_49 : memref<640xi32, #tpu.memory_space<hbm>>) dst(%dma_wait3A_47 : memref<640xi32, #tpu.memory_space<vmem>>)
        tpu.yield
      }) : () -> ()
      %run_scoped3A_18 = arith.constant 4 : i32
      "tpu.region"() ({
        %run_scoped3A_35 = tpu.sem_alloc : memref<!tpu.dma_semaphore, #tpu.memory_space<semaphore_mem>>
        %dma_start3A = arith.constant 2560 : i32
        %dma_start3A_36 = tpu.memref_slice %arg6[%dma_start3A] : memref<5120xi32, #tpu.memory_space<vmem>> -> memref<640xi32, #tpu.memory_space<vmem>>
        %dma_start3A_37 = tpu.memref_slice %arg3[%run_scoped3A_18, %multiple_of3A] : memref<8x17408xi32, #tpu.memory_space<hbm>> -> memref<1x640xi32, #tpu.memory_space<hbm>>
        %dma_start3A_38 = tpu.memref_squeeze %dma_start3A_37 : memref<1x640xi32, #tpu.memory_space<hbm>> -> memref<640xi32, #tpu.memory_space<hbm>>
        %dma_start3A_39 = arith.constant 2560 : i32
        %dma_start3A_40 = tpu.memref_slice %arg6[%dma_start3A_39] : memref<5120xi32, #tpu.memory_space<vmem>> -> memref<640xi32, #tpu.memory_space<vmem>>
        %dma_start3A_41 = tpu.memref_slice %arg3[%run_scoped3A_18, %multiple_of3A] : memref<8x17408xi32, #tpu.memory_space<hbm>> -> memref<1x640xi32, #tpu.memory_space<hbm>>
        %dma_start3A_42 = tpu.memref_squeeze %dma_start3A_41 : memref<1x640xi32, #tpu.memory_space<hbm>> -> memref<640xi32, #tpu.memory_space<hbm>>
        tpu.enqueue_dma source(%dma_start3A_42 : memref<640xi32, #tpu.memory_space<hbm>>) target(%dma_start3A_40 : memref<640xi32, #tpu.memory_space<vmem>>) target_semaphore(%run_scoped3A_35 : memref<!tpu.dma_semaphore, #tpu.memory_space<semaphore_mem>>)
        %dma_wait3A = arith.constant 2560 : i32
        %dma_wait3A_43 = tpu.memref_slice %arg6[%dma_wait3A] : memref<5120xi32, #tpu.memory_space<vmem>> -> memref<640xi32, #tpu.memory_space<vmem>>
        %dma_wait3A_44 = tpu.memref_slice %arg3[%run_scoped3A_18, %multiple_of3A] : memref<8x17408xi32, #tpu.memory_space<hbm>> -> memref<1x640xi32, #tpu.memory_space<hbm>>
        %dma_wait3A_45 = tpu.memref_squeeze %dma_wait3A_44 : memref<1x640xi32, #tpu.memory_space<hbm>> -> memref<640xi32, #tpu.memory_space<hbm>>
        %dma_wait3A_46 = arith.constant 2560 : i32
        %dma_wait3A_47 = tpu.memref_slice %arg6[%dma_wait3A_46] : memref<5120xi32, #tpu.memory_space<vmem>> -> memref<640xi32, #tpu.memory_space<vmem>>
        %dma_wait3A_48 = tpu.memref_slice %arg3[%run_scoped3A_18, %multiple_of3A] : memref<8x17408xi32, #tpu.memory_space<hbm>> -> memref<1x640xi32, #tpu.memory_space<hbm>>
        %dma_wait3A_49 = tpu.memref_squeeze %dma_wait3A_48 : memref<1x640xi32, #tpu.memory_space<hbm>> -> memref<640xi32, #tpu.memory_space<hbm>>
        tpu.wait_dma2 semaphore(%run_scoped3A_35 : memref<!tpu.dma_semaphore, #tpu.memory_space<semaphore_mem>>) src(%dma_wait3A_49 : memref<640xi32, #tpu.memory_space<hbm>>) dst(%dma_wait3A_47 : memref<640xi32, #tpu.memory_space<vmem>>)
        tpu.yield
      }) : () -> ()
      %run_scoped3A_19 = arith.constant 5 : i32
      "tpu.region"() ({
        %run_scoped3A_35 = tpu.sem_alloc : memref<!tpu.dma_semaphore, #tpu.memory_space<semaphore_mem>>
        %dma_start3A = arith.constant 3200 : i32
        %dma_start3A_36 = tpu.memref_slice %arg6[%dma_start3A] : memref<5120xi32, #tpu.memory_space<vmem>> -> memref<640xi32, #tpu.memory_space<vmem>>
        %dma_start3A_37 = tpu.memref_slice %arg3[%run_scoped3A_19, %multiple_of3A] : memref<8x17408xi32, #tpu.memory_space<hbm>> -> memref<1x640xi32, #tpu.memory_space<hbm>>
        %dma_start3A_38 = tpu.memref_squeeze %dma_start3A_37 : memref<1x640xi32, #tpu.memory_space<hbm>> -> memref<640xi32, #tpu.memory_space<hbm>>
        %dma_start3A_39 = arith.constant 3200 : i32
        %dma_start3A_40 = tpu.memref_slice %arg6[%dma_start3A_39] : memref<5120xi32, #tpu.memory_space<vmem>> -> memref<640xi32, #tpu.memory_space<vmem>>
        %dma_start3A_41 = tpu.memref_slice %arg3[%run_scoped3A_19, %multiple_of3A] : memref<8x17408xi32, #tpu.memory_space<hbm>> -> memref<1x640xi32, #tpu.memory_space<hbm>>
        %dma_start3A_42 = tpu.memref_squeeze %dma_start3A_41 : memref<1x640xi32, #tpu.memory_space<hbm>> -> memref<640xi32, #tpu.memory_space<hbm>>
        tpu.enqueue_dma source(%dma_start3A_42 : memref<640xi32, #tpu.memory_space<hbm>>) target(%dma_start3A_40 : memref<640xi32, #tpu.memory_space<vmem>>) target_semaphore(%run_scoped3A_35 : memref<!tpu.dma_semaphore, #tpu.memory_space<semaphore_mem>>)
        %dma_wait3A = arith.constant 3200 : i32
        %dma_wait3A_43 = tpu.memref_slice %arg6[%dma_wait3A] : memref<5120xi32, #tpu.memory_space<vmem>> -> memref<640xi32, #tpu.memory_space<vmem>>
        %dma_wait3A_44 = tpu.memref_slice %arg3[%run_scoped3A_19, %multiple_of3A] : memref<8x17408xi32, #tpu.memory_space<hbm>> -> memref<1x640xi32, #tpu.memory_space<hbm>>
        %dma_wait3A_45 = tpu.memref_squeeze %dma_wait3A_44 : memref<1x640xi32, #tpu.memory_space<hbm>> -> memref<640xi32, #tpu.memory_space<hbm>>
        %dma_wait3A_46 = arith.constant 3200 : i32
        %dma_wait3A_47 = tpu.memref_slice %arg6[%dma_wait3A_46] : memref<5120xi32, #tpu.memory_space<vmem>> -> memref<640xi32, #tpu.memory_space<vmem>>
        %dma_wait3A_48 = tpu.memref_slice %arg3[%run_scoped3A_19, %multiple_of3A] : memref<8x17408xi32, #tpu.memory_space<hbm>> -> memref<1x640xi32, #tpu.memory_space<hbm>>
        %dma_wait3A_49 = tpu.memref_squeeze %dma_wait3A_48 : memref<1x640xi32, #tpu.memory_space<hbm>> -> memref<640xi32, #tpu.memory_space<hbm>>
        tpu.wait_dma2 semaphore(%run_scoped3A_35 : memref<!tpu.dma_semaphore, #tpu.memory_space<semaphore_mem>>) src(%dma_wait3A_49 : memref<640xi32, #tpu.memory_space<hbm>>) dst(%dma_wait3A_47 : memref<640xi32, #tpu.memory_space<vmem>>)
        tpu.yield
      }) : () -> ()
      %run_scoped3A_20 = arith.constant 6 : i32
      "tpu.region"() ({
        %run_scoped3A_35 = tpu.sem_alloc : memref<!tpu.dma_semaphore, #tpu.memory_space<semaphore_mem>>
        %dma_start3A = arith.constant 3840 : i32
        %dma_start3A_36 = tpu.memref_slice %arg6[%dma_start3A] : memref<5120xi32, #tpu.memory_space<vmem>> -> memref<640xi32, #tpu.memory_space<vmem>>
        %dma_start3A_37 = tpu.memref_slice %arg3[%run_scoped3A_20, %multiple_of3A] : memref<8x17408xi32, #tpu.memory_space<hbm>> -> memref<1x640xi32, #tpu.memory_space<hbm>>
        %dma_start3A_38 = tpu.memref_squeeze %dma_start3A_37 : memref<1x640xi32, #tpu.memory_space<hbm>> -> memref<640xi32, #tpu.memory_space<hbm>>
        %dma_start3A_39 = arith.constant 3840 : i32
        %dma_start3A_40 = tpu.memref_slice %arg6[%dma_start3A_39] : memref<5120xi32, #tpu.memory_space<vmem>> -> memref<640xi32, #tpu.memory_space<vmem>>
        %dma_start3A_41 = tpu.memref_slice %arg3[%run_scoped3A_20, %multiple_of3A] : memref<8x17408xi32, #tpu.memory_space<hbm>> -> memref<1x640xi32, #tpu.memory_space<hbm>>
        %dma_start3A_42 = tpu.memref_squeeze %dma_start3A_41 : memref<1x640xi32, #tpu.memory_space<hbm>> -> memref<640xi32, #tpu.memory_space<hbm>>
        tpu.enqueue_dma source(%dma_start3A_42 : memref<640xi32, #tpu.memory_space<hbm>>) target(%dma_start3A_40 : memref<640xi32, #tpu.memory_space<vmem>>) target_semaphore(%run_scoped3A_35 : memref<!tpu.dma_semaphore, #tpu.memory_space<semaphore_mem>>)
        %dma_wait3A = arith.constant 3840 : i32
        %dma_wait3A_43 = tpu.memref_slice %arg6[%dma_wait3A] : memref<5120xi32, #tpu.memory_space<vmem>> -> memref<640xi32, #tpu.memory_space<vmem>>
        %dma_wait3A_44 = tpu.memref_slice %arg3[%run_scoped3A_20, %multiple_of3A] : memref<8x17408xi32, #tpu.memory_space<hbm>> -> memref<1x640xi32, #tpu.memory_space<hbm>>
        %dma_wait3A_45 = tpu.memref_squeeze %dma_wait3A_44 : memref<1x640xi32, #tpu.memory_space<hbm>> -> memref<640xi32, #tpu.memory_space<hbm>>
        %dma_wait3A_46 = arith.constant 3840 : i32
        %dma_wait3A_47 = tpu.memref_slice %arg6[%dma_wait3A_46] : memref<5120xi32, #tpu.memory_space<vmem>> -> memref<640xi32, #tpu.memory_space<vmem>>
        %dma_wait3A_48 = tpu.memref_slice %arg3[%run_scoped3A_20, %multiple_of3A] : memref<8x17408xi32, #tpu.memory_space<hbm>> -> memref<1x640xi32, #tpu.memory_space<hbm>>
        %dma_wait3A_49 = tpu.memref_squeeze %dma_wait3A_48 : memref<1x640xi32, #tpu.memory_space<hbm>> -> memref<640xi32, #tpu.memory_space<hbm>>
        tpu.wait_dma2 semaphore(%run_scoped3A_35 : memref<!tpu.dma_semaphore, #tpu.memory_space<semaphore_mem>>) src(%dma_wait3A_49 : memref<640xi32, #tpu.memory_space<hbm>>) dst(%dma_wait3A_47 : memref<640xi32, #tpu.memory_space<vmem>>)
        tpu.yield
      }) : () -> ()
      %run_scoped3A_21 = arith.constant 7 : i32
      "tpu.region"() ({
        %run_scoped3A_35 = tpu.sem_alloc : memref<!tpu.dma_semaphore, #tpu.memory_space<semaphore_mem>>
        %dma_start3A = arith.constant 4480 : i32
        %dma_start3A_36 = tpu.memref_slice %arg6[%dma_start3A] : memref<5120xi32, #tpu.memory_space<vmem>> -> memref<640xi32, #tpu.memory_space<vmem>>
        %dma_start3A_37 = tpu.memref_slice %arg3[%run_scoped3A_21, %multiple_of3A] : memref<8x17408xi32, #tpu.memory_space<hbm>> -> memref<1x640xi32, #tpu.memory_space<hbm>>
        %dma_start3A_38 = tpu.memref_squeeze %dma_start3A_37 : memref<1x640xi32, #tpu.memory_space<hbm>> -> memref<640xi32, #tpu.memory_space<hbm>>
        %dma_start3A_39 = arith.constant 4480 : i32
        %dma_start3A_40 = tpu.memref_slice %arg6[%dma_start3A_39] : memref<5120xi32, #tpu.memory_space<vmem>> -> memref<640xi32, #tpu.memory_space<vmem>>
        %dma_start3A_41 = tpu.memref_slice %arg3[%run_scoped3A_21, %multiple_of3A] : memref<8x17408xi32, #tpu.memory_space<hbm>> -> memref<1x640xi32, #tpu.memory_space<hbm>>
        %dma_start3A_42 = tpu.memref_squeeze %dma_start3A_41 : memref<1x640xi32, #tpu.memory_space<hbm>> -> memref<640xi32, #tpu.memory_space<hbm>>
        tpu.enqueue_dma source(%dma_start3A_42 : memref<640xi32, #tpu.memory_space<hbm>>) target(%dma_start3A_40 : memref<640xi32, #tpu.memory_space<vmem>>) target_semaphore(%run_scoped3A_35 : memref<!tpu.dma_semaphore, #tpu.memory_space<semaphore_mem>>)
        %dma_wait3A = arith.constant 4480 : i32
        %dma_wait3A_43 = tpu.memref_slice %arg6[%dma_wait3A] : memref<5120xi32, #tpu.memory_space<vmem>> -> memref<640xi32, #tpu.memory_space<vmem>>
        %dma_wait3A_44 = tpu.memref_slice %arg3[%run_scoped3A_21, %multiple_of3A] : memref<8x17408xi32, #tpu.memory_space<hbm>> -> memref<1x640xi32, #tpu.memory_space<hbm>>
        %dma_wait3A_45 = tpu.memref_squeeze %dma_wait3A_44 : memref<1x640xi32, #tpu.memory_space<hbm>> -> memref<640xi32, #tpu.memory_space<hbm>>
        %dma_wait3A_46 = arith.constant 4480 : i32
        %dma_wait3A_47 = tpu.memref_slice %arg6[%dma_wait3A_46] : memref<5120xi32, #tpu.memory_space<vmem>> -> memref<640xi32, #tpu.memory_space<vmem>>
        %dma_wait3A_48 = tpu.memref_slice %arg3[%run_scoped3A_21, %multiple_of3A] : memref<8x17408xi32, #tpu.memory_space<hbm>> -> memref<1x640xi32, #tpu.memory_space<hbm>>
        %dma_wait3A_49 = tpu.memref_squeeze %dma_wait3A_48 : memref<1x640xi32, #tpu.memory_space<hbm>> -> memref<640xi32, #tpu.memory_space<hbm>>
        tpu.wait_dma2 semaphore(%run_scoped3A_35 : memref<!tpu.dma_semaphore, #tpu.memory_space<semaphore_mem>>) src(%dma_wait3A_49 : memref<640xi32, #tpu.memory_space<hbm>>) dst(%dma_wait3A_47 : memref<640xi32, #tpu.memory_space<vmem>>)
        tpu.yield
      }) : () -> ()
      %scan3A = arith.constant 0 : i32
      %scan3A_22 = arith.constant 0 : i32
      %scan3A_23 = arith.constant 8 : i32
      %scan3A_24 = arith.addi %scan3A_22, %scan3A_23 : i32
      %scan3A_25 = arith.constant 1 : i32
      scf.for %scan3A_35 = %scan3A_22 to %scan3A_24 step %scan3A_25  : i32 {
        %parallel_loop3A = arith.constant 0 : i32
        %parallel_loop3A_36 = arith.constant 40 : i32
        %parallel_loop3A_37 = arith.constant 1 : i32
        scf.for %parallel_loop3A_38 = %parallel_loop3A to %parallel_loop3A_36 step %parallel_loop3A_37  : i32 {
          %parallel_loop3A_39 = arith.constant 16 : i32
          %parallel_loop3A_40 = arith.muli %parallel_loop3A_38, %parallel_loop3A_39 : i32
          %parallel_loop3A_41 = arith.constant 640 : i32
          %parallel_loop3A_42 = arith.muli %scan3A_35, %parallel_loop3A_41 : i32
          %parallel_loop3A_43 = arith.addi %parallel_loop3A_42, %parallel_loop3A_40 : i32
          %parallel_loop3A_44 = arith.index_cast %parallel_loop3A_43 : i32 to index
          %parallel_loop3A_45 = tpu.vector_load %arg6[%parallel_loop3A_44] {strides = array<i32>} : memref<5120xi32, #tpu.memory_space<vmem>>, vector<16xi32>,
          %parallel_loop3A_46 = arith.constant 0.000000e+00 : f32
          %parallel_loop3A_47 = vector.broadcast %parallel_loop3A_46 : f32 to vector<16xf32>
          %parallel_loop3A_48 = arith.constant 0 : i32
          %parallel_loop3A_49 = arith.addi %parallel_loop3A_48, %parallel_loop3A_40 : i32
          %parallel_loop3A_50 = arith.index_cast %parallel_loop3A_49 : i32 to index
          %parallel_loop3A_51 = tpu.vector_load %arg5[%parallel_loop3A_50] {strides = array<i32>} : memref<3840xf32, #tpu.memory_space<vmem>>, vector<16xf32>,
          %parallel_loop3A_52 = arith.constant 0 : i32
          %parallel_loop3A_53 = vector.broadcast %parallel_loop3A_52 : i32 to vector<16xi32>
          %parallel_loop3A_54 = arith.cmpi eq, %parallel_loop3A_45, %parallel_loop3A_53 : vector<16xi32>
          %parallel_loop3A_55 = arith.select %parallel_loop3A_54, %parallel_loop3A_51, %parallel_loop3A_47 : vector<16xi1>, vector<16xf32>
          %parallel_loop3A_56 = arith.constant 640 : i32
          %parallel_loop3A_57 = arith.addi %parallel_loop3A_56, %parallel_loop3A_40 : i32
          %parallel_loop3A_58 = arith.index_cast %parallel_loop3A_57 : i32 to index
          %parallel_loop3A_59 = tpu.vector_load %arg5[%parallel_loop3A_58] {strides = array<i32>} : memref<3840xf32, #tpu.memory_space<vmem>>, vector<16xf32>,
          %parallel_loop3A_60 = arith.constant 1 : i32
          %parallel_loop3A_61 = vector.broadcast %parallel_loop3A_60 : i32 to vector<16xi32>
          %parallel_loop3A_62 = arith.cmpi eq, %parallel_loop3A_45, %parallel_loop3A_61 : vector<16xi32>
          %parallel_loop3A_63 = arith.select %parallel_loop3A_62, %parallel_loop3A_59, %parallel_loop3A_55 : vector<16xi1>, vector<16xf32>
          %parallel_loop3A_64 = arith.constant 1280 : i32
          %parallel_loop3A_65 = arith.addi %parallel_loop3A_64, %parallel_loop3A_40 : i32
          %parallel_loop3A_66 = arith.index_cast %parallel_loop3A_65 : i32 to index
          %parallel_loop3A_67 = tpu.vector_load %arg5[%parallel_loop3A_66] {strides = array<i32>} : memref<3840xf32, #tpu.memory_space<vmem>>, vector<16xf32>,
          %parallel_loop3A_68 = arith.constant 2 : i32
          %parallel_loop3A_69 = vector.broadcast %parallel_loop3A_68 : i32 to vector<16xi32>
          %parallel_loop3A_70 = arith.cmpi eq, %parallel_loop3A_45, %parallel_loop3A_69 : vector<16xi32>
          %parallel_loop3A_71 = arith.select %parallel_loop3A_70, %parallel_loop3A_67, %parallel_loop3A_63 : vector<16xi1>, vector<16xf32>
          %parallel_loop3A_72 = arith.constant 1920 : i32
          %parallel_loop3A_73 = arith.addi %parallel_loop3A_72, %parallel_loop3A_40 : i32
          %parallel_loop3A_74 = arith.index_cast %parallel_loop3A_73 : i32 to index
          %parallel_loop3A_75 = tpu.vector_load %arg5[%parallel_loop3A_74] {strides = array<i32>} : memref<3840xf32, #tpu.memory_space<vmem>>, vector<16xf32>,
          %parallel_loop3A_76 = arith.constant 3 : i32
          %parallel_loop3A_77 = vector.broadcast %parallel_loop3A_76 : i32 to vector<16xi32>
          %parallel_loop3A_78 = arith.cmpi eq, %parallel_loop3A_45, %parallel_loop3A_77 : vector<16xi32>
          %parallel_loop3A_79 = arith.select %parallel_loop3A_78, %parallel_loop3A_75, %parallel_loop3A_71 : vector<16xi1>, vector<16xf32>
          %parallel_loop3A_80 = arith.constant 2560 : i32
          %parallel_loop3A_81 = arith.addi %parallel_loop3A_80, %parallel_loop3A_40 : i32
          %parallel_loop3A_82 = arith.index_cast %parallel_loop3A_81 : i32 to index
          %parallel_loop3A_83 = tpu.vector_load %arg5[%parallel_loop3A_82] {strides = array<i32>} : memref<3840xf32, #tpu.memory_space<vmem>>, vector<16xf32>,
          %parallel_loop3A_84 = arith.constant 4 : i32
          %parallel_loop3A_85 = vector.broadcast %parallel_loop3A_84 : i32 to vector<16xi32>
          %parallel_loop3A_86 = arith.cmpi eq, %parallel_loop3A_45, %parallel_loop3A_85 : vector<16xi32>
          %parallel_loop3A_87 = arith.select %parallel_loop3A_86, %parallel_loop3A_83, %parallel_loop3A_79 : vector<16xi1>, vector<16xf32>
          %parallel_loop3A_88 = arith.constant 3200 : i32
          %parallel_loop3A_89 = arith.addi %parallel_loop3A_88, %parallel_loop3A_40 : i32
          %parallel_loop3A_90 = arith.index_cast %parallel_loop3A_89 : i32 to index
          %parallel_loop3A_91 = tpu.vector_load %arg5[%parallel_loop3A_90] {strides = array<i32>} : memref<3840xf32, #tpu.memory_space<vmem>>, vector<16xf32>,
          %parallel_loop3A_92 = arith.constant 5 : i32
          %parallel_loop3A_93 = vector.broadcast %parallel_loop3A_92 : i32 to vector<16xi32>
          %parallel_loop3A_94 = arith.cmpi eq, %parallel_loop3A_45, %parallel_loop3A_93 : vector<16xi32>
          %parallel_loop3A_95 = arith.select %parallel_loop3A_94, %parallel_loop3A_91, %parallel_loop3A_87 : vector<16xi1>, vector<16xf32>
          %parallel_loop3A_96 = arith.constant 5.000000e-03 : f32
          %parallel_loop3A_97 = vector.broadcast %parallel_loop3A_96 : f32 to vector<16xf32>
          %parallel_loop3A_98 = arith.mulf %parallel_loop3A_95, %parallel_loop3A_97 : vector<16xf32>
          %parallel_loop3A_99 = arith.constant 0.000000e+00 : f32
          %parallel_loop3A_100 = vector.broadcast %parallel_loop3A_99 : f32 to vector<16xf32>
          %parallel_loop3A_101 = arith.maximumf %parallel_loop3A_98, %parallel_loop3A_100 : vector<16xf32>
          %parallel_loop3A_102 = arith.constant 9.99999997E-7 : f32
          %parallel_loop3A_103 = vector.broadcast %parallel_loop3A_102 : f32 to vector<16xf32>
          %parallel_loop3A_104 = arith.addf %parallel_loop3A_101, %parallel_loop3A_103 : vector<16xf32>
          %parallel_loop3A_105 = vector.bitcast %parallel_loop3A_104 : vector<16xf32> to vector<16xi32>
          %parallel_loop3A_106 = arith.constant 1 : i32
          %parallel_loop3A_107 = vector.broadcast %parallel_loop3A_106 : i32 to vector<16xi32>
          %parallel_loop3A_108 = arith.shrui %parallel_loop3A_105, %parallel_loop3A_107 : vector<16xi32>
          %parallel_loop3A_109 = arith.constant 1597463007 : i32
          %parallel_loop3A_110 = vector.broadcast %parallel_loop3A_109 : i32 to vector<16xi32>
          %parallel_loop3A_111 = arith.subi %parallel_loop3A_110, %parallel_loop3A_108 : vector<16xi32>
          %parallel_loop3A_112 = vector.bitcast %parallel_loop3A_111 : vector<16xi32> to vector<16xf32>
          %parallel_loop3A_113 = arith.constant 5.000000e-01 : f32
          %parallel_loop3A_114 = vector.broadcast %parallel_loop3A_113 : f32 to vector<16xf32>
          %parallel_loop3A_115 = arith.mulf %parallel_loop3A_114, %parallel_loop3A_104 : vector<16xf32>
          %parallel_loop3A_116 = arith.mulf %parallel_loop3A_115, %parallel_loop3A_112 : vector<16xf32>
          %parallel_loop3A_117 = arith.mulf %parallel_loop3A_116, %parallel_loop3A_112 : vector<16xf32>
          %parallel_loop3A_118 = arith.constant 1.500000e+00 : f32
          %parallel_loop3A_119 = vector.broadcast %parallel_loop3A_118 : f32 to vector<16xf32>
          %parallel_loop3A_120 = arith.subf %parallel_loop3A_119, %parallel_loop3A_117 : vector<16xf32>
          %parallel_loop3A_121 = arith.mulf %parallel_loop3A_112, %parallel_loop3A_120 : vector<16xf32>
          %parallel_loop3A_122 = arith.constant 5.000000e-01 : f32
          %parallel_loop3A_123 = vector.broadcast %parallel_loop3A_122 : f32 to vector<16xf32>
          %parallel_loop3A_124 = arith.mulf %parallel_loop3A_123, %parallel_loop3A_104 : vector<16xf32>
          %parallel_loop3A_125 = arith.mulf %parallel_loop3A_124, %parallel_loop3A_121 : vector<16xf32>
          %parallel_loop3A_126 = arith.mulf %parallel_loop3A_125, %parallel_loop3A_121 : vector<16xf32>
          %parallel_loop3A_127 = arith.constant 1.500000e+00 : f32
          %parallel_loop3A_128 = vector.broadcast %parallel_loop3A_127 : f32 to vector<16xf32>
          %parallel_loop3A_129 = arith.subf %parallel_loop3A_128, %parallel_loop3A_126 : vector<16xf32>
          %parallel_loop3A_130 = arith.mulf %parallel_loop3A_121, %parallel_loop3A_129 : vector<16xf32>
          %parallel_loop3A_131 = arith.constant 5.000000e-01 : f32
          %parallel_loop3A_132 = vector.broadcast %parallel_loop3A_131 : f32 to vector<16xf32>
          %parallel_loop3A_133 = arith.mulf %parallel_loop3A_132, %parallel_loop3A_104 : vector<16xf32>
          %parallel_loop3A_134 = arith.mulf %parallel_loop3A_133, %parallel_loop3A_130 : vector<16xf32>
          %parallel_loop3A_135 = arith.mulf %parallel_loop3A_134, %parallel_loop3A_130 : vector<16xf32>
          %parallel_loop3A_136 = arith.constant 1.500000e+00 : f32
          %parallel_loop3A_137 = vector.broadcast %parallel_loop3A_136 : f32 to vector<16xf32>
          %parallel_loop3A_138 = arith.subf %parallel_loop3A_137, %parallel_loop3A_135 : vector<16xf32>
          %parallel_loop3A_139 = arith.mulf %parallel_loop3A_130, %parallel_loop3A_138 : vector<16xf32>
          %parallel_loop3A_140 = arith.constant 640 : i32
          %parallel_loop3A_141 = arith.muli %scan3A_35, %parallel_loop3A_140 : i32
          %parallel_loop3A_142 = arith.addi %parallel_loop3A_141, %parallel_loop3A_40 : i32
          %parallel_loop3A_143 = arith.index_cast %parallel_loop3A_142 : i32 to index
          %parallel_loop3A_144 = tpu.vector_load %arg7[%parallel_loop3A_143] {strides = array<i32>} : memref<5120xf32, #tpu.memory_space<vmem>>, vector<16xf32>,
          tpu.vector_store %arg7[%parallel_loop3A_143], %parallel_loop3A_139 {strides = array<i32>} : memref<5120xf32, #tpu.memory_space<vmem>>, vector<16xf32>,
        } {sc.loop_unroll_factor = 4 : i64, sc.parallel_access}
      }
      %scan3A_26 = arith.constant 8 : i32
      %run_scoped3A_27 = arith.constant 0 : i32
      "tpu.region"() ({
        %run_scoped3A_35 = tpu.sem_alloc : memref<!tpu.dma_semaphore, #tpu.memory_space<semaphore_mem>>
        %dma_start3A = arith.constant 0 : i32
        %dma_start3A_36 = tpu.memref_slice %arg7[%dma_start3A] : memref<5120xf32, #tpu.memory_space<vmem>> -> memref<640xf32, #tpu.memory_space<vmem>>
        %dma_start3A_37 = tpu.memref_slice %arg4[%run_scoped3A_27, %multiple_of3A] : memref<8x17408xf32, #tpu.memory_space<hbm>> -> memref<1x640xf32, #tpu.memory_space<hbm>>
        %dma_start3A_38 = tpu.memref_squeeze %dma_start3A_37 : memref<1x640xf32, #tpu.memory_space<hbm>> -> memref<640xf32, #tpu.memory_space<hbm>>
        %dma_start3A_39 = tpu.memref_slice %arg4[%run_scoped3A_27, %multiple_of3A] : memref<8x17408xf32, #tpu.memory_space<hbm>> -> memref<1x640xf32, #tpu.memory_space<hbm>>
        %dma_start3A_40 = tpu.memref_squeeze %dma_start3A_39 : memref<1x640xf32, #tpu.memory_space<hbm>> -> memref<640xf32, #tpu.memory_space<hbm>>
        %dma_start3A_41 = arith.constant 0 : i32
        %dma_start3A_42 = tpu.memref_slice %arg7[%dma_start3A_41] : memref<5120xf32, #tpu.memory_space<vmem>> -> memref<640xf32, #tpu.memory_space<vmem>>
        tpu.enqueue_dma source(%dma_start3A_42 : memref<640xf32, #tpu.memory_space<vmem>>) target(%dma_start3A_40 : memref<640xf32, #tpu.memory_space<hbm>>) target_semaphore(%run_scoped3A_35 : memref<!tpu.dma_semaphore, #tpu.memory_space<semaphore_mem>>)
        %dma_wait3A = arith.constant 0 : i32
        %dma_wait3A_43 = tpu.memref_slice %arg7[%dma_wait3A] : memref<5120xf32, #tpu.memory_space<vmem>> -> memref<640xf32, #tpu.memory_space<vmem>>
        %dma_wait3A_44 = tpu.memref_slice %arg4[%run_scoped3A_27, %multiple_of3A] : memref<8x17408xf32, #tpu.memory_space<hbm>> -> memref<1x640xf32, #tpu.memory_space<hbm>>
        %dma_wait3A_45 = tpu.memref_squeeze %dma_wait3A_44 : memref<1x640xf32, #tpu.memory_space<hbm>> -> memref<640xf32, #tpu.memory_space<hbm>>
        %dma_wait3A_46 = tpu.memref_slice %arg4[%run_scoped3A_27, %multiple_of3A] : memref<8x17408xf32, #tpu.memory_space<hbm>> -> memref<1x640xf32, #tpu.memory_space<hbm>>
        %dma_wait3A_47 = tpu.memref_squeeze %dma_wait3A_46 : memref<1x640xf32, #tpu.memory_space<hbm>> -> memref<640xf32, #tpu.memory_space<hbm>>
        %dma_wait3A_48 = arith.constant 0 : i32
        %dma_wait3A_49 = tpu.memref_slice %arg7[%dma_wait3A_48] : memref<5120xf32, #tpu.memory_space<vmem>> -> memref<640xf32, #tpu.memory_space<vmem>>
        tpu.wait_dma2 semaphore(%run_scoped3A_35 : memref<!tpu.dma_semaphore, #tpu.memory_space<semaphore_mem>>) src(%dma_wait3A_49 : memref<640xf32, #tpu.memory_space<vmem>>) dst(%dma_wait3A_47 : memref<640xf32, #tpu.memory_space<hbm>>)
        tpu.yield
      }) : () -> ()
      %run_scoped3A_28 = arith.constant 1 : i32
      "tpu.region"() ({
        %run_scoped3A_35 = tpu.sem_alloc : memref<!tpu.dma_semaphore, #tpu.memory_space<semaphore_mem>>
        %dma_start3A = arith.constant 640 : i32
        %dma_start3A_36 = tpu.memref_slice %arg7[%dma_start3A] : memref<5120xf32, #tpu.memory_space<vmem>> -> memref<640xf32, #tpu.memory_space<vmem>>
        %dma_start3A_37 = tpu.memref_slice %arg4[%run_scoped3A_28, %multiple_of3A] : memref<8x17408xf32, #tpu.memory_space<hbm>> -> memref<1x640xf32, #tpu.memory_space<hbm>>
        %dma_start3A_38 = tpu.memref_squeeze %dma_start3A_37 : memref<1x640xf32, #tpu.memory_space<hbm>> -> memref<640xf32, #tpu.memory_space<hbm>>
        %dma_start3A_39 = tpu.memref_slice %arg4[%run_scoped3A_28, %multiple_of3A] : memref<8x17408xf32, #tpu.memory_space<hbm>> -> memref<1x640xf32, #tpu.memory_space<hbm>>
        %dma_start3A_40 = tpu.memref_squeeze %dma_start3A_39 : memref<1x640xf32, #tpu.memory_space<hbm>> -> memref<640xf32, #tpu.memory_space<hbm>>
        %dma_start3A_41 = arith.constant 640 : i32
        %dma_start3A_42 = tpu.memref_slice %arg7[%dma_start3A_41] : memref<5120xf32, #tpu.memory_space<vmem>> -> memref<640xf32, #tpu.memory_space<vmem>>
        tpu.enqueue_dma source(%dma_start3A_42 : memref<640xf32, #tpu.memory_space<vmem>>) target(%dma_start3A_40 : memref<640xf32, #tpu.memory_space<hbm>>) target_semaphore(%run_scoped3A_35 : memref<!tpu.dma_semaphore, #tpu.memory_space<semaphore_mem>>)
        %dma_wait3A = arith.constant 640 : i32
        %dma_wait3A_43 = tpu.memref_slice %arg7[%dma_wait3A] : memref<5120xf32, #tpu.memory_space<vmem>> -> memref<640xf32, #tpu.memory_space<vmem>>
        %dma_wait3A_44 = tpu.memref_slice %arg4[%run_scoped3A_28, %multiple_of3A] : memref<8x17408xf32, #tpu.memory_space<hbm>> -> memref<1x640xf32, #tpu.memory_space<hbm>>
        %dma_wait3A_45 = tpu.memref_squeeze %dma_wait3A_44 : memref<1x640xf32, #tpu.memory_space<hbm>> -> memref<640xf32, #tpu.memory_space<hbm>>
        %dma_wait3A_46 = tpu.memref_slice %arg4[%run_scoped3A_28, %multiple_of3A] : memref<8x17408xf32, #tpu.memory_space<hbm>> -> memref<1x640xf32, #tpu.memory_space<hbm>>
        %dma_wait3A_47 = tpu.memref_squeeze %dma_wait3A_46 : memref<1x640xf32, #tpu.memory_space<hbm>> -> memref<640xf32, #tpu.memory_space<hbm>>
        %dma_wait3A_48 = arith.constant 640 : i32
        %dma_wait3A_49 = tpu.memref_slice %arg7[%dma_wait3A_48] : memref<5120xf32, #tpu.memory_space<vmem>> -> memref<640xf32, #tpu.memory_space<vmem>>
        tpu.wait_dma2 semaphore(%run_scoped3A_35 : memref<!tpu.dma_semaphore, #tpu.memory_space<semaphore_mem>>) src(%dma_wait3A_49 : memref<640xf32, #tpu.memory_space<vmem>>) dst(%dma_wait3A_47 : memref<640xf32, #tpu.memory_space<hbm>>)
        tpu.yield
      }) : () -> ()
      %run_scoped3A_29 = arith.constant 2 : i32
      "tpu.region"() ({
        %run_scoped3A_35 = tpu.sem_alloc : memref<!tpu.dma_semaphore, #tpu.memory_space<semaphore_mem>>
        %dma_start3A = arith.constant 1280 : i32
        %dma_start3A_36 = tpu.memref_slice %arg7[%dma_start3A] : memref<5120xf32, #tpu.memory_space<vmem>> -> memref<640xf32, #tpu.memory_space<vmem>>
        %dma_start3A_37 = tpu.memref_slice %arg4[%run_scoped3A_29, %multiple_of3A] : memref<8x17408xf32, #tpu.memory_space<hbm>> -> memref<1x640xf32, #tpu.memory_space<hbm>>
        %dma_start3A_38 = tpu.memref_squeeze %dma_start3A_37 : memref<1x640xf32, #tpu.memory_space<hbm>> -> memref<640xf32, #tpu.memory_space<hbm>>
        %dma_start3A_39 = tpu.memref_slice %arg4[%run_scoped3A_29, %multiple_of3A] : memref<8x17408xf32, #tpu.memory_space<hbm>> -> memref<1x640xf32, #tpu.memory_space<hbm>>
        %dma_start3A_40 = tpu.memref_squeeze %dma_start3A_39 : memref<1x640xf32, #tpu.memory_space<hbm>> -> memref<640xf32, #tpu.memory_space<hbm>>
        %dma_start3A_41 = arith.constant 1280 : i32
        %dma_start3A_42 = tpu.memref_slice %arg7[%dma_start3A_41] : memref<5120xf32, #tpu.memory_space<vmem>> -> memref<640xf32, #tpu.memory_space<vmem>>
        tpu.enqueue_dma source(%dma_start3A_42 : memref<640xf32, #tpu.memory_space<vmem>>) target(%dma_start3A_40 : memref<640xf32, #tpu.memory_space<hbm>>) target_semaphore(%run_scoped3A_35 : memref<!tpu.dma_semaphore, #tpu.memory_space<semaphore_mem>>)
        %dma_wait3A = arith.constant 1280 : i32
        %dma_wait3A_43 = tpu.memref_slice %arg7[%dma_wait3A] : memref<5120xf32, #tpu.memory_space<vmem>> -> memref<640xf32, #tpu.memory_space<vmem>>
        %dma_wait3A_44 = tpu.memref_slice %arg4[%run_scoped3A_29, %multiple_of3A] : memref<8x17408xf32, #tpu.memory_space<hbm>> -> memref<1x640xf32, #tpu.memory_space<hbm>>
        %dma_wait3A_45 = tpu.memref_squeeze %dma_wait3A_44 : memref<1x640xf32, #tpu.memory_space<hbm>> -> memref<640xf32, #tpu.memory_space<hbm>>
        %dma_wait3A_46 = tpu.memref_slice %arg4[%run_scoped3A_29, %multiple_of3A] : memref<8x17408xf32, #tpu.memory_space<hbm>> -> memref<1x640xf32, #tpu.memory_space<hbm>>
        %dma_wait3A_47 = tpu.memref_squeeze %dma_wait3A_46 : memref<1x640xf32, #tpu.memory_space<hbm>> -> memref<640xf32, #tpu.memory_space<hbm>>
        %dma_wait3A_48 = arith.constant 1280 : i32
        %dma_wait3A_49 = tpu.memref_slice %arg7[%dma_wait3A_48] : memref<5120xf32, #tpu.memory_space<vmem>> -> memref<640xf32, #tpu.memory_space<vmem>>
        tpu.wait_dma2 semaphore(%run_scoped3A_35 : memref<!tpu.dma_semaphore, #tpu.memory_space<semaphore_mem>>) src(%dma_wait3A_49 : memref<640xf32, #tpu.memory_space<vmem>>) dst(%dma_wait3A_47 : memref<640xf32, #tpu.memory_space<hbm>>)
        tpu.yield
      }) : () -> ()
      %run_scoped3A_30 = arith.constant 3 : i32
      "tpu.region"() ({
        %run_scoped3A_35 = tpu.sem_alloc : memref<!tpu.dma_semaphore, #tpu.memory_space<semaphore_mem>>
        %dma_start3A = arith.constant 1920 : i32
        %dma_start3A_36 = tpu.memref_slice %arg7[%dma_start3A] : memref<5120xf32, #tpu.memory_space<vmem>> -> memref<640xf32, #tpu.memory_space<vmem>>
        %dma_start3A_37 = tpu.memref_slice %arg4[%run_scoped3A_30, %multiple_of3A] : memref<8x17408xf32, #tpu.memory_space<hbm>> -> memref<1x640xf32, #tpu.memory_space<hbm>>
        %dma_start3A_38 = tpu.memref_squeeze %dma_start3A_37 : memref<1x640xf32, #tpu.memory_space<hbm>> -> memref<640xf32, #tpu.memory_space<hbm>>
        %dma_start3A_39 = tpu.memref_slice %arg4[%run_scoped3A_30, %multiple_of3A] : memref<8x17408xf32, #tpu.memory_space<hbm>> -> memref<1x640xf32, #tpu.memory_space<hbm>>
        %dma_start3A_40 = tpu.memref_squeeze %dma_start3A_39 : memref<1x640xf32, #tpu.memory_space<hbm>> -> memref<640xf32, #tpu.memory_space<hbm>>
        %dma_start3A_41 = arith.constant 1920 : i32
        %dma_start3A_42 = tpu.memref_slice %arg7[%dma_start3A_41] : memref<5120xf32, #tpu.memory_space<vmem>> -> memref<640xf32, #tpu.memory_space<vmem>>
        tpu.enqueue_dma source(%dma_start3A_42 : memref<640xf32, #tpu.memory_space<vmem>>) target(%dma_start3A_40 : memref<640xf32, #tpu.memory_space<hbm>>) target_semaphore(%run_scoped3A_35 : memref<!tpu.dma_semaphore, #tpu.memory_space<semaphore_mem>>)
        %dma_wait3A = arith.constant 1920 : i32
        %dma_wait3A_43 = tpu.memref_slice %arg7[%dma_wait3A] : memref<5120xf32, #tpu.memory_space<vmem>> -> memref<640xf32, #tpu.memory_space<vmem>>
        %dma_wait3A_44 = tpu.memref_slice %arg4[%run_scoped3A_30, %multiple_of3A] : memref<8x17408xf32, #tpu.memory_space<hbm>> -> memref<1x640xf32, #tpu.memory_space<hbm>>
        %dma_wait3A_45 = tpu.memref_squeeze %dma_wait3A_44 : memref<1x640xf32, #tpu.memory_space<hbm>> -> memref<640xf32, #tpu.memory_space<hbm>>
        %dma_wait3A_46 = tpu.memref_slice %arg4[%run_scoped3A_30, %multiple_of3A] : memref<8x17408xf32, #tpu.memory_space<hbm>> -> memref<1x640xf32, #tpu.memory_space<hbm>>
        %dma_wait3A_47 = tpu.memref_squeeze %dma_wait3A_46 : memref<1x640xf32, #tpu.memory_space<hbm>> -> memref<640xf32, #tpu.memory_space<hbm>>
        %dma_wait3A_48 = arith.constant 1920 : i32
        %dma_wait3A_49 = tpu.memref_slice %arg7[%dma_wait3A_48] : memref<5120xf32, #tpu.memory_space<vmem>> -> memref<640xf32, #tpu.memory_space<vmem>>
        tpu.wait_dma2 semaphore(%run_scoped3A_35 : memref<!tpu.dma_semaphore, #tpu.memory_space<semaphore_mem>>) src(%dma_wait3A_49 : memref<640xf32, #tpu.memory_space<vmem>>) dst(%dma_wait3A_47 : memref<640xf32, #tpu.memory_space<hbm>>)
        tpu.yield
      }) : () -> ()
      %run_scoped3A_31 = arith.constant 4 : i32
      "tpu.region"() ({
        %run_scoped3A_35 = tpu.sem_alloc : memref<!tpu.dma_semaphore, #tpu.memory_space<semaphore_mem>>
        %dma_start3A = arith.constant 2560 : i32
        %dma_start3A_36 = tpu.memref_slice %arg7[%dma_start3A] : memref<5120xf32, #tpu.memory_space<vmem>> -> memref<640xf32, #tpu.memory_space<vmem>>
        %dma_start3A_37 = tpu.memref_slice %arg4[%run_scoped3A_31, %multiple_of3A] : memref<8x17408xf32, #tpu.memory_space<hbm>> -> memref<1x640xf32, #tpu.memory_space<hbm>>
        %dma_start3A_38 = tpu.memref_squeeze %dma_start3A_37 : memref<1x640xf32, #tpu.memory_space<hbm>> -> memref<640xf32, #tpu.memory_space<hbm>>
        %dma_start3A_39 = tpu.memref_slice %arg4[%run_scoped3A_31, %multiple_of3A] : memref<8x17408xf32, #tpu.memory_space<hbm>> -> memref<1x640xf32, #tpu.memory_space<hbm>>
        %dma_start3A_40 = tpu.memref_squeeze %dma_start3A_39 : memref<1x640xf32, #tpu.memory_space<hbm>> -> memref<640xf32, #tpu.memory_space<hbm>>
        %dma_start3A_41 = arith.constant 2560 : i32
        %dma_start3A_42 = tpu.memref_slice %arg7[%dma_start3A_41] : memref<5120xf32, #tpu.memory_space<vmem>> -> memref<640xf32, #tpu.memory_space<vmem>>
        tpu.enqueue_dma source(%dma_start3A_42 : memref<640xf32, #tpu.memory_space<vmem>>) target(%dma_start3A_40 : memref<640xf32, #tpu.memory_space<hbm>>) target_semaphore(%run_scoped3A_35 : memref<!tpu.dma_semaphore, #tpu.memory_space<semaphore_mem>>)
        %dma_wait3A = arith.constant 2560 : i32
        %dma_wait3A_43 = tpu.memref_slice %arg7[%dma_wait3A] : memref<5120xf32, #tpu.memory_space<vmem>> -> memref<640xf32, #tpu.memory_space<vmem>>
        %dma_wait3A_44 = tpu.memref_slice %arg4[%run_scoped3A_31, %multiple_of3A] : memref<8x17408xf32, #tpu.memory_space<hbm>> -> memref<1x640xf32, #tpu.memory_space<hbm>>
        %dma_wait3A_45 = tpu.memref_squeeze %dma_wait3A_44 : memref<1x640xf32, #tpu.memory_space<hbm>> -> memref<640xf32, #tpu.memory_space<hbm>>
        %dma_wait3A_46 = tpu.memref_slice %arg4[%run_scoped3A_31, %multiple_of3A] : memref<8x17408xf32, #tpu.memory_space<hbm>> -> memref<1x640xf32, #tpu.memory_space<hbm>>
        %dma_wait3A_47 = tpu.memref_squeeze %dma_wait3A_46 : memref<1x640xf32, #tpu.memory_space<hbm>> -> memref<640xf32, #tpu.memory_space<hbm>>
        %dma_wait3A_48 = arith.constant 2560 : i32
        %dma_wait3A_49 = tpu.memref_slice %arg7[%dma_wait3A_48] : memref<5120xf32, #tpu.memory_space<vmem>> -> memref<640xf32, #tpu.memory_space<vmem>>
        tpu.wait_dma2 semaphore(%run_scoped3A_35 : memref<!tpu.dma_semaphore, #tpu.memory_space<semaphore_mem>>) src(%dma_wait3A_49 : memref<640xf32, #tpu.memory_space<vmem>>) dst(%dma_wait3A_47 : memref<640xf32, #tpu.memory_space<hbm>>)
        tpu.yield
      }) : () -> ()
      %run_scoped3A_32 = arith.constant 5 : i32
      "tpu.region"() ({
        %run_scoped3A_35 = tpu.sem_alloc : memref<!tpu.dma_semaphore, #tpu.memory_space<semaphore_mem>>
        %dma_start3A = arith.constant 3200 : i32
        %dma_start3A_36 = tpu.memref_slice %arg7[%dma_start3A] : memref<5120xf32, #tpu.memory_space<vmem>> -> memref<640xf32, #tpu.memory_space<vmem>>
        %dma_start3A_37 = tpu.memref_slice %arg4[%run_scoped3A_32, %multiple_of3A] : memref<8x17408xf32, #tpu.memory_space<hbm>> -> memref<1x640xf32, #tpu.memory_space<hbm>>
        %dma_start3A_38 = tpu.memref_squeeze %dma_start3A_37 : memref<1x640xf32, #tpu.memory_space<hbm>> -> memref<640xf32, #tpu.memory_space<hbm>>
        %dma_start3A_39 = tpu.memref_slice %arg4[%run_scoped3A_32, %multiple_of3A] : memref<8x17408xf32, #tpu.memory_space<hbm>> -> memref<1x640xf32, #tpu.memory_space<hbm>>
        %dma_start3A_40 = tpu.memref_squeeze %dma_start3A_39 : memref<1x640xf32, #tpu.memory_space<hbm>> -> memref<640xf32, #tpu.memory_space<hbm>>
        %dma_start3A_41 = arith.constant 3200 : i32
        %dma_start3A_42 = tpu.memref_slice %arg7[%dma_start3A_41] : memref<5120xf32, #tpu.memory_space<vmem>> -> memref<640xf32, #tpu.memory_space<vmem>>
        tpu.enqueue_dma source(%dma_start3A_42 : memref<640xf32, #tpu.memory_space<vmem>>) target(%dma_start3A_40 : memref<640xf32, #tpu.memory_space<hbm>>) target_semaphore(%run_scoped3A_35 : memref<!tpu.dma_semaphore, #tpu.memory_space<semaphore_mem>>)
        %dma_wait3A = arith.constant 3200 : i32
        %dma_wait3A_43 = tpu.memref_slice %arg7[%dma_wait3A] : memref<5120xf32, #tpu.memory_space<vmem>> -> memref<640xf32, #tpu.memory_space<vmem>>
        %dma_wait3A_44 = tpu.memref_slice %arg4[%run_scoped3A_32, %multiple_of3A] : memref<8x17408xf32, #tpu.memory_space<hbm>> -> memref<1x640xf32, #tpu.memory_space<hbm>>
        %dma_wait3A_45 = tpu.memref_squeeze %dma_wait3A_44 : memref<1x640xf32, #tpu.memory_space<hbm>> -> memref<640xf32, #tpu.memory_space<hbm>>
        %dma_wait3A_46 = tpu.memref_slice %arg4[%run_scoped3A_32, %multiple_of3A] : memref<8x17408xf32, #tpu.memory_space<hbm>> -> memref<1x640xf32, #tpu.memory_space<hbm>>
        %dma_wait3A_47 = tpu.memref_squeeze %dma_wait3A_46 : memref<1x640xf32, #tpu.memory_space<hbm>> -> memref<640xf32, #tpu.memory_space<hbm>>
        %dma_wait3A_48 = arith.constant 3200 : i32
        %dma_wait3A_49 = tpu.memref_slice %arg7[%dma_wait3A_48] : memref<5120xf32, #tpu.memory_space<vmem>> -> memref<640xf32, #tpu.memory_space<vmem>>
        tpu.wait_dma2 semaphore(%run_scoped3A_35 : memref<!tpu.dma_semaphore, #tpu.memory_space<semaphore_mem>>) src(%dma_wait3A_49 : memref<640xf32, #tpu.memory_space<vmem>>) dst(%dma_wait3A_47 : memref<640xf32, #tpu.memory_space<hbm>>)
        tpu.yield
      }) : () -> ()
      %run_scoped3A_33 = arith.constant 6 : i32
      "tpu.region"() ({
        %run_scoped3A_35 = tpu.sem_alloc : memref<!tpu.dma_semaphore, #tpu.memory_space<semaphore_mem>>
        %dma_start3A = arith.constant 3840 : i32
        %dma_start3A_36 = tpu.memref_slice %arg7[%dma_start3A] : memref<5120xf32, #tpu.memory_space<vmem>> -> memref<640xf32, #tpu.memory_space<vmem>>
        %dma_start3A_37 = tpu.memref_slice %arg4[%run_scoped3A_33, %multiple_of3A] : memref<8x17408xf32, #tpu.memory_space<hbm>> -> memref<1x640xf32, #tpu.memory_space<hbm>>
        %dma_start3A_38 = tpu.memref_squeeze %dma_start3A_37 : memref<1x640xf32, #tpu.memory_space<hbm>> -> memref<640xf32, #tpu.memory_space<hbm>>
        %dma_start3A_39 = tpu.memref_slice %arg4[%run_scoped3A_33, %multiple_of3A] : memref<8x17408xf32, #tpu.memory_space<hbm>> -> memref<1x640xf32, #tpu.memory_space<hbm>>
        %dma_start3A_40 = tpu.memref_squeeze %dma_start3A_39 : memref<1x640xf32, #tpu.memory_space<hbm>> -> memref<640xf32, #tpu.memory_space<hbm>>
        %dma_start3A_41 = arith.constant 3840 : i32
        %dma_start3A_42 = tpu.memref_slice %arg7[%dma_start3A_41] : memref<5120xf32, #tpu.memory_space<vmem>> -> memref<640xf32, #tpu.memory_space<vmem>>
        tpu.enqueue_dma source(%dma_start3A_42 : memref<640xf32, #tpu.memory_space<vmem>>) target(%dma_start3A_40 : memref<640xf32, #tpu.memory_space<hbm>>) target_semaphore(%run_scoped3A_35 : memref<!tpu.dma_semaphore, #tpu.memory_space<semaphore_mem>>)
        %dma_wait3A = arith.constant 3840 : i32
        %dma_wait3A_43 = tpu.memref_slice %arg7[%dma_wait3A] : memref<5120xf32, #tpu.memory_space<vmem>> -> memref<640xf32, #tpu.memory_space<vmem>>
        %dma_wait3A_44 = tpu.memref_slice %arg4[%run_scoped3A_33, %multiple_of3A] : memref<8x17408xf32, #tpu.memory_space<hbm>> -> memref<1x640xf32, #tpu.memory_space<hbm>>
        %dma_wait3A_45 = tpu.memref_squeeze %dma_wait3A_44 : memref<1x640xf32, #tpu.memory_space<hbm>> -> memref<640xf32, #tpu.memory_space<hbm>>
        %dma_wait3A_46 = tpu.memref_slice %arg4[%run_scoped3A_33, %multiple_of3A] : memref<8x17408xf32, #tpu.memory_space<hbm>> -> memref<1x640xf32, #tpu.memory_space<hbm>>
        %dma_wait3A_47 = tpu.memref_squeeze %dma_wait3A_46 : memref<1x640xf32, #tpu.memory_space<hbm>> -> memref<640xf32, #tpu.memory_space<hbm>>
        %dma_wait3A_48 = arith.constant 3840 : i32
        %dma_wait3A_49 = tpu.memref_slice %arg7[%dma_wait3A_48] : memref<5120xf32, #tpu.memory_space<vmem>> -> memref<640xf32, #tpu.memory_space<vmem>>
        tpu.wait_dma2 semaphore(%run_scoped3A_35 : memref<!tpu.dma_semaphore, #tpu.memory_space<semaphore_mem>>) src(%dma_wait3A_49 : memref<640xf32, #tpu.memory_space<vmem>>) dst(%dma_wait3A_47 : memref<640xf32, #tpu.memory_space<hbm>>)
        tpu.yield
      }) : () -> ()
      %run_scoped3A_34 = arith.constant 7 : i32
      "tpu.region"() ({
        %run_scoped3A_35 = tpu.sem_alloc : memref<!tpu.dma_semaphore, #tpu.memory_space<semaphore_mem>>
        %dma_start3A = arith.constant 4480 : i32
        %dma_start3A_36 = tpu.memref_slice %arg7[%dma_start3A] : memref<5120xf32, #tpu.memory_space<vmem>> -> memref<640xf32, #tpu.memory_space<vmem>>
        %dma_start3A_37 = tpu.memref_slice %arg4[%run_scoped3A_34, %multiple_of3A] : memref<8x17408xf32, #tpu.memory_space<hbm>> -> memref<1x640xf32, #tpu.memory_space<hbm>>
        %dma_start3A_38 = tpu.memref_squeeze %dma_start3A_37 : memref<1x640xf32, #tpu.memory_space<hbm>> -> memref<640xf32, #tpu.memory_space<hbm>>
        %dma_start3A_39 = tpu.memref_slice %arg4[%run_scoped3A_34, %multiple_of3A] : memref<8x17408xf32, #tpu.memory_space<hbm>> -> memref<1x640xf32, #tpu.memory_space<hbm>>
        %dma_start3A_40 = tpu.memref_squeeze %dma_start3A_39 : memref<1x640xf32, #tpu.memory_space<hbm>> -> memref<640xf32, #tpu.memory_space<hbm>>
        %dma_start3A_41 = arith.constant 4480 : i32
        %dma_start3A_42 = tpu.memref_slice %arg7[%dma_start3A_41] : memref<5120xf32, #tpu.memory_space<vmem>> -> memref<640xf32, #tpu.memory_space<vmem>>
        tpu.enqueue_dma source(%dma_start3A_42 : memref<640xf32, #tpu.memory_space<vmem>>) target(%dma_start3A_40 : memref<640xf32, #tpu.memory_space<hbm>>) target_semaphore(%run_scoped3A_35 : memref<!tpu.dma_semaphore, #tpu.memory_space<semaphore_mem>>)
        %dma_wait3A = arith.constant 4480 : i32
        %dma_wait3A_43 = tpu.memref_slice %arg7[%dma_wait3A] : memref<5120xf32, #tpu.memory_space<vmem>> -> memref<640xf32, #tpu.memory_space<vmem>>
        %dma_wait3A_44 = tpu.memref_slice %arg4[%run_scoped3A_34, %multiple_of3A] : memref<8x17408xf32, #tpu.memory_space<hbm>> -> memref<1x640xf32, #tpu.memory_space<hbm>>
        %dma_wait3A_45 = tpu.memref_squeeze %dma_wait3A_44 : memref<1x640xf32, #tpu.memory_space<hbm>> -> memref<640xf32, #tpu.memory_space<hbm>>
        %dma_wait3A_46 = tpu.memref_slice %arg4[%run_scoped3A_34, %multiple_of3A] : memref<8x17408xf32, #tpu.memory_space<hbm>> -> memref<1x640xf32, #tpu.memory_space<hbm>>
        %dma_wait3A_47 = tpu.memref_squeeze %dma_wait3A_46 : memref<1x640xf32, #tpu.memory_space<hbm>> -> memref<640xf32, #tpu.memory_space<hbm>>
        %dma_wait3A_48 = arith.constant 4480 : i32
        %dma_wait3A_49 = tpu.memref_slice %arg7[%dma_wait3A_48] : memref<5120xf32, #tpu.memory_space<vmem>> -> memref<640xf32, #tpu.memory_space<vmem>>
        tpu.wait_dma2 semaphore(%run_scoped3A_35 : memref<!tpu.dma_semaphore, #tpu.memory_space<semaphore_mem>>) src(%dma_wait3A_49 : memref<640xf32, #tpu.memory_space<vmem>>) dst(%dma_wait3A_47 : memref<640xf32, #tpu.memory_space<hbm>>)
        tpu.yield
      }) : () -> ()
    } else {
    }
    %ge3A = arith.constant 4 : i32
    %ge3A_3 = arith.cmpi sge, %add3A, %ge3A : i32
    %convert_element_type3A_4 = arith.extui %ge3A_3 : i1 to i32
    %cond3A_5 = arith.constant 0 : i32
    %cond3A_6 = arith.cmpi ne, %convert_element_type3A_4, %cond3A_5 : i32
    scf.if %cond3A_6 {
      %sub3A = arith.constant 4 : i32
      %sub3A_7 = arith.subi %add3A, %sub3A : i32
      %mul3A_8 = arith.constant 512 : i32
      %mul3A_9 = arith.muli %sub3A_7, %mul3A_8 : i32
      %add3A_10 = arith.constant 2560 : i32
      %add3A_11 = arith.addi %add3A_10, %mul3A_9 : i32
      %multiple_of3A = tpu.assume_multiple %add3A_11, 128 : i32
      %run_scoped3A = arith.constant 0 : i32
      "tpu.region"() ({
        %run_scoped3A_38 = tpu.sem_alloc : memref<!tpu.dma_semaphore, #tpu.memory_space<semaphore_mem>>
        %dma_start3A = arith.constant 0 : i32
        %dma_start3A_39 = tpu.memref_slice %arg5[%dma_start3A] : memref<3840xf32, #tpu.memory_space<vmem>> -> memref<512xf32, #tpu.memory_space<vmem>>
        %dma_start3A_40 = tpu.memref_slice %arg2[%run_scoped3A, %multiple_of3A] : memref<8x17408xf32, #tpu.memory_space<hbm>> -> memref<1x512xf32, #tpu.memory_space<hbm>>
        %dma_start3A_41 = tpu.memref_squeeze %dma_start3A_40 : memref<1x512xf32, #tpu.memory_space<hbm>> -> memref<512xf32, #tpu.memory_space<hbm>>
        %dma_start3A_42 = arith.constant 0 : i32
        %dma_start3A_43 = tpu.memref_slice %arg5[%dma_start3A_42] : memref<3840xf32, #tpu.memory_space<vmem>> -> memref<512xf32, #tpu.memory_space<vmem>>
        %dma_start3A_44 = tpu.memref_slice %arg2[%run_scoped3A, %multiple_of3A] : memref<8x17408xf32, #tpu.memory_space<hbm>> -> memref<1x512xf32, #tpu.memory_space<hbm>>
        %dma_start3A_45 = tpu.memref_squeeze %dma_start3A_44 : memref<1x512xf32, #tpu.memory_space<hbm>> -> memref<512xf32, #tpu.memory_space<hbm>>
        tpu.enqueue_dma source(%dma_start3A_45 : memref<512xf32, #tpu.memory_space<hbm>>) target(%dma_start3A_43 : memref<512xf32, #tpu.memory_space<vmem>>) target_semaphore(%run_scoped3A_38 : memref<!tpu.dma_semaphore, #tpu.memory_space<semaphore_mem>>)
        %dma_wait3A = arith.constant 0 : i32
        %dma_wait3A_46 = tpu.memref_slice %arg5[%dma_wait3A] : memref<3840xf32, #tpu.memory_space<vmem>> -> memref<512xf32, #tpu.memory_space<vmem>>
        %dma_wait3A_47 = tpu.memref_slice %arg2[%run_scoped3A, %multiple_of3A] : memref<8x17408xf32, #tpu.memory_space<hbm>> -> memref<1x512xf32, #tpu.memory_space<hbm>>
        %dma_wait3A_48 = tpu.memref_squeeze %dma_wait3A_47 : memref<1x512xf32, #tpu.memory_space<hbm>> -> memref<512xf32, #tpu.memory_space<hbm>>
        %dma_wait3A_49 = arith.constant 0 : i32
        %dma_wait3A_50 = tpu.memref_slice %arg5[%dma_wait3A_49] : memref<3840xf32, #tpu.memory_space<vmem>> -> memref<512xf32, #tpu.memory_space<vmem>>
        %dma_wait3A_51 = tpu.memref_slice %arg2[%run_scoped3A, %multiple_of3A] : memref<8x17408xf32, #tpu.memory_space<hbm>> -> memref<1x512xf32, #tpu.memory_space<hbm>>
        %dma_wait3A_52 = tpu.memref_squeeze %dma_wait3A_51 : memref<1x512xf32, #tpu.memory_space<hbm>> -> memref<512xf32, #tpu.memory_space<hbm>>
        tpu.wait_dma2 semaphore(%run_scoped3A_38 : memref<!tpu.dma_semaphore, #tpu.memory_space<semaphore_mem>>) src(%dma_wait3A_52 : memref<512xf32, #tpu.memory_space<hbm>>) dst(%dma_wait3A_50 : memref<512xf32, #tpu.memory_space<vmem>>)
        tpu.yield
      }) : () -> ()
      %run_scoped3A_12 = arith.constant 1 : i32
      "tpu.region"() ({
        %run_scoped3A_38 = tpu.sem_alloc : memref<!tpu.dma_semaphore, #tpu.memory_space<semaphore_mem>>
        %dma_start3A = arith.constant 640 : i32
        %dma_start3A_39 = tpu.memref_slice %arg5[%dma_start3A] : memref<3840xf32, #tpu.memory_space<vmem>> -> memref<512xf32, #tpu.memory_space<vmem>>
        %dma_start3A_40 = tpu.memref_slice %arg2[%run_scoped3A_12, %multiple_of3A] : memref<8x17408xf32, #tpu.memory_space<hbm>> -> memref<1x512xf32, #tpu.memory_space<hbm>>
        %dma_start3A_41 = tpu.memref_squeeze %dma_start3A_40 : memref<1x512xf32, #tpu.memory_space<hbm>> -> memref<512xf32, #tpu.memory_space<hbm>>
        %dma_start3A_42 = arith.constant 640 : i32
        %dma_start3A_43 = tpu.memref_slice %arg5[%dma_start3A_42] : memref<3840xf32, #tpu.memory_space<vmem>> -> memref<512xf32, #tpu.memory_space<vmem>>
        %dma_start3A_44 = tpu.memref_slice %arg2[%run_scoped3A_12, %multiple_of3A] : memref<8x17408xf32, #tpu.memory_space<hbm>> -> memref<1x512xf32, #tpu.memory_space<hbm>>
        %dma_start3A_45 = tpu.memref_squeeze %dma_start3A_44 : memref<1x512xf32, #tpu.memory_space<hbm>> -> memref<512xf32, #tpu.memory_space<hbm>>
        tpu.enqueue_dma source(%dma_start3A_45 : memref<512xf32, #tpu.memory_space<hbm>>) target(%dma_start3A_43 : memref<512xf32, #tpu.memory_space<vmem>>) target_semaphore(%run_scoped3A_38 : memref<!tpu.dma_semaphore, #tpu.memory_space<semaphore_mem>>)
        %dma_wait3A = arith.constant 640 : i32
        %dma_wait3A_46 = tpu.memref_slice %arg5[%dma_wait3A] : memref<3840xf32, #tpu.memory_space<vmem>> -> memref<512xf32, #tpu.memory_space<vmem>>
        %dma_wait3A_47 = tpu.memref_slice %arg2[%run_scoped3A_12, %multiple_of3A] : memref<8x17408xf32, #tpu.memory_space<hbm>> -> memref<1x512xf32, #tpu.memory_space<hbm>>
        %dma_wait3A_48 = tpu.memref_squeeze %dma_wait3A_47 : memref<1x512xf32, #tpu.memory_space<hbm>> -> memref<512xf32, #tpu.memory_space<hbm>>
        %dma_wait3A_49 = arith.constant 640 : i32
        %dma_wait3A_50 = tpu.memref_slice %arg5[%dma_wait3A_49] : memref<3840xf32, #tpu.memory_space<vmem>> -> memref<512xf32, #tpu.memory_space<vmem>>
        %dma_wait3A_51 = tpu.memref_slice %arg2[%run_scoped3A_12, %multiple_of3A] : memref<8x17408xf32, #tpu.memory_space<hbm>> -> memref<1x512xf32, #tpu.memory_space<hbm>>
        %dma_wait3A_52 = tpu.memref_squeeze %dma_wait3A_51 : memref<1x512xf32, #tpu.memory_space<hbm>> -> memref<512xf32, #tpu.memory_space<hbm>>
        tpu.wait_dma2 semaphore(%run_scoped3A_38 : memref<!tpu.dma_semaphore, #tpu.memory_space<semaphore_mem>>) src(%dma_wait3A_52 : memref<512xf32, #tpu.memory_space<hbm>>) dst(%dma_wait3A_50 : memref<512xf32, #tpu.memory_space<vmem>>)
        tpu.yield
      }) : () -> ()
      %run_scoped3A_13 = arith.constant 2 : i32
      "tpu.region"() ({
        %run_scoped3A_38 = tpu.sem_alloc : memref<!tpu.dma_semaphore, #tpu.memory_space<semaphore_mem>>
        %dma_start3A = arith.constant 1280 : i32
        %dma_start3A_39 = tpu.memref_slice %arg5[%dma_start3A] : memref<3840xf32, #tpu.memory_space<vmem>> -> memref<512xf32, #tpu.memory_space<vmem>>
        %dma_start3A_40 = tpu.memref_slice %arg2[%run_scoped3A_13, %multiple_of3A] : memref<8x17408xf32, #tpu.memory_space<hbm>> -> memref<1x512xf32, #tpu.memory_space<hbm>>
        %dma_start3A_41 = tpu.memref_squeeze %dma_start3A_40 : memref<1x512xf32, #tpu.memory_space<hbm>> -> memref<512xf32, #tpu.memory_space<hbm>>
        %dma_start3A_42 = arith.constant 1280 : i32
        %dma_start3A_43 = tpu.memref_slice %arg5[%dma_start3A_42] : memref<3840xf32, #tpu.memory_space<vmem>> -> memref<512xf32, #tpu.memory_space<vmem>>
        %dma_start3A_44 = tpu.memref_slice %arg2[%run_scoped3A_13, %multiple_of3A] : memref<8x17408xf32, #tpu.memory_space<hbm>> -> memref<1x512xf32, #tpu.memory_space<hbm>>
        %dma_start3A_45 = tpu.memref_squeeze %dma_start3A_44 : memref<1x512xf32, #tpu.memory_space<hbm>> -> memref<512xf32, #tpu.memory_space<hbm>>
        tpu.enqueue_dma source(%dma_start3A_45 : memref<512xf32, #tpu.memory_space<hbm>>) target(%dma_start3A_43 : memref<512xf32, #tpu.memory_space<vmem>>) target_semaphore(%run_scoped3A_38 : memref<!tpu.dma_semaphore, #tpu.memory_space<semaphore_mem>>)
        %dma_wait3A = arith.constant 1280 : i32
        %dma_wait3A_46 = tpu.memref_slice %arg5[%dma_wait3A] : memref<3840xf32, #tpu.memory_space<vmem>> -> memref<512xf32, #tpu.memory_space<vmem>>
        %dma_wait3A_47 = tpu.memref_slice %arg2[%run_scoped3A_13, %multiple_of3A] : memref<8x17408xf32, #tpu.memory_space<hbm>> -> memref<1x512xf32, #tpu.memory_space<hbm>>
        %dma_wait3A_48 = tpu.memref_squeeze %dma_wait3A_47 : memref<1x512xf32, #tpu.memory_space<hbm>> -> memref<512xf32, #tpu.memory_space<hbm>>
        %dma_wait3A_49 = arith.constant 1280 : i32
        %dma_wait3A_50 = tpu.memref_slice %arg5[%dma_wait3A_49] : memref<3840xf32, #tpu.memory_space<vmem>> -> memref<512xf32, #tpu.memory_space<vmem>>
        %dma_wait3A_51 = tpu.memref_slice %arg2[%run_scoped3A_13, %multiple_of3A] : memref<8x17408xf32, #tpu.memory_space<hbm>> -> memref<1x512xf32, #tpu.memory_space<hbm>>
        %dma_wait3A_52 = tpu.memref_squeeze %dma_wait3A_51 : memref<1x512xf32, #tpu.memory_space<hbm>> -> memref<512xf32, #tpu.memory_space<hbm>>
        tpu.wait_dma2 semaphore(%run_scoped3A_38 : memref<!tpu.dma_semaphore, #tpu.memory_space<semaphore_mem>>) src(%dma_wait3A_52 : memref<512xf32, #tpu.memory_space<hbm>>) dst(%dma_wait3A_50 : memref<512xf32, #tpu.memory_space<vmem>>)
        tpu.yield
      }) : () -> ()
      %run_scoped3A_14 = arith.constant 3 : i32
      "tpu.region"() ({
        %run_scoped3A_38 = tpu.sem_alloc : memref<!tpu.dma_semaphore, #tpu.memory_space<semaphore_mem>>
        %dma_start3A = arith.constant 1920 : i32
        %dma_start3A_39 = tpu.memref_slice %arg5[%dma_start3A] : memref<3840xf32, #tpu.memory_space<vmem>> -> memref<512xf32, #tpu.memory_space<vmem>>
        %dma_start3A_40 = tpu.memref_slice %arg2[%run_scoped3A_14, %multiple_of3A] : memref<8x17408xf32, #tpu.memory_space<hbm>> -> memref<1x512xf32, #tpu.memory_space<hbm>>
        %dma_start3A_41 = tpu.memref_squeeze %dma_start3A_40 : memref<1x512xf32, #tpu.memory_space<hbm>> -> memref<512xf32, #tpu.memory_space<hbm>>
        %dma_start3A_42 = arith.constant 1920 : i32
        %dma_start3A_43 = tpu.memref_slice %arg5[%dma_start3A_42] : memref<3840xf32, #tpu.memory_space<vmem>> -> memref<512xf32, #tpu.memory_space<vmem>>
        %dma_start3A_44 = tpu.memref_slice %arg2[%run_scoped3A_14, %multiple_of3A] : memref<8x17408xf32, #tpu.memory_space<hbm>> -> memref<1x512xf32, #tpu.memory_space<hbm>>
        %dma_start3A_45 = tpu.memref_squeeze %dma_start3A_44 : memref<1x512xf32, #tpu.memory_space<hbm>> -> memref<512xf32, #tpu.memory_space<hbm>>
        tpu.enqueue_dma source(%dma_start3A_45 : memref<512xf32, #tpu.memory_space<hbm>>) target(%dma_start3A_43 : memref<512xf32, #tpu.memory_space<vmem>>) target_semaphore(%run_scoped3A_38 : memref<!tpu.dma_semaphore, #tpu.memory_space<semaphore_mem>>)
        %dma_wait3A = arith.constant 1920 : i32
        %dma_wait3A_46 = tpu.memref_slice %arg5[%dma_wait3A] : memref<3840xf32, #tpu.memory_space<vmem>> -> memref<512xf32, #tpu.memory_space<vmem>>
        %dma_wait3A_47 = tpu.memref_slice %arg2[%run_scoped3A_14, %multiple_of3A] : memref<8x17408xf32, #tpu.memory_space<hbm>> -> memref<1x512xf32, #tpu.memory_space<hbm>>
        %dma_wait3A_48 = tpu.memref_squeeze %dma_wait3A_47 : memref<1x512xf32, #tpu.memory_space<hbm>> -> memref<512xf32, #tpu.memory_space<hbm>>
        %dma_wait3A_49 = arith.constant 1920 : i32
        %dma_wait3A_50 = tpu.memref_slice %arg5[%dma_wait3A_49] : memref<3840xf32, #tpu.memory_space<vmem>> -> memref<512xf32, #tpu.memory_space<vmem>>
        %dma_wait3A_51 = tpu.memref_slice %arg2[%run_scoped3A_14, %multiple_of3A] : memref<8x17408xf32, #tpu.memory_space<hbm>> -> memref<1x512xf32, #tpu.memory_space<hbm>>
        %dma_wait3A_52 = tpu.memref_squeeze %dma_wait3A_51 : memref<1x512xf32, #tpu.memory_space<hbm>> -> memref<512xf32, #tpu.memory_space<hbm>>
        tpu.wait_dma2 semaphore(%run_scoped3A_38 : memref<!tpu.dma_semaphore, #tpu.memory_space<semaphore_mem>>) src(%dma_wait3A_52 : memref<512xf32, #tpu.memory_space<hbm>>) dst(%dma_wait3A_50 : memref<512xf32, #tpu.memory_space<vmem>>)
        tpu.yield
      }) : () -> ()
      %run_scoped3A_15 = arith.constant 4 : i32
      "tpu.region"() ({
        %run_scoped3A_38 = tpu.sem_alloc : memref<!tpu.dma_semaphore, #tpu.memory_space<semaphore_mem>>
        %dma_start3A = arith.constant 2560 : i32
        %dma_start3A_39 = tpu.memref_slice %arg5[%dma_start3A] : memref<3840xf32, #tpu.memory_space<vmem>> -> memref<512xf32, #tpu.memory_space<vmem>>
        %dma_start3A_40 = tpu.memref_slice %arg2[%run_scoped3A_15, %multiple_of3A] : memref<8x17408xf32, #tpu.memory_space<hbm>> -> memref<1x512xf32, #tpu.memory_space<hbm>>
        %dma_start3A_41 = tpu.memref_squeeze %dma_start3A_40 : memref<1x512xf32, #tpu.memory_space<hbm>> -> memref<512xf32, #tpu.memory_space<hbm>>
        %dma_start3A_42 = arith.constant 2560 : i32
        %dma_start3A_43 = tpu.memref_slice %arg5[%dma_start3A_42] : memref<3840xf32, #tpu.memory_space<vmem>> -> memref<512xf32, #tpu.memory_space<vmem>>
        %dma_start3A_44 = tpu.memref_slice %arg2[%run_scoped3A_15, %multiple_of3A] : memref<8x17408xf32, #tpu.memory_space<hbm>> -> memref<1x512xf32, #tpu.memory_space<hbm>>
        %dma_start3A_45 = tpu.memref_squeeze %dma_start3A_44 : memref<1x512xf32, #tpu.memory_space<hbm>> -> memref<512xf32, #tpu.memory_space<hbm>>
        tpu.enqueue_dma source(%dma_start3A_45 : memref<512xf32, #tpu.memory_space<hbm>>) target(%dma_start3A_43 : memref<512xf32, #tpu.memory_space<vmem>>) target_semaphore(%run_scoped3A_38 : memref<!tpu.dma_semaphore, #tpu.memory_space<semaphore_mem>>)
        %dma_wait3A = arith.constant 2560 : i32
        %dma_wait3A_46 = tpu.memref_slice %arg5[%dma_wait3A] : memref<3840xf32, #tpu.memory_space<vmem>> -> memref<512xf32, #tpu.memory_space<vmem>>
        %dma_wait3A_47 = tpu.memref_slice %arg2[%run_scoped3A_15, %multiple_of3A] : memref<8x17408xf32, #tpu.memory_space<hbm>> -> memref<1x512xf32, #tpu.memory_space<hbm>>
        %dma_wait3A_48 = tpu.memref_squeeze %dma_wait3A_47 : memref<1x512xf32, #tpu.memory_space<hbm>> -> memref<512xf32, #tpu.memory_space<hbm>>
        %dma_wait3A_49 = arith.constant 2560 : i32
        %dma_wait3A_50 = tpu.memref_slice %arg5[%dma_wait3A_49] : memref<3840xf32, #tpu.memory_space<vmem>> -> memref<512xf32, #tpu.memory_space<vmem>>
        %dma_wait3A_51 = tpu.memref_slice %arg2[%run_scoped3A_15, %multiple_of3A] : memref<8x17408xf32, #tpu.memory_space<hbm>> -> memref<1x512xf32, #tpu.memory_space<hbm>>
        %dma_wait3A_52 = tpu.memref_squeeze %dma_wait3A_51 : memref<1x512xf32, #tpu.memory_space<hbm>> -> memref<512xf32, #tpu.memory_space<hbm>>
        tpu.wait_dma2 semaphore(%run_scoped3A_38 : memref<!tpu.dma_semaphore, #tpu.memory_space<semaphore_mem>>) src(%dma_wait3A_52 : memref<512xf32, #tpu.memory_space<hbm>>) dst(%dma_wait3A_50 : memref<512xf32, #tpu.memory_space<vmem>>)
        tpu.yield
      }) : () -> ()
      %run_scoped3A_16 = arith.constant 5 : i32
      "tpu.region"() ({
        %run_scoped3A_38 = tpu.sem_alloc : memref<!tpu.dma_semaphore, #tpu.memory_space<semaphore_mem>>
        %dma_start3A = arith.constant 3200 : i32
        %dma_start3A_39 = tpu.memref_slice %arg5[%dma_start3A] : memref<3840xf32, #tpu.memory_space<vmem>> -> memref<512xf32, #tpu.memory_space<vmem>>
        %dma_start3A_40 = tpu.memref_slice %arg2[%run_scoped3A_16, %multiple_of3A] : memref<8x17408xf32, #tpu.memory_space<hbm>> -> memref<1x512xf32, #tpu.memory_space<hbm>>
        %dma_start3A_41 = tpu.memref_squeeze %dma_start3A_40 : memref<1x512xf32, #tpu.memory_space<hbm>> -> memref<512xf32, #tpu.memory_space<hbm>>
        %dma_start3A_42 = arith.constant 3200 : i32
        %dma_start3A_43 = tpu.memref_slice %arg5[%dma_start3A_42] : memref<3840xf32, #tpu.memory_space<vmem>> -> memref<512xf32, #tpu.memory_space<vmem>>
        %dma_start3A_44 = tpu.memref_slice %arg2[%run_scoped3A_16, %multiple_of3A] : memref<8x17408xf32, #tpu.memory_space<hbm>> -> memref<1x512xf32, #tpu.memory_space<hbm>>
        %dma_start3A_45 = tpu.memref_squeeze %dma_start3A_44 : memref<1x512xf32, #tpu.memory_space<hbm>> -> memref<512xf32, #tpu.memory_space<hbm>>
        tpu.enqueue_dma source(%dma_start3A_45 : memref<512xf32, #tpu.memory_space<hbm>>) target(%dma_start3A_43 : memref<512xf32, #tpu.memory_space<vmem>>) target_semaphore(%run_scoped3A_38 : memref<!tpu.dma_semaphore, #tpu.memory_space<semaphore_mem>>)
        %dma_wait3A = arith.constant 3200 : i32
        %dma_wait3A_46 = tpu.memref_slice %arg5[%dma_wait3A] : memref<3840xf32, #tpu.memory_space<vmem>> -> memref<512xf32, #tpu.memory_space<vmem>>
        %dma_wait3A_47 = tpu.memref_slice %arg2[%run_scoped3A_16, %multiple_of3A] : memref<8x17408xf32, #tpu.memory_space<hbm>> -> memref<1x512xf32, #tpu.memory_space<hbm>>
        %dma_wait3A_48 = tpu.memref_squeeze %dma_wait3A_47 : memref<1x512xf32, #tpu.memory_space<hbm>> -> memref<512xf32, #tpu.memory_space<hbm>>
        %dma_wait3A_49 = arith.constant 3200 : i32
        %dma_wait3A_50 = tpu.memref_slice %arg5[%dma_wait3A_49] : memref<3840xf32, #tpu.memory_space<vmem>> -> memref<512xf32, #tpu.memory_space<vmem>>
        %dma_wait3A_51 = tpu.memref_slice %arg2[%run_scoped3A_16, %multiple_of3A] : memref<8x17408xf32, #tpu.memory_space<hbm>> -> memref<1x512xf32, #tpu.memory_space<hbm>>
        %dma_wait3A_52 = tpu.memref_squeeze %dma_wait3A_51 : memref<1x512xf32, #tpu.memory_space<hbm>> -> memref<512xf32, #tpu.memory_space<hbm>>
        tpu.wait_dma2 semaphore(%run_scoped3A_38 : memref<!tpu.dma_semaphore, #tpu.memory_space<semaphore_mem>>) src(%dma_wait3A_52 : memref<512xf32, #tpu.memory_space<hbm>>) dst(%dma_wait3A_50 : memref<512xf32, #tpu.memory_space<vmem>>)
        tpu.yield
      }) : () -> ()
      %run_scoped3A_17 = arith.constant 0 : i32
      "tpu.region"() ({
        %run_scoped3A_38 = tpu.sem_alloc : memref<!tpu.dma_semaphore, #tpu.memory_space<semaphore_mem>>
        %dma_start3A = arith.constant 0 : i32
        %dma_start3A_39 = tpu.memref_slice %arg6[%dma_start3A] : memref<5120xi32, #tpu.memory_space<vmem>> -> memref<512xi32, #tpu.memory_space<vmem>>
        %dma_start3A_40 = tpu.memref_slice %arg3[%run_scoped3A_17, %multiple_of3A] : memref<8x17408xi32, #tpu.memory_space<hbm>> -> memref<1x512xi32, #tpu.memory_space<hbm>>
        %dma_start3A_41 = tpu.memref_squeeze %dma_start3A_40 : memref<1x512xi32, #tpu.memory_space<hbm>> -> memref<512xi32, #tpu.memory_space<hbm>>
        %dma_start3A_42 = arith.constant 0 : i32
        %dma_start3A_43 = tpu.memref_slice %arg6[%dma_start3A_42] : memref<5120xi32, #tpu.memory_space<vmem>> -> memref<512xi32, #tpu.memory_space<vmem>>
        %dma_start3A_44 = tpu.memref_slice %arg3[%run_scoped3A_17, %multiple_of3A] : memref<8x17408xi32, #tpu.memory_space<hbm>> -> memref<1x512xi32, #tpu.memory_space<hbm>>
        %dma_start3A_45 = tpu.memref_squeeze %dma_start3A_44 : memref<1x512xi32, #tpu.memory_space<hbm>> -> memref<512xi32, #tpu.memory_space<hbm>>
        tpu.enqueue_dma source(%dma_start3A_45 : memref<512xi32, #tpu.memory_space<hbm>>) target(%dma_start3A_43 : memref<512xi32, #tpu.memory_space<vmem>>) target_semaphore(%run_scoped3A_38 : memref<!tpu.dma_semaphore, #tpu.memory_space<semaphore_mem>>)
        %dma_wait3A = arith.constant 0 : i32
        %dma_wait3A_46 = tpu.memref_slice %arg6[%dma_wait3A] : memref<5120xi32, #tpu.memory_space<vmem>> -> memref<512xi32, #tpu.memory_space<vmem>>
        %dma_wait3A_47 = tpu.memref_slice %arg3[%run_scoped3A_17, %multiple_of3A] : memref<8x17408xi32, #tpu.memory_space<hbm>> -> memref<1x512xi32, #tpu.memory_space<hbm>>
        %dma_wait3A_48 = tpu.memref_squeeze %dma_wait3A_47 : memref<1x512xi32, #tpu.memory_space<hbm>> -> memref<512xi32, #tpu.memory_space<hbm>>
        %dma_wait3A_49 = arith.constant 0 : i32
        %dma_wait3A_50 = tpu.memref_slice %arg6[%dma_wait3A_49] : memref<5120xi32, #tpu.memory_space<vmem>> -> memref<512xi32, #tpu.memory_space<vmem>>
        %dma_wait3A_51 = tpu.memref_slice %arg3[%run_scoped3A_17, %multiple_of3A] : memref<8x17408xi32, #tpu.memory_space<hbm>> -> memref<1x512xi32, #tpu.memory_space<hbm>>
        %dma_wait3A_52 = tpu.memref_squeeze %dma_wait3A_51 : memref<1x512xi32, #tpu.memory_space<hbm>> -> memref<512xi32, #tpu.memory_space<hbm>>
        tpu.wait_dma2 semaphore(%run_scoped3A_38 : memref<!tpu.dma_semaphore, #tpu.memory_space<semaphore_mem>>) src(%dma_wait3A_52 : memref<512xi32, #tpu.memory_space<hbm>>) dst(%dma_wait3A_50 : memref<512xi32, #tpu.memory_space<vmem>>)
        tpu.yield
      }) : () -> ()
      %run_scoped3A_18 = arith.constant 1 : i32
      "tpu.region"() ({
        %run_scoped3A_38 = tpu.sem_alloc : memref<!tpu.dma_semaphore, #tpu.memory_space<semaphore_mem>>
        %dma_start3A = arith.constant 640 : i32
        %dma_start3A_39 = tpu.memref_slice %arg6[%dma_start3A] : memref<5120xi32, #tpu.memory_space<vmem>> -> memref<512xi32, #tpu.memory_space<vmem>>
        %dma_start3A_40 = tpu.memref_slice %arg3[%run_scoped3A_18, %multiple_of3A] : memref<8x17408xi32, #tpu.memory_space<hbm>> -> memref<1x512xi32, #tpu.memory_space<hbm>>
        %dma_start3A_41 = tpu.memref_squeeze %dma_start3A_40 : memref<1x512xi32, #tpu.memory_space<hbm>> -> memref<512xi32, #tpu.memory_space<hbm>>
        %dma_start3A_42 = arith.constant 640 : i32
        %dma_start3A_43 = tpu.memref_slice %arg6[%dma_start3A_42] : memref<5120xi32, #tpu.memory_space<vmem>> -> memref<512xi32, #tpu.memory_space<vmem>>
        %dma_start3A_44 = tpu.memref_slice %arg3[%run_scoped3A_18, %multiple_of3A] : memref<8x17408xi32, #tpu.memory_space<hbm>> -> memref<1x512xi32, #tpu.memory_space<hbm>>
        %dma_start3A_45 = tpu.memref_squeeze %dma_start3A_44 : memref<1x512xi32, #tpu.memory_space<hbm>> -> memref<512xi32, #tpu.memory_space<hbm>>
        tpu.enqueue_dma source(%dma_start3A_45 : memref<512xi32, #tpu.memory_space<hbm>>) target(%dma_start3A_43 : memref<512xi32, #tpu.memory_space<vmem>>) target_semaphore(%run_scoped3A_38 : memref<!tpu.dma_semaphore, #tpu.memory_space<semaphore_mem>>)
        %dma_wait3A = arith.constant 640 : i32
        %dma_wait3A_46 = tpu.memref_slice %arg6[%dma_wait3A] : memref<5120xi32, #tpu.memory_space<vmem>> -> memref<512xi32, #tpu.memory_space<vmem>>
        %dma_wait3A_47 = tpu.memref_slice %arg3[%run_scoped3A_18, %multiple_of3A] : memref<8x17408xi32, #tpu.memory_space<hbm>> -> memref<1x512xi32, #tpu.memory_space<hbm>>
        %dma_wait3A_48 = tpu.memref_squeeze %dma_wait3A_47 : memref<1x512xi32, #tpu.memory_space<hbm>> -> memref<512xi32, #tpu.memory_space<hbm>>
        %dma_wait3A_49 = arith.constant 640 : i32
        %dma_wait3A_50 = tpu.memref_slice %arg6[%dma_wait3A_49] : memref<5120xi32, #tpu.memory_space<vmem>> -> memref<512xi32, #tpu.memory_space<vmem>>
        %dma_wait3A_51 = tpu.memref_slice %arg3[%run_scoped3A_18, %multiple_of3A] : memref<8x17408xi32, #tpu.memory_space<hbm>> -> memref<1x512xi32, #tpu.memory_space<hbm>>
        %dma_wait3A_52 = tpu.memref_squeeze %dma_wait3A_51 : memref<1x512xi32, #tpu.memory_space<hbm>> -> memref<512xi32, #tpu.memory_space<hbm>>
        tpu.wait_dma2 semaphore(%run_scoped3A_38 : memref<!tpu.dma_semaphore, #tpu.memory_space<semaphore_mem>>) src(%dma_wait3A_52 : memref<512xi32, #tpu.memory_space<hbm>>) dst(%dma_wait3A_50 : memref<512xi32, #tpu.memory_space<vmem>>)
        tpu.yield
      }) : () -> ()
      %run_scoped3A_19 = arith.constant 2 : i32
      "tpu.region"() ({
        %run_scoped3A_38 = tpu.sem_alloc : memref<!tpu.dma_semaphore, #tpu.memory_space<semaphore_mem>>
        %dma_start3A = arith.constant 1280 : i32
        %dma_start3A_39 = tpu.memref_slice %arg6[%dma_start3A] : memref<5120xi32, #tpu.memory_space<vmem>> -> memref<512xi32, #tpu.memory_space<vmem>>
        %dma_start3A_40 = tpu.memref_slice %arg3[%run_scoped3A_19, %multiple_of3A] : memref<8x17408xi32, #tpu.memory_space<hbm>> -> memref<1x512xi32, #tpu.memory_space<hbm>>
        %dma_start3A_41 = tpu.memref_squeeze %dma_start3A_40 : memref<1x512xi32, #tpu.memory_space<hbm>> -> memref<512xi32, #tpu.memory_space<hbm>>
        %dma_start3A_42 = arith.constant 1280 : i32
        %dma_start3A_43 = tpu.memref_slice %arg6[%dma_start3A_42] : memref<5120xi32, #tpu.memory_space<vmem>> -> memref<512xi32, #tpu.memory_space<vmem>>
        %dma_start3A_44 = tpu.memref_slice %arg3[%run_scoped3A_19, %multiple_of3A] : memref<8x17408xi32, #tpu.memory_space<hbm>> -> memref<1x512xi32, #tpu.memory_space<hbm>>
        %dma_start3A_45 = tpu.memref_squeeze %dma_start3A_44 : memref<1x512xi32, #tpu.memory_space<hbm>> -> memref<512xi32, #tpu.memory_space<hbm>>
        tpu.enqueue_dma source(%dma_start3A_45 : memref<512xi32, #tpu.memory_space<hbm>>) target(%dma_start3A_43 : memref<512xi32, #tpu.memory_space<vmem>>) target_semaphore(%run_scoped3A_38 : memref<!tpu.dma_semaphore, #tpu.memory_space<semaphore_mem>>)
        %dma_wait3A = arith.constant 1280 : i32
        %dma_wait3A_46 = tpu.memref_slice %arg6[%dma_wait3A] : memref<5120xi32, #tpu.memory_space<vmem>> -> memref<512xi32, #tpu.memory_space<vmem>>
        %dma_wait3A_47 = tpu.memref_slice %arg3[%run_scoped3A_19, %multiple_of3A] : memref<8x17408xi32, #tpu.memory_space<hbm>> -> memref<1x512xi32, #tpu.memory_space<hbm>>
        %dma_wait3A_48 = tpu.memref_squeeze %dma_wait3A_47 : memref<1x512xi32, #tpu.memory_space<hbm>> -> memref<512xi32, #tpu.memory_space<hbm>>
        %dma_wait3A_49 = arith.constant 1280 : i32
        %dma_wait3A_50 = tpu.memref_slice %arg6[%dma_wait3A_49] : memref<5120xi32, #tpu.memory_space<vmem>> -> memref<512xi32, #tpu.memory_space<vmem>>
        %dma_wait3A_51 = tpu.memref_slice %arg3[%run_scoped3A_19, %multiple_of3A] : memref<8x17408xi32, #tpu.memory_space<hbm>> -> memref<1x512xi32, #tpu.memory_space<hbm>>
        %dma_wait3A_52 = tpu.memref_squeeze %dma_wait3A_51 : memref<1x512xi32, #tpu.memory_space<hbm>> -> memref<512xi32, #tpu.memory_space<hbm>>
        tpu.wait_dma2 semaphore(%run_scoped3A_38 : memref<!tpu.dma_semaphore, #tpu.memory_space<semaphore_mem>>) src(%dma_wait3A_52 : memref<512xi32, #tpu.memory_space<hbm>>) dst(%dma_wait3A_50 : memref<512xi32, #tpu.memory_space<vmem>>)
        tpu.yield
      }) : () -> ()
      %run_scoped3A_20 = arith.constant 3 : i32
      "tpu.region"() ({
        %run_scoped3A_38 = tpu.sem_alloc : memref<!tpu.dma_semaphore, #tpu.memory_space<semaphore_mem>>
        %dma_start3A = arith.constant 1920 : i32
        %dma_start3A_39 = tpu.memref_slice %arg6[%dma_start3A] : memref<5120xi32, #tpu.memory_space<vmem>> -> memref<512xi32, #tpu.memory_space<vmem>>
        %dma_start3A_40 = tpu.memref_slice %arg3[%run_scoped3A_20, %multiple_of3A] : memref<8x17408xi32, #tpu.memory_space<hbm>> -> memref<1x512xi32, #tpu.memory_space<hbm>>
        %dma_start3A_41 = tpu.memref_squeeze %dma_start3A_40 : memref<1x512xi32, #tpu.memory_space<hbm>> -> memref<512xi32, #tpu.memory_space<hbm>>
        %dma_start3A_42 = arith.constant 1920 : i32
        %dma_start3A_43 = tpu.memref_slice %arg6[%dma_start3A_42] : memref<5120xi32, #tpu.memory_space<vmem>> -> memref<512xi32, #tpu.memory_space<vmem>>
        %dma_start3A_44 = tpu.memref_slice %arg3[%run_scoped3A_20, %multiple_of3A] : memref<8x17408xi32, #tpu.memory_space<hbm>> -> memref<1x512xi32, #tpu.memory_space<hbm>>
        %dma_start3A_45 = tpu.memref_squeeze %dma_start3A_44 : memref<1x512xi32, #tpu.memory_space<hbm>> -> memref<512xi32, #tpu.memory_space<hbm>>
        tpu.enqueue_dma source(%dma_start3A_45 : memref<512xi32, #tpu.memory_space<hbm>>) target(%dma_start3A_43 : memref<512xi32, #tpu.memory_space<vmem>>) target_semaphore(%run_scoped3A_38 : memref<!tpu.dma_semaphore, #tpu.memory_space<semaphore_mem>>)
        %dma_wait3A = arith.constant 1920 : i32
        %dma_wait3A_46 = tpu.memref_slice %arg6[%dma_wait3A] : memref<5120xi32, #tpu.memory_space<vmem>> -> memref<512xi32, #tpu.memory_space<vmem>>
        %dma_wait3A_47 = tpu.memref_slice %arg3[%run_scoped3A_20, %multiple_of3A] : memref<8x17408xi32, #tpu.memory_space<hbm>> -> memref<1x512xi32, #tpu.memory_space<hbm>>
        %dma_wait3A_48 = tpu.memref_squeeze %dma_wait3A_47 : memref<1x512xi32, #tpu.memory_space<hbm>> -> memref<512xi32, #tpu.memory_space<hbm>>
        %dma_wait3A_49 = arith.constant 1920 : i32
        %dma_wait3A_50 = tpu.memref_slice %arg6[%dma_wait3A_49] : memref<5120xi32, #tpu.memory_space<vmem>> -> memref<512xi32, #tpu.memory_space<vmem>>
        %dma_wait3A_51 = tpu.memref_slice %arg3[%run_scoped3A_20, %multiple_of3A] : memref<8x17408xi32, #tpu.memory_space<hbm>> -> memref<1x512xi32, #tpu.memory_space<hbm>>
        %dma_wait3A_52 = tpu.memref_squeeze %dma_wait3A_51 : memref<1x512xi32, #tpu.memory_space<hbm>> -> memref<512xi32, #tpu.memory_space<hbm>>
        tpu.wait_dma2 semaphore(%run_scoped3A_38 : memref<!tpu.dma_semaphore, #tpu.memory_space<semaphore_mem>>) src(%dma_wait3A_52 : memref<512xi32, #tpu.memory_space<hbm>>) dst(%dma_wait3A_50 : memref<512xi32, #tpu.memory_space<vmem>>)
        tpu.yield
      }) : () -> ()
      %run_scoped3A_21 = arith.constant 4 : i32
      "tpu.region"() ({
        %run_scoped3A_38 = tpu.sem_alloc : memref<!tpu.dma_semaphore, #tpu.memory_space<semaphore_mem>>
        %dma_start3A = arith.constant 2560 : i32
        %dma_start3A_39 = tpu.memref_slice %arg6[%dma_start3A] : memref<5120xi32, #tpu.memory_space<vmem>> -> memref<512xi32, #tpu.memory_space<vmem>>
        %dma_start3A_40 = tpu.memref_slice %arg3[%run_scoped3A_21, %multiple_of3A] : memref<8x17408xi32, #tpu.memory_space<hbm>> -> memref<1x512xi32, #tpu.memory_space<hbm>>
        %dma_start3A_41 = tpu.memref_squeeze %dma_start3A_40 : memref<1x512xi32, #tpu.memory_space<hbm>> -> memref<512xi32, #tpu.memory_space<hbm>>
        %dma_start3A_42 = arith.constant 2560 : i32
        %dma_start3A_43 = tpu.memref_slice %arg6[%dma_start3A_42] : memref<5120xi32, #tpu.memory_space<vmem>> -> memref<512xi32, #tpu.memory_space<vmem>>
        %dma_start3A_44 = tpu.memref_slice %arg3[%run_scoped3A_21, %multiple_of3A] : memref<8x17408xi32, #tpu.memory_space<hbm>> -> memref<1x512xi32, #tpu.memory_space<hbm>>
        %dma_start3A_45 = tpu.memref_squeeze %dma_start3A_44 : memref<1x512xi32, #tpu.memory_space<hbm>> -> memref<512xi32, #tpu.memory_space<hbm>>
        tpu.enqueue_dma source(%dma_start3A_45 : memref<512xi32, #tpu.memory_space<hbm>>) target(%dma_start3A_43 : memref<512xi32, #tpu.memory_space<vmem>>) target_semaphore(%run_scoped3A_38 : memref<!tpu.dma_semaphore, #tpu.memory_space<semaphore_mem>>)
        %dma_wait3A = arith.constant 2560 : i32
        %dma_wait3A_46 = tpu.memref_slice %arg6[%dma_wait3A] : memref<5120xi32, #tpu.memory_space<vmem>> -> memref<512xi32, #tpu.memory_space<vmem>>
        %dma_wait3A_47 = tpu.memref_slice %arg3[%run_scoped3A_21, %multiple_of3A] : memref<8x17408xi32, #tpu.memory_space<hbm>> -> memref<1x512xi32, #tpu.memory_space<hbm>>
        %dma_wait3A_48 = tpu.memref_squeeze %dma_wait3A_47 : memref<1x512xi32, #tpu.memory_space<hbm>> -> memref<512xi32, #tpu.memory_space<hbm>>
        %dma_wait3A_49 = arith.constant 2560 : i32
        %dma_wait3A_50 = tpu.memref_slice %arg6[%dma_wait3A_49] : memref<5120xi32, #tpu.memory_space<vmem>> -> memref<512xi32, #tpu.memory_space<vmem>>
        %dma_wait3A_51 = tpu.memref_slice %arg3[%run_scoped3A_21, %multiple_of3A] : memref<8x17408xi32, #tpu.memory_space<hbm>> -> memref<1x512xi32, #tpu.memory_space<hbm>>
        %dma_wait3A_52 = tpu.memref_squeeze %dma_wait3A_51 : memref<1x512xi32, #tpu.memory_space<hbm>> -> memref<512xi32, #tpu.memory_space<hbm>>
        tpu.wait_dma2 semaphore(%run_scoped3A_38 : memref<!tpu.dma_semaphore, #tpu.memory_space<semaphore_mem>>) src(%dma_wait3A_52 : memref<512xi32, #tpu.memory_space<hbm>>) dst(%dma_wait3A_50 : memref<512xi32, #tpu.memory_space<vmem>>)
        tpu.yield
      }) : () -> ()
      %run_scoped3A_22 = arith.constant 5 : i32
      "tpu.region"() ({
        %run_scoped3A_38 = tpu.sem_alloc : memref<!tpu.dma_semaphore, #tpu.memory_space<semaphore_mem>>
        %dma_start3A = arith.constant 3200 : i32
        %dma_start3A_39 = tpu.memref_slice %arg6[%dma_start3A] : memref<5120xi32, #tpu.memory_space<vmem>> -> memref<512xi32, #tpu.memory_space<vmem>>
        %dma_start3A_40 = tpu.memref_slice %arg3[%run_scoped3A_22, %multiple_of3A] : memref<8x17408xi32, #tpu.memory_space<hbm>> -> memref<1x512xi32, #tpu.memory_space<hbm>>
        %dma_start3A_41 = tpu.memref_squeeze %dma_start3A_40 : memref<1x512xi32, #tpu.memory_space<hbm>> -> memref<512xi32, #tpu.memory_space<hbm>>
        %dma_start3A_42 = arith.constant 3200 : i32
        %dma_start3A_43 = tpu.memref_slice %arg6[%dma_start3A_42] : memref<5120xi32, #tpu.memory_space<vmem>> -> memref<512xi32, #tpu.memory_space<vmem>>
        %dma_start3A_44 = tpu.memref_slice %arg3[%run_scoped3A_22, %multiple_of3A] : memref<8x17408xi32, #tpu.memory_space<hbm>> -> memref<1x512xi32, #tpu.memory_space<hbm>>
        %dma_start3A_45 = tpu.memref_squeeze %dma_start3A_44 : memref<1x512xi32, #tpu.memory_space<hbm>> -> memref<512xi32, #tpu.memory_space<hbm>>
        tpu.enqueue_dma source(%dma_start3A_45 : memref<512xi32, #tpu.memory_space<hbm>>) target(%dma_start3A_43 : memref<512xi32, #tpu.memory_space<vmem>>) target_semaphore(%run_scoped3A_38 : memref<!tpu.dma_semaphore, #tpu.memory_space<semaphore_mem>>)
        %dma_wait3A = arith.constant 3200 : i32
        %dma_wait3A_46 = tpu.memref_slice %arg6[%dma_wait3A] : memref<5120xi32, #tpu.memory_space<vmem>> -> memref<512xi32, #tpu.memory_space<vmem>>
        %dma_wait3A_47 = tpu.memref_slice %arg3[%run_scoped3A_22, %multiple_of3A] : memref<8x17408xi32, #tpu.memory_space<hbm>> -> memref<1x512xi32, #tpu.memory_space<hbm>>
        %dma_wait3A_48 = tpu.memref_squeeze %dma_wait3A_47 : memref<1x512xi32, #tpu.memory_space<hbm>> -> memref<512xi32, #tpu.memory_space<hbm>>
        %dma_wait3A_49 = arith.constant 3200 : i32
        %dma_wait3A_50 = tpu.memref_slice %arg6[%dma_wait3A_49] : memref<5120xi32, #tpu.memory_space<vmem>> -> memref<512xi32, #tpu.memory_space<vmem>>
        %dma_wait3A_51 = tpu.memref_slice %arg3[%run_scoped3A_22, %multiple_of3A] : memref<8x17408xi32, #tpu.memory_space<hbm>> -> memref<1x512xi32, #tpu.memory_space<hbm>>
        %dma_wait3A_52 = tpu.memref_squeeze %dma_wait3A_51 : memref<1x512xi32, #tpu.memory_space<hbm>> -> memref<512xi32, #tpu.memory_space<hbm>>
        tpu.wait_dma2 semaphore(%run_scoped3A_38 : memref<!tpu.dma_semaphore, #tpu.memory_space<semaphore_mem>>) src(%dma_wait3A_52 : memref<512xi32, #tpu.memory_space<hbm>>) dst(%dma_wait3A_50 : memref<512xi32, #tpu.memory_space<vmem>>)
        tpu.yield
      }) : () -> ()
      %run_scoped3A_23 = arith.constant 6 : i32
      "tpu.region"() ({
        %run_scoped3A_38 = tpu.sem_alloc : memref<!tpu.dma_semaphore, #tpu.memory_space<semaphore_mem>>
        %dma_start3A = arith.constant 3840 : i32
        %dma_start3A_39 = tpu.memref_slice %arg6[%dma_start3A] : memref<5120xi32, #tpu.memory_space<vmem>> -> memref<512xi32, #tpu.memory_space<vmem>>
        %dma_start3A_40 = tpu.memref_slice %arg3[%run_scoped3A_23, %multiple_of3A] : memref<8x17408xi32, #tpu.memory_space<hbm>> -> memref<1x512xi32, #tpu.memory_space<hbm>>
        %dma_start3A_41 = tpu.memref_squeeze %dma_start3A_40 : memref<1x512xi32, #tpu.memory_space<hbm>> -> memref<512xi32, #tpu.memory_space<hbm>>
        %dma_start3A_42 = arith.constant 3840 : i32
        %dma_start3A_43 = tpu.memref_slice %arg6[%dma_start3A_42] : memref<5120xi32, #tpu.memory_space<vmem>> -> memref<512xi32, #tpu.memory_space<vmem>>
        %dma_start3A_44 = tpu.memref_slice %arg3[%run_scoped3A_23, %multiple_of3A] : memref<8x17408xi32, #tpu.memory_space<hbm>> -> memref<1x512xi32, #tpu.memory_space<hbm>>
        %dma_start3A_45 = tpu.memref_squeeze %dma_start3A_44 : memref<1x512xi32, #tpu.memory_space<hbm>> -> memref<512xi32, #tpu.memory_space<hbm>>
        tpu.enqueue_dma source(%dma_start3A_45 : memref<512xi32, #tpu.memory_space<hbm>>) target(%dma_start3A_43 : memref<512xi32, #tpu.memory_space<vmem>>) target_semaphore(%run_scoped3A_38 : memref<!tpu.dma_semaphore, #tpu.memory_space<semaphore_mem>>)
        %dma_wait3A = arith.constant 3840 : i32
        %dma_wait3A_46 = tpu.memref_slice %arg6[%dma_wait3A] : memref<5120xi32, #tpu.memory_space<vmem>> -> memref<512xi32, #tpu.memory_space<vmem>>
        %dma_wait3A_47 = tpu.memref_slice %arg3[%run_scoped3A_23, %multiple_of3A] : memref<8x17408xi32, #tpu.memory_space<hbm>> -> memref<1x512xi32, #tpu.memory_space<hbm>>
        %dma_wait3A_48 = tpu.memref_squeeze %dma_wait3A_47 : memref<1x512xi32, #tpu.memory_space<hbm>> -> memref<512xi32, #tpu.memory_space<hbm>>
        %dma_wait3A_49 = arith.constant 3840 : i32
        %dma_wait3A_50 = tpu.memref_slice %arg6[%dma_wait3A_49] : memref<5120xi32, #tpu.memory_space<vmem>> -> memref<512xi32, #tpu.memory_space<vmem>>
        %dma_wait3A_51 = tpu.memref_slice %arg3[%run_scoped3A_23, %multiple_of3A] : memref<8x17408xi32, #tpu.memory_space<hbm>> -> memref<1x512xi32, #tpu.memory_space<hbm>>
        %dma_wait3A_52 = tpu.memref_squeeze %dma_wait3A_51 : memref<1x512xi32, #tpu.memory_space<hbm>> -> memref<512xi32, #tpu.memory_space<hbm>>
        tpu.wait_dma2 semaphore(%run_scoped3A_38 : memref<!tpu.dma_semaphore, #tpu.memory_space<semaphore_mem>>) src(%dma_wait3A_52 : memref<512xi32, #tpu.memory_space<hbm>>) dst(%dma_wait3A_50 : memref<512xi32, #tpu.memory_space<vmem>>)
        tpu.yield
      }) : () -> ()
      %run_scoped3A_24 = arith.constant 7 : i32
      "tpu.region"() ({
        %run_scoped3A_38 = tpu.sem_alloc : memref<!tpu.dma_semaphore, #tpu.memory_space<semaphore_mem>>
        %dma_start3A = arith.constant 4480 : i32
        %dma_start3A_39 = tpu.memref_slice %arg6[%dma_start3A] : memref<5120xi32, #tpu.memory_space<vmem>> -> memref<512xi32, #tpu.memory_space<vmem>>
        %dma_start3A_40 = tpu.memref_slice %arg3[%run_scoped3A_24, %multiple_of3A] : memref<8x17408xi32, #tpu.memory_space<hbm>> -> memref<1x512xi32, #tpu.memory_space<hbm>>
        %dma_start3A_41 = tpu.memref_squeeze %dma_start3A_40 : memref<1x512xi32, #tpu.memory_space<hbm>> -> memref<512xi32, #tpu.memory_space<hbm>>
        %dma_start3A_42 = arith.constant 4480 : i32
        %dma_start3A_43 = tpu.memref_slice %arg6[%dma_start3A_42] : memref<5120xi32, #tpu.memory_space<vmem>> -> memref<512xi32, #tpu.memory_space<vmem>>
        %dma_start3A_44 = tpu.memref_slice %arg3[%run_scoped3A_24, %multiple_of3A] : memref<8x17408xi32, #tpu.memory_space<hbm>> -> memref<1x512xi32, #tpu.memory_space<hbm>>
        %dma_start3A_45 = tpu.memref_squeeze %dma_start3A_44 : memref<1x512xi32, #tpu.memory_space<hbm>> -> memref<512xi32, #tpu.memory_space<hbm>>
        tpu.enqueue_dma source(%dma_start3A_45 : memref<512xi32, #tpu.memory_space<hbm>>) target(%dma_start3A_43 : memref<512xi32, #tpu.memory_space<vmem>>) target_semaphore(%run_scoped3A_38 : memref<!tpu.dma_semaphore, #tpu.memory_space<semaphore_mem>>)
        %dma_wait3A = arith.constant 4480 : i32
        %dma_wait3A_46 = tpu.memref_slice %arg6[%dma_wait3A] : memref<5120xi32, #tpu.memory_space<vmem>> -> memref<512xi32, #tpu.memory_space<vmem>>
        %dma_wait3A_47 = tpu.memref_slice %arg3[%run_scoped3A_24, %multiple_of3A] : memref<8x17408xi32, #tpu.memory_space<hbm>> -> memref<1x512xi32, #tpu.memory_space<hbm>>
        %dma_wait3A_48 = tpu.memref_squeeze %dma_wait3A_47 : memref<1x512xi32, #tpu.memory_space<hbm>> -> memref<512xi32, #tpu.memory_space<hbm>>
        %dma_wait3A_49 = arith.constant 4480 : i32
        %dma_wait3A_50 = tpu.memref_slice %arg6[%dma_wait3A_49] : memref<5120xi32, #tpu.memory_space<vmem>> -> memref<512xi32, #tpu.memory_space<vmem>>
        %dma_wait3A_51 = tpu.memref_slice %arg3[%run_scoped3A_24, %multiple_of3A] : memref<8x17408xi32, #tpu.memory_space<hbm>> -> memref<1x512xi32, #tpu.memory_space<hbm>>
        %dma_wait3A_52 = tpu.memref_squeeze %dma_wait3A_51 : memref<1x512xi32, #tpu.memory_space<hbm>> -> memref<512xi32, #tpu.memory_space<hbm>>
        tpu.wait_dma2 semaphore(%run_scoped3A_38 : memref<!tpu.dma_semaphore, #tpu.memory_space<semaphore_mem>>) src(%dma_wait3A_52 : memref<512xi32, #tpu.memory_space<hbm>>) dst(%dma_wait3A_50 : memref<512xi32, #tpu.memory_space<vmem>>)
        tpu.yield
      }) : () -> ()
      %scan3A = arith.constant 0 : i32
      %scan3A_25 = arith.constant 0 : i32
      %scan3A_26 = arith.constant 8 : i32
      %scan3A_27 = arith.addi %scan3A_25, %scan3A_26 : i32
      %scan3A_28 = arith.constant 1 : i32
      scf.for %scan3A_38 = %scan3A_25 to %scan3A_27 step %scan3A_28  : i32 {
        %parallel_loop3A = arith.constant 0 : i32
        %parallel_loop3A_39 = arith.constant 32 : i32
        %parallel_loop3A_40 = arith.constant 1 : i32
        scf.for %parallel_loop3A_41 = %parallel_loop3A to %parallel_loop3A_39 step %parallel_loop3A_40  : i32 {
          %parallel_loop3A_42 = arith.constant 16 : i32
          %parallel_loop3A_43 = arith.muli %parallel_loop3A_41, %parallel_loop3A_42 : i32
          %parallel_loop3A_44 = arith.constant 640 : i32
          %parallel_loop3A_45 = arith.muli %scan3A_38, %parallel_loop3A_44 : i32
          %parallel_loop3A_46 = arith.addi %parallel_loop3A_45, %parallel_loop3A_43 : i32
          %parallel_loop3A_47 = arith.index_cast %parallel_loop3A_46 : i32 to index
          %parallel_loop3A_48 = tpu.vector_load %arg6[%parallel_loop3A_47] {strides = array<i32>} : memref<5120xi32, #tpu.memory_space<vmem>>, vector<16xi32>,
          %parallel_loop3A_49 = arith.constant 0.000000e+00 : f32
          %parallel_loop3A_50 = vector.broadcast %parallel_loop3A_49 : f32 to vector<16xf32>
          %parallel_loop3A_51 = arith.constant 0 : i32
          %parallel_loop3A_52 = arith.addi %parallel_loop3A_51, %parallel_loop3A_43 : i32
          %parallel_loop3A_53 = arith.index_cast %parallel_loop3A_52 : i32 to index
          %parallel_loop3A_54 = tpu.vector_load %arg5[%parallel_loop3A_53] {strides = array<i32>} : memref<3840xf32, #tpu.memory_space<vmem>>, vector<16xf32>,
          %parallel_loop3A_55 = arith.constant 0 : i32
          %parallel_loop3A_56 = vector.broadcast %parallel_loop3A_55 : i32 to vector<16xi32>
          %parallel_loop3A_57 = arith.cmpi eq, %parallel_loop3A_48, %parallel_loop3A_56 : vector<16xi32>
          %parallel_loop3A_58 = arith.select %parallel_loop3A_57, %parallel_loop3A_54, %parallel_loop3A_50 : vector<16xi1>, vector<16xf32>
          %parallel_loop3A_59 = arith.constant 640 : i32
          %parallel_loop3A_60 = arith.addi %parallel_loop3A_59, %parallel_loop3A_43 : i32
          %parallel_loop3A_61 = arith.index_cast %parallel_loop3A_60 : i32 to index
          %parallel_loop3A_62 = tpu.vector_load %arg5[%parallel_loop3A_61] {strides = array<i32>} : memref<3840xf32, #tpu.memory_space<vmem>>, vector<16xf32>,
          %parallel_loop3A_63 = arith.constant 1 : i32
          %parallel_loop3A_64 = vector.broadcast %parallel_loop3A_63 : i32 to vector<16xi32>
          %parallel_loop3A_65 = arith.cmpi eq, %parallel_loop3A_48, %parallel_loop3A_64 : vector<16xi32>
          %parallel_loop3A_66 = arith.select %parallel_loop3A_65, %parallel_loop3A_62, %parallel_loop3A_58 : vector<16xi1>, vector<16xf32>
          %parallel_loop3A_67 = arith.constant 1280 : i32
          %parallel_loop3A_68 = arith.addi %parallel_loop3A_67, %parallel_loop3A_43 : i32
          %parallel_loop3A_69 = arith.index_cast %parallel_loop3A_68 : i32 to index
          %parallel_loop3A_70 = tpu.vector_load %arg5[%parallel_loop3A_69] {strides = array<i32>} : memref<3840xf32, #tpu.memory_space<vmem>>, vector<16xf32>,
          %parallel_loop3A_71 = arith.constant 2 : i32
          %parallel_loop3A_72 = vector.broadcast %parallel_loop3A_71 : i32 to vector<16xi32>
          %parallel_loop3A_73 = arith.cmpi eq, %parallel_loop3A_48, %parallel_loop3A_72 : vector<16xi32>
          %parallel_loop3A_74 = arith.select %parallel_loop3A_73, %parallel_loop3A_70, %parallel_loop3A_66 : vector<16xi1>, vector<16xf32>
          %parallel_loop3A_75 = arith.constant 1920 : i32
          %parallel_loop3A_76 = arith.addi %parallel_loop3A_75, %parallel_loop3A_43 : i32
          %parallel_loop3A_77 = arith.index_cast %parallel_loop3A_76 : i32 to index
          %parallel_loop3A_78 = tpu.vector_load %arg5[%parallel_loop3A_77] {strides = array<i32>} : memref<3840xf32, #tpu.memory_space<vmem>>, vector<16xf32>,
          %parallel_loop3A_79 = arith.constant 3 : i32
          %parallel_loop3A_80 = vector.broadcast %parallel_loop3A_79 : i32 to vector<16xi32>
          %parallel_loop3A_81 = arith.cmpi eq, %parallel_loop3A_48, %parallel_loop3A_80 : vector<16xi32>
          %parallel_loop3A_82 = arith.select %parallel_loop3A_81, %parallel_loop3A_78, %parallel_loop3A_74 : vector<16xi1>, vector<16xf32>
          %parallel_loop3A_83 = arith.constant 2560 : i32
          %parallel_loop3A_84 = arith.addi %parallel_loop3A_83, %parallel_loop3A_43 : i32
          %parallel_loop3A_85 = arith.index_cast %parallel_loop3A_84 : i32 to index
          %parallel_loop3A_86 = tpu.vector_load %arg5[%parallel_loop3A_85] {strides = array<i32>} : memref<3840xf32, #tpu.memory_space<vmem>>, vector<16xf32>,
          %parallel_loop3A_87 = arith.constant 4 : i32
          %parallel_loop3A_88 = vector.broadcast %parallel_loop3A_87 : i32 to vector<16xi32>
          %parallel_loop3A_89 = arith.cmpi eq, %parallel_loop3A_48, %parallel_loop3A_88 : vector<16xi32>
          %parallel_loop3A_90 = arith.select %parallel_loop3A_89, %parallel_loop3A_86, %parallel_loop3A_82 : vector<16xi1>, vector<16xf32>
          %parallel_loop3A_91 = arith.constant 3200 : i32
          %parallel_loop3A_92 = arith.addi %parallel_loop3A_91, %parallel_loop3A_43 : i32
          %parallel_loop3A_93 = arith.index_cast %parallel_loop3A_92 : i32 to index
          %parallel_loop3A_94 = tpu.vector_load %arg5[%parallel_loop3A_93] {strides = array<i32>} : memref<3840xf32, #tpu.memory_space<vmem>>, vector<16xf32>,
          %parallel_loop3A_95 = arith.constant 5 : i32
          %parallel_loop3A_96 = vector.broadcast %parallel_loop3A_95 : i32 to vector<16xi32>
          %parallel_loop3A_97 = arith.cmpi eq, %parallel_loop3A_48, %parallel_loop3A_96 : vector<16xi32>
          %parallel_loop3A_98 = arith.select %parallel_loop3A_97, %parallel_loop3A_94, %parallel_loop3A_90 : vector<16xi1>, vector<16xf32>
          %parallel_loop3A_99 = arith.constant 5.000000e-03 : f32
          %parallel_loop3A_100 = vector.broadcast %parallel_loop3A_99 : f32 to vector<16xf32>
          %parallel_loop3A_101 = arith.mulf %parallel_loop3A_98, %parallel_loop3A_100 : vector<16xf32>
          %parallel_loop3A_102 = arith.constant 0.000000e+00 : f32
          %parallel_loop3A_103 = vector.broadcast %parallel_loop3A_102 : f32 to vector<16xf32>
          %parallel_loop3A_104 = arith.maximumf %parallel_loop3A_101, %parallel_loop3A_103 : vector<16xf32>
          %parallel_loop3A_105 = arith.constant 9.99999997E-7 : f32
          %parallel_loop3A_106 = vector.broadcast %parallel_loop3A_105 : f32 to vector<16xf32>
          %parallel_loop3A_107 = arith.addf %parallel_loop3A_104, %parallel_loop3A_106 : vector<16xf32>
          %parallel_loop3A_108 = vector.bitcast %parallel_loop3A_107 : vector<16xf32> to vector<16xi32>
          %parallel_loop3A_109 = arith.constant 1 : i32
          %parallel_loop3A_110 = vector.broadcast %parallel_loop3A_109 : i32 to vector<16xi32>
          %parallel_loop3A_111 = arith.shrui %parallel_loop3A_108, %parallel_loop3A_110 : vector<16xi32>
          %parallel_loop3A_112 = arith.constant 1597463007 : i32
          %parallel_loop3A_113 = vector.broadcast %parallel_loop3A_112 : i32 to vector<16xi32>
          %parallel_loop3A_114 = arith.subi %parallel_loop3A_113, %parallel_loop3A_111 : vector<16xi32>
          %parallel_loop3A_115 = vector.bitcast %parallel_loop3A_114 : vector<16xi32> to vector<16xf32>
          %parallel_loop3A_116 = arith.constant 5.000000e-01 : f32
          %parallel_loop3A_117 = vector.broadcast %parallel_loop3A_116 : f32 to vector<16xf32>
          %parallel_loop3A_118 = arith.mulf %parallel_loop3A_117, %parallel_loop3A_107 : vector<16xf32>
          %parallel_loop3A_119 = arith.mulf %parallel_loop3A_118, %parallel_loop3A_115 : vector<16xf32>
          %parallel_loop3A_120 = arith.mulf %parallel_loop3A_119, %parallel_loop3A_115 : vector<16xf32>
          %parallel_loop3A_121 = arith.constant 1.500000e+00 : f32
          %parallel_loop3A_122 = vector.broadcast %parallel_loop3A_121 : f32 to vector<16xf32>
          %parallel_loop3A_123 = arith.subf %parallel_loop3A_122, %parallel_loop3A_120 : vector<16xf32>
          %parallel_loop3A_124 = arith.mulf %parallel_loop3A_115, %parallel_loop3A_123 : vector<16xf32>
          %parallel_loop3A_125 = arith.constant 5.000000e-01 : f32
          %parallel_loop3A_126 = vector.broadcast %parallel_loop3A_125 : f32 to vector<16xf32>
          %parallel_loop3A_127 = arith.mulf %parallel_loop3A_126, %parallel_loop3A_107 : vector<16xf32>
          %parallel_loop3A_128 = arith.mulf %parallel_loop3A_127, %parallel_loop3A_124 : vector<16xf32>
          %parallel_loop3A_129 = arith.mulf %parallel_loop3A_128, %parallel_loop3A_124 : vector<16xf32>
          %parallel_loop3A_130 = arith.constant 1.500000e+00 : f32
          %parallel_loop3A_131 = vector.broadcast %parallel_loop3A_130 : f32 to vector<16xf32>
          %parallel_loop3A_132 = arith.subf %parallel_loop3A_131, %parallel_loop3A_129 : vector<16xf32>
          %parallel_loop3A_133 = arith.mulf %parallel_loop3A_124, %parallel_loop3A_132 : vector<16xf32>
          %parallel_loop3A_134 = arith.constant 5.000000e-01 : f32
          %parallel_loop3A_135 = vector.broadcast %parallel_loop3A_134 : f32 to vector<16xf32>
          %parallel_loop3A_136 = arith.mulf %parallel_loop3A_135, %parallel_loop3A_107 : vector<16xf32>
          %parallel_loop3A_137 = arith.mulf %parallel_loop3A_136, %parallel_loop3A_133 : vector<16xf32>
          %parallel_loop3A_138 = arith.mulf %parallel_loop3A_137, %parallel_loop3A_133 : vector<16xf32>
          %parallel_loop3A_139 = arith.constant 1.500000e+00 : f32
          %parallel_loop3A_140 = vector.broadcast %parallel_loop3A_139 : f32 to vector<16xf32>
          %parallel_loop3A_141 = arith.subf %parallel_loop3A_140, %parallel_loop3A_138 : vector<16xf32>
          %parallel_loop3A_142 = arith.mulf %parallel_loop3A_133, %parallel_loop3A_141 : vector<16xf32>
          %parallel_loop3A_143 = arith.constant 640 : i32
          %parallel_loop3A_144 = arith.muli %scan3A_38, %parallel_loop3A_143 : i32
          %parallel_loop3A_145 = arith.addi %parallel_loop3A_144, %parallel_loop3A_43 : i32
          %parallel_loop3A_146 = arith.index_cast %parallel_loop3A_145 : i32 to index
          %parallel_loop3A_147 = tpu.vector_load %arg7[%parallel_loop3A_146] {strides = array<i32>} : memref<5120xf32, #tpu.memory_space<vmem>>, vector<16xf32>,
          tpu.vector_store %arg7[%parallel_loop3A_146], %parallel_loop3A_142 {strides = array<i32>} : memref<5120xf32, #tpu.memory_space<vmem>>, vector<16xf32>,
        } {sc.loop_unroll_factor = 4 : i64, sc.parallel_access}
      }
      %scan3A_29 = arith.constant 8 : i32
      %run_scoped3A_30 = arith.constant 0 : i32
      "tpu.region"() ({
        %run_scoped3A_38 = tpu.sem_alloc : memref<!tpu.dma_semaphore, #tpu.memory_space<semaphore_mem>>
        %dma_start3A = arith.constant 0 : i32
        %dma_start3A_39 = tpu.memref_slice %arg7[%dma_start3A] : memref<5120xf32, #tpu.memory_space<vmem>> -> memref<512xf32, #tpu.memory_space<vmem>>
        %dma_start3A_40 = tpu.memref_slice %arg4[%run_scoped3A_30, %multiple_of3A] : memref<8x17408xf32, #tpu.memory_space<hbm>> -> memref<1x512xf32, #tpu.memory_space<hbm>>
        %dma_start3A_41 = tpu.memref_squeeze %dma_start3A_40 : memref<1x512xf32, #tpu.memory_space<hbm>> -> memref<512xf32, #tpu.memory_space<hbm>>
        %dma_start3A_42 = tpu.memref_slice %arg4[%run_scoped3A_30, %multiple_of3A] : memref<8x17408xf32, #tpu.memory_space<hbm>> -> memref<1x512xf32, #tpu.memory_space<hbm>>
        %dma_start3A_43 = tpu.memref_squeeze %dma_start3A_42 : memref<1x512xf32, #tpu.memory_space<hbm>> -> memref<512xf32, #tpu.memory_space<hbm>>
        %dma_start3A_44 = arith.constant 0 : i32
        %dma_start3A_45 = tpu.memref_slice %arg7[%dma_start3A_44] : memref<5120xf32, #tpu.memory_space<vmem>> -> memref<512xf32, #tpu.memory_space<vmem>>
        tpu.enqueue_dma source(%dma_start3A_45 : memref<512xf32, #tpu.memory_space<vmem>>) target(%dma_start3A_43 : memref<512xf32, #tpu.memory_space<hbm>>) target_semaphore(%run_scoped3A_38 : memref<!tpu.dma_semaphore, #tpu.memory_space<semaphore_mem>>)
        %dma_wait3A = arith.constant 0 : i32
        %dma_wait3A_46 = tpu.memref_slice %arg7[%dma_wait3A] : memref<5120xf32, #tpu.memory_space<vmem>> -> memref<512xf32, #tpu.memory_space<vmem>>
        %dma_wait3A_47 = tpu.memref_slice %arg4[%run_scoped3A_30, %multiple_of3A] : memref<8x17408xf32, #tpu.memory_space<hbm>> -> memref<1x512xf32, #tpu.memory_space<hbm>>
        %dma_wait3A_48 = tpu.memref_squeeze %dma_wait3A_47 : memref<1x512xf32, #tpu.memory_space<hbm>> -> memref<512xf32, #tpu.memory_space<hbm>>
        %dma_wait3A_49 = tpu.memref_slice %arg4[%run_scoped3A_30, %multiple_of3A] : memref<8x17408xf32, #tpu.memory_space<hbm>> -> memref<1x512xf32, #tpu.memory_space<hbm>>
        %dma_wait3A_50 = tpu.memref_squeeze %dma_wait3A_49 : memref<1x512xf32, #tpu.memory_space<hbm>> -> memref<512xf32, #tpu.memory_space<hbm>>
        %dma_wait3A_51 = arith.constant 0 : i32
        %dma_wait3A_52 = tpu.memref_slice %arg7[%dma_wait3A_51] : memref<5120xf32, #tpu.memory_space<vmem>> -> memref<512xf32, #tpu.memory_space<vmem>>
        tpu.wait_dma2 semaphore(%run_scoped3A_38 : memref<!tpu.dma_semaphore, #tpu.memory_space<semaphore_mem>>) src(%dma_wait3A_52 : memref<512xf32, #tpu.memory_space<vmem>>) dst(%dma_wait3A_50 : memref<512xf32, #tpu.memory_space<hbm>>)
        tpu.yield
      }) : () -> ()
      %run_scoped3A_31 = arith.constant 1 : i32
      "tpu.region"() ({
        %run_scoped3A_38 = tpu.sem_alloc : memref<!tpu.dma_semaphore, #tpu.memory_space<semaphore_mem>>
        %dma_start3A = arith.constant 640 : i32
        %dma_start3A_39 = tpu.memref_slice %arg7[%dma_start3A] : memref<5120xf32, #tpu.memory_space<vmem>> -> memref<512xf32, #tpu.memory_space<vmem>>
        %dma_start3A_40 = tpu.memref_slice %arg4[%run_scoped3A_31, %multiple_of3A] : memref<8x17408xf32, #tpu.memory_space<hbm>> -> memref<1x512xf32, #tpu.memory_space<hbm>>
        %dma_start3A_41 = tpu.memref_squeeze %dma_start3A_40 : memref<1x512xf32, #tpu.memory_space<hbm>> -> memref<512xf32, #tpu.memory_space<hbm>>
        %dma_start3A_42 = tpu.memref_slice %arg4[%run_scoped3A_31, %multiple_of3A] : memref<8x17408xf32, #tpu.memory_space<hbm>> -> memref<1x512xf32, #tpu.memory_space<hbm>>
        %dma_start3A_43 = tpu.memref_squeeze %dma_start3A_42 : memref<1x512xf32, #tpu.memory_space<hbm>> -> memref<512xf32, #tpu.memory_space<hbm>>
        %dma_start3A_44 = arith.constant 640 : i32
        %dma_start3A_45 = tpu.memref_slice %arg7[%dma_start3A_44] : memref<5120xf32, #tpu.memory_space<vmem>> -> memref<512xf32, #tpu.memory_space<vmem>>
        tpu.enqueue_dma source(%dma_start3A_45 : memref<512xf32, #tpu.memory_space<vmem>>) target(%dma_start3A_43 : memref<512xf32, #tpu.memory_space<hbm>>) target_semaphore(%run_scoped3A_38 : memref<!tpu.dma_semaphore, #tpu.memory_space<semaphore_mem>>)
        %dma_wait3A = arith.constant 640 : i32
        %dma_wait3A_46 = tpu.memref_slice %arg7[%dma_wait3A] : memref<5120xf32, #tpu.memory_space<vmem>> -> memref<512xf32, #tpu.memory_space<vmem>>
        %dma_wait3A_47 = tpu.memref_slice %arg4[%run_scoped3A_31, %multiple_of3A] : memref<8x17408xf32, #tpu.memory_space<hbm>> -> memref<1x512xf32, #tpu.memory_space<hbm>>
        %dma_wait3A_48 = tpu.memref_squeeze %dma_wait3A_47 : memref<1x512xf32, #tpu.memory_space<hbm>> -> memref<512xf32, #tpu.memory_space<hbm>>
        %dma_wait3A_49 = tpu.memref_slice %arg4[%run_scoped3A_31, %multiple_of3A] : memref<8x17408xf32, #tpu.memory_space<hbm>> -> memref<1x512xf32, #tpu.memory_space<hbm>>
        %dma_wait3A_50 = tpu.memref_squeeze %dma_wait3A_49 : memref<1x512xf32, #tpu.memory_space<hbm>> -> memref<512xf32, #tpu.memory_space<hbm>>
        %dma_wait3A_51 = arith.constant 640 : i32
        %dma_wait3A_52 = tpu.memref_slice %arg7[%dma_wait3A_51] : memref<5120xf32, #tpu.memory_space<vmem>> -> memref<512xf32, #tpu.memory_space<vmem>>
        tpu.wait_dma2 semaphore(%run_scoped3A_38 : memref<!tpu.dma_semaphore, #tpu.memory_space<semaphore_mem>>) src(%dma_wait3A_52 : memref<512xf32, #tpu.memory_space<vmem>>) dst(%dma_wait3A_50 : memref<512xf32, #tpu.memory_space<hbm>>)
        tpu.yield
      }) : () -> ()
      %run_scoped3A_32 = arith.constant 2 : i32
      "tpu.region"() ({
        %run_scoped3A_38 = tpu.sem_alloc : memref<!tpu.dma_semaphore, #tpu.memory_space<semaphore_mem>>
        %dma_start3A = arith.constant 1280 : i32
        %dma_start3A_39 = tpu.memref_slice %arg7[%dma_start3A] : memref<5120xf32, #tpu.memory_space<vmem>> -> memref<512xf32, #tpu.memory_space<vmem>>
        %dma_start3A_40 = tpu.memref_slice %arg4[%run_scoped3A_32, %multiple_of3A] : memref<8x17408xf32, #tpu.memory_space<hbm>> -> memref<1x512xf32, #tpu.memory_space<hbm>>
        %dma_start3A_41 = tpu.memref_squeeze %dma_start3A_40 : memref<1x512xf32, #tpu.memory_space<hbm>> -> memref<512xf32, #tpu.memory_space<hbm>>
        %dma_start3A_42 = tpu.memref_slice %arg4[%run_scoped3A_32, %multiple_of3A] : memref<8x17408xf32, #tpu.memory_space<hbm>> -> memref<1x512xf32, #tpu.memory_space<hbm>>
        %dma_start3A_43 = tpu.memref_squeeze %dma_start3A_42 : memref<1x512xf32, #tpu.memory_space<hbm>> -> memref<512xf32, #tpu.memory_space<hbm>>
        %dma_start3A_44 = arith.constant 1280 : i32
        %dma_start3A_45 = tpu.memref_slice %arg7[%dma_start3A_44] : memref<5120xf32, #tpu.memory_space<vmem>> -> memref<512xf32, #tpu.memory_space<vmem>>
        tpu.enqueue_dma source(%dma_start3A_45 : memref<512xf32, #tpu.memory_space<vmem>>) target(%dma_start3A_43 : memref<512xf32, #tpu.memory_space<hbm>>) target_semaphore(%run_scoped3A_38 : memref<!tpu.dma_semaphore, #tpu.memory_space<semaphore_mem>>)
        %dma_wait3A = arith.constant 1280 : i32
        %dma_wait3A_46 = tpu.memref_slice %arg7[%dma_wait3A] : memref<5120xf32, #tpu.memory_space<vmem>> -> memref<512xf32, #tpu.memory_space<vmem>>
        %dma_wait3A_47 = tpu.memref_slice %arg4[%run_scoped3A_32, %multiple_of3A] : memref<8x17408xf32, #tpu.memory_space<hbm>> -> memref<1x512xf32, #tpu.memory_space<hbm>>
        %dma_wait3A_48 = tpu.memref_squeeze %dma_wait3A_47 : memref<1x512xf32, #tpu.memory_space<hbm>> -> memref<512xf32, #tpu.memory_space<hbm>>
        %dma_wait3A_49 = tpu.memref_slice %arg4[%run_scoped3A_32, %multiple_of3A] : memref<8x17408xf32, #tpu.memory_space<hbm>> -> memref<1x512xf32, #tpu.memory_space<hbm>>
        %dma_wait3A_50 = tpu.memref_squeeze %dma_wait3A_49 : memref<1x512xf32, #tpu.memory_space<hbm>> -> memref<512xf32, #tpu.memory_space<hbm>>
        %dma_wait3A_51 = arith.constant 1280 : i32
        %dma_wait3A_52 = tpu.memref_slice %arg7[%dma_wait3A_51] : memref<5120xf32, #tpu.memory_space<vmem>> -> memref<512xf32, #tpu.memory_space<vmem>>
        tpu.wait_dma2 semaphore(%run_scoped3A_38 : memref<!tpu.dma_semaphore, #tpu.memory_space<semaphore_mem>>) src(%dma_wait3A_52 : memref<512xf32, #tpu.memory_space<vmem>>) dst(%dma_wait3A_50 : memref<512xf32, #tpu.memory_space<hbm>>)
        tpu.yield
      }) : () -> ()
      %run_scoped3A_33 = arith.constant 3 : i32
      "tpu.region"() ({
        %run_scoped3A_38 = tpu.sem_alloc : memref<!tpu.dma_semaphore, #tpu.memory_space<semaphore_mem>>
        %dma_start3A = arith.constant 1920 : i32
        %dma_start3A_39 = tpu.memref_slice %arg7[%dma_start3A] : memref<5120xf32, #tpu.memory_space<vmem>> -> memref<512xf32, #tpu.memory_space<vmem>>
        %dma_start3A_40 = tpu.memref_slice %arg4[%run_scoped3A_33, %multiple_of3A] : memref<8x17408xf32, #tpu.memory_space<hbm>> -> memref<1x512xf32, #tpu.memory_space<hbm>>
        %dma_start3A_41 = tpu.memref_squeeze %dma_start3A_40 : memref<1x512xf32, #tpu.memory_space<hbm>> -> memref<512xf32, #tpu.memory_space<hbm>>
        %dma_start3A_42 = tpu.memref_slice %arg4[%run_scoped3A_33, %multiple_of3A] : memref<8x17408xf32, #tpu.memory_space<hbm>> -> memref<1x512xf32, #tpu.memory_space<hbm>>
        %dma_start3A_43 = tpu.memref_squeeze %dma_start3A_42 : memref<1x512xf32, #tpu.memory_space<hbm>> -> memref<512xf32, #tpu.memory_space<hbm>>
        %dma_start3A_44 = arith.constant 1920 : i32
        %dma_start3A_45 = tpu.memref_slice %arg7[%dma_start3A_44] : memref<5120xf32, #tpu.memory_space<vmem>> -> memref<512xf32, #tpu.memory_space<vmem>>
        tpu.enqueue_dma source(%dma_start3A_45 : memref<512xf32, #tpu.memory_space<vmem>>) target(%dma_start3A_43 : memref<512xf32, #tpu.memory_space<hbm>>) target_semaphore(%run_scoped3A_38 : memref<!tpu.dma_semaphore, #tpu.memory_space<semaphore_mem>>)
        %dma_wait3A = arith.constant 1920 : i32
        %dma_wait3A_46 = tpu.memref_slice %arg7[%dma_wait3A] : memref<5120xf32, #tpu.memory_space<vmem>> -> memref<512xf32, #tpu.memory_space<vmem>>
        %dma_wait3A_47 = tpu.memref_slice %arg4[%run_scoped3A_33, %multiple_of3A] : memref<8x17408xf32, #tpu.memory_space<hbm>> -> memref<1x512xf32, #tpu.memory_space<hbm>>
        %dma_wait3A_48 = tpu.memref_squeeze %dma_wait3A_47 : memref<1x512xf32, #tpu.memory_space<hbm>> -> memref<512xf32, #tpu.memory_space<hbm>>
        %dma_wait3A_49 = tpu.memref_slice %arg4[%run_scoped3A_33, %multiple_of3A] : memref<8x17408xf32, #tpu.memory_space<hbm>> -> memref<1x512xf32, #tpu.memory_space<hbm>>
        %dma_wait3A_50 = tpu.memref_squeeze %dma_wait3A_49 : memref<1x512xf32, #tpu.memory_space<hbm>> -> memref<512xf32, #tpu.memory_space<hbm>>
        %dma_wait3A_51 = arith.constant 1920 : i32
        %dma_wait3A_52 = tpu.memref_slice %arg7[%dma_wait3A_51] : memref<5120xf32, #tpu.memory_space<vmem>> -> memref<512xf32, #tpu.memory_space<vmem>>
        tpu.wait_dma2 semaphore(%run_scoped3A_38 : memref<!tpu.dma_semaphore, #tpu.memory_space<semaphore_mem>>) src(%dma_wait3A_52 : memref<512xf32, #tpu.memory_space<vmem>>) dst(%dma_wait3A_50 : memref<512xf32, #tpu.memory_space<hbm>>)
        tpu.yield
      }) : () -> ()
      %run_scoped3A_34 = arith.constant 4 : i32
      "tpu.region"() ({
        %run_scoped3A_38 = tpu.sem_alloc : memref<!tpu.dma_semaphore, #tpu.memory_space<semaphore_mem>>
        %dma_start3A = arith.constant 2560 : i32
        %dma_start3A_39 = tpu.memref_slice %arg7[%dma_start3A] : memref<5120xf32, #tpu.memory_space<vmem>> -> memref<512xf32, #tpu.memory_space<vmem>>
        %dma_start3A_40 = tpu.memref_slice %arg4[%run_scoped3A_34, %multiple_of3A] : memref<8x17408xf32, #tpu.memory_space<hbm>> -> memref<1x512xf32, #tpu.memory_space<hbm>>
        %dma_start3A_41 = tpu.memref_squeeze %dma_start3A_40 : memref<1x512xf32, #tpu.memory_space<hbm>> -> memref<512xf32, #tpu.memory_space<hbm>>
        %dma_start3A_42 = tpu.memref_slice %arg4[%run_scoped3A_34, %multiple_of3A] : memref<8x17408xf32, #tpu.memory_space<hbm>> -> memref<1x512xf32, #tpu.memory_space<hbm>>
        %dma_start3A_43 = tpu.memref_squeeze %dma_start3A_42 : memref<1x512xf32, #tpu.memory_space<hbm>> -> memref<512xf32, #tpu.memory_space<hbm>>
        %dma_start3A_44 = arith.constant 2560 : i32
        %dma_start3A_45 = tpu.memref_slice %arg7[%dma_start3A_44] : memref<5120xf32, #tpu.memory_space<vmem>> -> memref<512xf32, #tpu.memory_space<vmem>>
        tpu.enqueue_dma source(%dma_start3A_45 : memref<512xf32, #tpu.memory_space<vmem>>) target(%dma_start3A_43 : memref<512xf32, #tpu.memory_space<hbm>>) target_semaphore(%run_scoped3A_38 : memref<!tpu.dma_semaphore, #tpu.memory_space<semaphore_mem>>)
        %dma_wait3A = arith.constant 2560 : i32
        %dma_wait3A_46 = tpu.memref_slice %arg7[%dma_wait3A] : memref<5120xf32, #tpu.memory_space<vmem>> -> memref<512xf32, #tpu.memory_space<vmem>>
        %dma_wait3A_47 = tpu.memref_slice %arg4[%run_scoped3A_34, %multiple_of3A] : memref<8x17408xf32, #tpu.memory_space<hbm>> -> memref<1x512xf32, #tpu.memory_space<hbm>>
        %dma_wait3A_48 = tpu.memref_squeeze %dma_wait3A_47 : memref<1x512xf32, #tpu.memory_space<hbm>> -> memref<512xf32, #tpu.memory_space<hbm>>
        %dma_wait3A_49 = tpu.memref_slice %arg4[%run_scoped3A_34, %multiple_of3A] : memref<8x17408xf32, #tpu.memory_space<hbm>> -> memref<1x512xf32, #tpu.memory_space<hbm>>
        %dma_wait3A_50 = tpu.memref_squeeze %dma_wait3A_49 : memref<1x512xf32, #tpu.memory_space<hbm>> -> memref<512xf32, #tpu.memory_space<hbm>>
        %dma_wait3A_51 = arith.constant 2560 : i32
        %dma_wait3A_52 = tpu.memref_slice %arg7[%dma_wait3A_51] : memref<5120xf32, #tpu.memory_space<vmem>> -> memref<512xf32, #tpu.memory_space<vmem>>
        tpu.wait_dma2 semaphore(%run_scoped3A_38 : memref<!tpu.dma_semaphore, #tpu.memory_space<semaphore_mem>>) src(%dma_wait3A_52 : memref<512xf32, #tpu.memory_space<vmem>>) dst(%dma_wait3A_50 : memref<512xf32, #tpu.memory_space<hbm>>)
        tpu.yield
      }) : () -> ()
      %run_scoped3A_35 = arith.constant 5 : i32
      "tpu.region"() ({
        %run_scoped3A_38 = tpu.sem_alloc : memref<!tpu.dma_semaphore, #tpu.memory_space<semaphore_mem>>
        %dma_start3A = arith.constant 3200 : i32
        %dma_start3A_39 = tpu.memref_slice %arg7[%dma_start3A] : memref<5120xf32, #tpu.memory_space<vmem>> -> memref<512xf32, #tpu.memory_space<vmem>>
        %dma_start3A_40 = tpu.memref_slice %arg4[%run_scoped3A_35, %multiple_of3A] : memref<8x17408xf32, #tpu.memory_space<hbm>> -> memref<1x512xf32, #tpu.memory_space<hbm>>
        %dma_start3A_41 = tpu.memref_squeeze %dma_start3A_40 : memref<1x512xf32, #tpu.memory_space<hbm>> -> memref<512xf32, #tpu.memory_space<hbm>>
        %dma_start3A_42 = tpu.memref_slice %arg4[%run_scoped3A_35, %multiple_of3A] : memref<8x17408xf32, #tpu.memory_space<hbm>> -> memref<1x512xf32, #tpu.memory_space<hbm>>
        %dma_start3A_43 = tpu.memref_squeeze %dma_start3A_42 : memref<1x512xf32, #tpu.memory_space<hbm>> -> memref<512xf32, #tpu.memory_space<hbm>>
        %dma_start3A_44 = arith.constant 3200 : i32
        %dma_start3A_45 = tpu.memref_slice %arg7[%dma_start3A_44] : memref<5120xf32, #tpu.memory_space<vmem>> -> memref<512xf32, #tpu.memory_space<vmem>>
        tpu.enqueue_dma source(%dma_start3A_45 : memref<512xf32, #tpu.memory_space<vmem>>) target(%dma_start3A_43 : memref<512xf32, #tpu.memory_space<hbm>>) target_semaphore(%run_scoped3A_38 : memref<!tpu.dma_semaphore, #tpu.memory_space<semaphore_mem>>)
        %dma_wait3A = arith.constant 3200 : i32
        %dma_wait3A_46 = tpu.memref_slice %arg7[%dma_wait3A] : memref<5120xf32, #tpu.memory_space<vmem>> -> memref<512xf32, #tpu.memory_space<vmem>>
        %dma_wait3A_47 = tpu.memref_slice %arg4[%run_scoped3A_35, %multiple_of3A] : memref<8x17408xf32, #tpu.memory_space<hbm>> -> memref<1x512xf32, #tpu.memory_space<hbm>>
        %dma_wait3A_48 = tpu.memref_squeeze %dma_wait3A_47 : memref<1x512xf32, #tpu.memory_space<hbm>> -> memref<512xf32, #tpu.memory_space<hbm>>
        %dma_wait3A_49 = tpu.memref_slice %arg4[%run_scoped3A_35, %multiple_of3A] : memref<8x17408xf32, #tpu.memory_space<hbm>> -> memref<1x512xf32, #tpu.memory_space<hbm>>
        %dma_wait3A_50 = tpu.memref_squeeze %dma_wait3A_49 : memref<1x512xf32, #tpu.memory_space<hbm>> -> memref<512xf32, #tpu.memory_space<hbm>>
        %dma_wait3A_51 = arith.constant 3200 : i32
        %dma_wait3A_52 = tpu.memref_slice %arg7[%dma_wait3A_51] : memref<5120xf32, #tpu.memory_space<vmem>> -> memref<512xf32, #tpu.memory_space<vmem>>
        tpu.wait_dma2 semaphore(%run_scoped3A_38 : memref<!tpu.dma_semaphore, #tpu.memory_space<semaphore_mem>>) src(%dma_wait3A_52 : memref<512xf32, #tpu.memory_space<vmem>>) dst(%dma_wait3A_50 : memref<512xf32, #tpu.memory_space<hbm>>)
        tpu.yield
      }) : () -> ()
      %run_scoped3A_36 = arith.constant 6 : i32
      "tpu.region"() ({
        %run_scoped3A_38 = tpu.sem_alloc : memref<!tpu.dma_semaphore, #tpu.memory_space<semaphore_mem>>
        %dma_start3A = arith.constant 3840 : i32
        %dma_start3A_39 = tpu.memref_slice %arg7[%dma_start3A] : memref<5120xf32, #tpu.memory_space<vmem>> -> memref<512xf32, #tpu.memory_space<vmem>>
        %dma_start3A_40 = tpu.memref_slice %arg4[%run_scoped3A_36, %multiple_of3A] : memref<8x17408xf32, #tpu.memory_space<hbm>> -> memref<1x512xf32, #tpu.memory_space<hbm>>
        %dma_start3A_41 = tpu.memref_squeeze %dma_start3A_40 : memref<1x512xf32, #tpu.memory_space<hbm>> -> memref<512xf32, #tpu.memory_space<hbm>>
        %dma_start3A_42 = tpu.memref_slice %arg4[%run_scoped3A_36, %multiple_of3A] : memref<8x17408xf32, #tpu.memory_space<hbm>> -> memref<1x512xf32, #tpu.memory_space<hbm>>
        %dma_start3A_43 = tpu.memref_squeeze %dma_start3A_42 : memref<1x512xf32, #tpu.memory_space<hbm>> -> memref<512xf32, #tpu.memory_space<hbm>>
        %dma_start3A_44 = arith.constant 3840 : i32
        %dma_start3A_45 = tpu.memref_slice %arg7[%dma_start3A_44] : memref<5120xf32, #tpu.memory_space<vmem>> -> memref<512xf32, #tpu.memory_space<vmem>>
        tpu.enqueue_dma source(%dma_start3A_45 : memref<512xf32, #tpu.memory_space<vmem>>) target(%dma_start3A_43 : memref<512xf32, #tpu.memory_space<hbm>>) target_semaphore(%run_scoped3A_38 : memref<!tpu.dma_semaphore, #tpu.memory_space<semaphore_mem>>)
        %dma_wait3A = arith.constant 3840 : i32
        %dma_wait3A_46 = tpu.memref_slice %arg7[%dma_wait3A] : memref<5120xf32, #tpu.memory_space<vmem>> -> memref<512xf32, #tpu.memory_space<vmem>>
        %dma_wait3A_47 = tpu.memref_slice %arg4[%run_scoped3A_36, %multiple_of3A] : memref<8x17408xf32, #tpu.memory_space<hbm>> -> memref<1x512xf32, #tpu.memory_space<hbm>>
        %dma_wait3A_48 = tpu.memref_squeeze %dma_wait3A_47 : memref<1x512xf32, #tpu.memory_space<hbm>> -> memref<512xf32, #tpu.memory_space<hbm>>
        %dma_wait3A_49 = tpu.memref_slice %arg4[%run_scoped3A_36, %multiple_of3A] : memref<8x17408xf32, #tpu.memory_space<hbm>> -> memref<1x512xf32, #tpu.memory_space<hbm>>
        %dma_wait3A_50 = tpu.memref_squeeze %dma_wait3A_49 : memref<1x512xf32, #tpu.memory_space<hbm>> -> memref<512xf32, #tpu.memory_space<hbm>>
        %dma_wait3A_51 = arith.constant 3840 : i32
        %dma_wait3A_52 = tpu.memref_slice %arg7[%dma_wait3A_51] : memref<5120xf32, #tpu.memory_space<vmem>> -> memref<512xf32, #tpu.memory_space<vmem>>
        tpu.wait_dma2 semaphore(%run_scoped3A_38 : memref<!tpu.dma_semaphore, #tpu.memory_space<semaphore_mem>>) src(%dma_wait3A_52 : memref<512xf32, #tpu.memory_space<vmem>>) dst(%dma_wait3A_50 : memref<512xf32, #tpu.memory_space<hbm>>)
        tpu.yield
      }) : () -> ()
      %run_scoped3A_37 = arith.constant 7 : i32
      "tpu.region"() ({
        %run_scoped3A_38 = tpu.sem_alloc : memref<!tpu.dma_semaphore, #tpu.memory_space<semaphore_mem>>
        %dma_start3A = arith.constant 4480 : i32
        %dma_start3A_39 = tpu.memref_slice %arg7[%dma_start3A] : memref<5120xf32, #tpu.memory_space<vmem>> -> memref<512xf32, #tpu.memory_space<vmem>>
        %dma_start3A_40 = tpu.memref_slice %arg4[%run_scoped3A_37, %multiple_of3A] : memref<8x17408xf32, #tpu.memory_space<hbm>> -> memref<1x512xf32, #tpu.memory_space<hbm>>
        %dma_start3A_41 = tpu.memref_squeeze %dma_start3A_40 : memref<1x512xf32, #tpu.memory_space<hbm>> -> memref<512xf32, #tpu.memory_space<hbm>>
        %dma_start3A_42 = tpu.memref_slice %arg4[%run_scoped3A_37, %multiple_of3A] : memref<8x17408xf32, #tpu.memory_space<hbm>> -> memref<1x512xf32, #tpu.memory_space<hbm>>
        %dma_start3A_43 = tpu.memref_squeeze %dma_start3A_42 : memref<1x512xf32, #tpu.memory_space<hbm>> -> memref<512xf32, #tpu.memory_space<hbm>>
        %dma_start3A_44 = arith.constant 4480 : i32
        %dma_start3A_45 = tpu.memref_slice %arg7[%dma_start3A_44] : memref<5120xf32, #tpu.memory_space<vmem>> -> memref<512xf32, #tpu.memory_space<vmem>>
        tpu.enqueue_dma source(%dma_start3A_45 : memref<512xf32, #tpu.memory_space<vmem>>) target(%dma_start3A_43 : memref<512xf32, #tpu.memory_space<hbm>>) target_semaphore(%run_scoped3A_38 : memref<!tpu.dma_semaphore, #tpu.memory_space<semaphore_mem>>)
        %dma_wait3A = arith.constant 4480 : i32
        %dma_wait3A_46 = tpu.memref_slice %arg7[%dma_wait3A] : memref<5120xf32, #tpu.memory_space<vmem>> -> memref<512xf32, #tpu.memory_space<vmem>>
        %dma_wait3A_47 = tpu.memref_slice %arg4[%run_scoped3A_37, %multiple_of3A] : memref<8x17408xf32, #tpu.memory_space<hbm>> -> memref<1x512xf32, #tpu.memory_space<hbm>>
        %dma_wait3A_48 = tpu.memref_squeeze %dma_wait3A_47 : memref<1x512xf32, #tpu.memory_space<hbm>> -> memref<512xf32, #tpu.memory_space<hbm>>
        %dma_wait3A_49 = tpu.memref_slice %arg4[%run_scoped3A_37, %multiple_of3A] : memref<8x17408xf32, #tpu.memory_space<hbm>> -> memref<1x512xf32, #tpu.memory_space<hbm>>
        %dma_wait3A_50 = tpu.memref_squeeze %dma_wait3A_49 : memref<1x512xf32, #tpu.memory_space<hbm>> -> memref<512xf32, #tpu.memory_space<hbm>>
        %dma_wait3A_51 = arith.constant 4480 : i32
        %dma_wait3A_52 = tpu.memref_slice %arg7[%dma_wait3A_51] : memref<5120xf32, #tpu.memory_space<vmem>> -> memref<512xf32, #tpu.memory_space<vmem>>
        tpu.wait_dma2 semaphore(%run_scoped3A_38 : memref<!tpu.dma_semaphore, #tpu.memory_space<semaphore_mem>>) src(%dma_wait3A_52 : memref<512xf32, #tpu.memory_space<vmem>>) dst(%dma_wait3A_50 : memref<512xf32, #tpu.memory_space<hbm>>)
        tpu.yield
      }) : () -> ()
    } else {
    }
    return
  }
}

module attributes {stable_mosaic.version = 14 : i64} {
  func.func @_table_blk(%arg0: i32, %arg1: memref<8x1024xf32, #tpu.memory_space<vmem>>, %arg2: memref<8x200xf32, #tpu.memory_space<vmem>>, %arg3: memref<1024x200xf32, #tpu.memory_space<vmem>>, %arg4: memref<8x1024xf32, #tpu.memory_space<vmem>>, %arg5: memref<8x1024xi32, #tpu.memory_space<vmem>>, %arg6: memref<8x1024xf32, #tpu.memory_space<vmem>>) attributes {dimension_semantics = [#tpu.dimension_semantics<arbitrary>], iteration_bounds = array<i64: 17>, scalar_prefetch = 0 : i64, scratch_operands = 0 : i64, tpu.core_type = #tpu.core_type<tc>, window_params = [{transform_indices = @transform_0, window_bounds = array<i64: 8, 1024>}, {pipeline_mode = #tpu.pipeline_mode<synchronous>, transform_indices = @transform_1, window_bounds = array<i64: 8, 200>}, {transform_indices = @transform_2, window_bounds = array<i64: 1024, 200>}, {transform_indices = @transform_3, window_bounds = array<i64: 8, 1024>}, {transform_indices = @transform_4, window_bounds = array<i64: 8, 1024>}, {pipeline_mode = #tpu.pipeline_mode<synchronous>, transform_indices = @transform_5, window_bounds = array<i64: 8, 1024>}]} {
    %get3A = arith.constant 0 : index
    %get3A_0 = arith.constant 0 : index
    %get3A_1 = vector.load %arg1[%get3A, %get3A_0] : memref<8x1024xf32, #tpu.memory_space<vmem>>, vector<8x1024xf32>
    %ne3A = arith.cmpf one, %get3A_1, %get3A_1 : vector<8x1024xf32>
    %jit3A = arith.constant 0.000000e+00 : f32
    %broadcast_in_dim3A = vector.broadcast %jit3A : f32 to vector<8x1024xf32>
    %select_n3A = arith.select %ne3A, %broadcast_in_dim3A, %get3A_1 : vector<8x1024xi1>, vector<8x1024xf32>
    %jit3A_2 = arith.constant 0.000000e+00 : f32
    %jit3A_3 = arith.constant 5.000000e+00 : f32
    %max3A = vector.broadcast %jit3A_2 : f32 to vector<8x1024xf32>
    %max3A_4 = arith.maximumf %max3A, %select_n3A : vector<8x1024xf32>
    %min3A = vector.broadcast %jit3A_3 : f32 to vector<8x1024xf32>
    %min3A_5 = arith.minimumf %min3A, %max3A_4 : vector<8x1024xf32>
    %round3A = math.roundeven %min3A_5 : vector<8x1024xf32>
    %convert_element_type3A = arith.fptosi %round3A : vector<8x1024xf32> to vector<8x1024xi32>
    %swap3A = arith.constant 0 : index
    %swap3A_6 = arith.constant 0 : index
    %swap3A_7 = vector.load %arg5[%swap3A, %swap3A_6] : memref<8x1024xi32, #tpu.memory_space<vmem>>, vector<8x1024xi32>
    tpu.vector_store %arg5[%swap3A, %swap3A_6], %convert_element_type3A {strides = array<i32>} : memref<8x1024xi32, #tpu.memory_space<vmem>>, vector<8x1024xi32>,
    %get3A_8 = arith.constant 0 : index
    %get3A_9 = arith.constant 0 : index
    %get3A_10 = vector.load %arg2[%get3A_8, %get3A_9] : memref<8x200xf32, #tpu.memory_space<vmem>>, vector<8x200xf32>
    %get3A_11 = arith.constant 0 : index
    %get3A_12 = arith.constant 0 : index
    %get3A_13 = vector.load %arg3[%get3A_11, %get3A_12] : memref<1024x200xf32, #tpu.memory_space<vmem>>, vector<1024x200xf32>
    %mul3A = arith.mulf %get3A_10, %get3A_10 : vector<8x200xf32>
    %reduce_sum3A = arith.constant dense<0.000000e+00> : vector<8xf32>
    %reduce_sum3A_14 = vector.multi_reduction <add>, %mul3A, %reduce_sum3A [1] : vector<8x200xf32> to vector<8xf32>
    %broadcast_in_dim3A_15 = vector.shape_cast %reduce_sum3A_14 : vector<8xf32> to vector<8x1xf32>
    %mul3A_16 = arith.mulf %get3A_13, %get3A_13 : vector<1024x200xf32>
    %reduce_sum3A_17 = arith.constant dense<0.000000e+00> : vector<1024xf32>
    %reduce_sum3A_18 = vector.multi_reduction <add>, %mul3A_16, %reduce_sum3A_17 [1] : vector<1024x200xf32> to vector<1024xf32>
    %broadcast_in_dim3A_19 = vector.shape_cast %reduce_sum3A_18 : vector<1024xf32> to vector<1x1024xf32>
    %dot_general3A = arith.constant dense<0.000000e+00> : vector<8x1024xf32>
    %dot_general3A_20 = tpu.matmul %get3A_10, %get3A_13, %dot_general3A {dimension_numbers = #tpu.dot_dimension_numbers<[1], [1], [0], [0], [0, 0, 1, 0], [], []>, transpose_lhs_hint = false} : vector<8x200xf32>, vector<1024x200xf32>, vector<8x1024xf32> -> vector<8x1024xf32>
    %mul3A_21 = arith.constant 2.000000e+00 : f32
    %mul3A_22 = vector.broadcast %mul3A_21 : f32 to vector<8x1024xf32>
    %mul3A_23 = arith.mulf %mul3A_22, %dot_general3A_20 : vector<8x1024xf32>
    %add3A = vector.broadcast %broadcast_in_dim3A_15 : vector<8x1xf32> to vector<8x1024xf32>
    %add3A_24 = arith.addf %mul3A_23, %add3A : vector<8x1024xf32>
    %add3A_25 = vector.broadcast %broadcast_in_dim3A_19 : vector<1x1024xf32> to vector<8x1024xf32>
    %add3A_26 = arith.addf %add3A_24, %add3A_25 : vector<8x1024xf32>
    %swap3A_27 = arith.constant 0 : index
    %swap3A_28 = arith.constant 0 : index
    %swap3A_29 = vector.load %arg4[%swap3A_27, %swap3A_28] : memref<8x1024xf32, #tpu.memory_space<vmem>>, vector<8x1024xf32>
    tpu.vector_store %arg4[%swap3A_27, %swap3A_28], %add3A_26 {strides = array<i32>} : memref<8x1024xf32, #tpu.memory_space<vmem>>, vector<8x1024xf32>,
    %eq3A = arith.constant 16 : i32
    %eq3A_30 = arith.cmpi eq, %arg0, %eq3A : i32
    %convert_element_type3A_31 = arith.extui %eq3A_30 : i1 to i32
    %cond3A = arith.constant 0 : i32
    %cond3A_32 = arith.cmpi ne, %convert_element_type3A_31, %cond3A : i32
    scf.if %cond3A_32 {
      %iota3A = tpu.iota {dimensions = array<i32: 2>} : vector<8x1024x8xi32>
      %broadcast_in_dim3A_33 = vector.shape_cast %convert_element_type3A : vector<8x1024xi32> to vector<8x1024x1xi32>
      %eq3A_34 = vector.broadcast %broadcast_in_dim3A_33 : vector<8x1024x1xi32> to vector<8x1024x8xi32>
      %eq3A_35 = arith.cmpi eq, %eq3A_34, %iota3A : vector<8x1024x8xi32>
      %convert_element_type3A_36 = arith.extui %eq3A_35 : vector<8x1024x8xi1> to vector<8x1024x8xi32>
      %convert_element_type3A_37 = arith.sitofp %convert_element_type3A_36 : vector<8x1024x8xi32> to vector<8x1024x8xf32>
      %slice3A = vector.extract_strided_slice %convert_element_type3A_37 {offsets = [0, 0, 0], sizes = [1, 1024, 8], strides = [1, 1, 1]} : vector<8x1024x8xf32> to vector<1x1024x8xf32>
      %squeeze3A = vector.shape_cast %slice3A : vector<1x1024x8xf32> to vector<1024x8xf32>
      %dot_general3A_38 = arith.constant dense<0.000000e+00> : vector<1024x200xf32>
      %dot_general3A_39 = tpu.matmul %squeeze3A, %get3A_10, %dot_general3A_38 {dimension_numbers = #tpu.dot_dimension_numbers<[1], [0], [0], [1], [0, 0, 1, 1], [], []>, transpose_lhs_hint = false} : vector<1024x8xf32>, vector<8x200xf32>, vector<1024x200xf32> -> vector<1024x200xf32>
      %add3A_40 = arith.addf %dot_general3A_39, %get3A_13 : vector<1024x200xf32>
      %mul3A_41 = arith.mulf %add3A_40, %add3A_40 : vector<1024x200xf32>
      %reduce_sum3A_42 = arith.constant dense<0.000000e+00> : vector<1024xf32>
      %reduce_sum3A_43 = vector.multi_reduction <add>, %mul3A_41, %reduce_sum3A_42 [1] : vector<1024x200xf32> to vector<1024xf32>
      %div3A = arith.constant 2.000000e+02 : f32
      %div3A_44 = vector.broadcast %div3A : f32 to vector<1024xf32>
      %div3A_45 = arith.divf %reduce_sum3A_43, %div3A_44 : vector<1024xf32>
      %add3A_46 = arith.constant 9.99999997E-7 : f32
      %add3A_47 = vector.broadcast %add3A_46 : f32 to vector<1024xf32>
      %add3A_48 = arith.addf %div3A_45, %add3A_47 : vector<1024xf32>
      %rsqrt3A = math.rsqrt %add3A_48 : vector<1024xf32>
      %swap3A_49 = arith.constant 0 : index
      %swap3A_50 = arith.constant 0 : index
      %swap3A_51 = vector.load %arg6[%swap3A_49, %swap3A_50] : memref<8x1024xf32, #tpu.memory_space<vmem>>, vector<1x1024xf32>
      %swap3A_52 = vector.shape_cast %swap3A_51 : vector<1x1024xf32> to vector<1024xf32>
      %swap3A_53 = vector.shape_cast %rsqrt3A : vector<1024xf32> to vector<1x1024xf32>
      tpu.vector_store %arg6[%swap3A_49, %swap3A_50], %swap3A_53 {strides = array<i32>} : memref<8x1024xf32, #tpu.memory_space<vmem>>, vector<1x1024xf32>,
      %slice3A_54 = vector.extract_strided_slice %convert_element_type3A_37 {offsets = [1, 0, 0], sizes = [1, 1024, 8], strides = [1, 1, 1]} : vector<8x1024x8xf32> to vector<1x1024x8xf32>
      %squeeze3A_55 = vector.shape_cast %slice3A_54 : vector<1x1024x8xf32> to vector<1024x8xf32>
      %dot_general3A_56 = arith.constant dense<0.000000e+00> : vector<1024x200xf32>
      %dot_general3A_57 = tpu.matmul %squeeze3A_55, %get3A_10, %dot_general3A_56 {dimension_numbers = #tpu.dot_dimension_numbers<[1], [0], [0], [1], [0, 0, 1, 1], [], []>, transpose_lhs_hint = false} : vector<1024x8xf32>, vector<8x200xf32>, vector<1024x200xf32> -> vector<1024x200xf32>
      %add3A_58 = arith.addf %dot_general3A_57, %get3A_13 : vector<1024x200xf32>
      %mul3A_59 = arith.mulf %add3A_58, %add3A_58 : vector<1024x200xf32>
      %reduce_sum3A_60 = arith.constant dense<0.000000e+00> : vector<1024xf32>
      %reduce_sum3A_61 = vector.multi_reduction <add>, %mul3A_59, %reduce_sum3A_60 [1] : vector<1024x200xf32> to vector<1024xf32>
      %div3A_62 = arith.constant 2.000000e+02 : f32
      %div3A_63 = vector.broadcast %div3A_62 : f32 to vector<1024xf32>
      %div3A_64 = arith.divf %reduce_sum3A_61, %div3A_63 : vector<1024xf32>
      %add3A_65 = arith.constant 9.99999997E-7 : f32
      %add3A_66 = vector.broadcast %add3A_65 : f32 to vector<1024xf32>
      %add3A_67 = arith.addf %div3A_64, %add3A_66 : vector<1024xf32>
      %rsqrt3A_68 = math.rsqrt %add3A_67 : vector<1024xf32>
      %swap3A_69 = arith.constant 1 : index
      %swap3A_70 = arith.constant 0 : index
      %swap3A_71 = vector.load %arg6[%swap3A_69, %swap3A_70] : memref<8x1024xf32, #tpu.memory_space<vmem>>, vector<1x1024xf32>
      %swap3A_72 = vector.shape_cast %swap3A_71 : vector<1x1024xf32> to vector<1024xf32>
      %swap3A_73 = vector.shape_cast %rsqrt3A_68 : vector<1024xf32> to vector<1x1024xf32>
      tpu.vector_store %arg6[%swap3A_69, %swap3A_70], %swap3A_73 {strides = array<i32>} : memref<8x1024xf32, #tpu.memory_space<vmem>>, vector<1x1024xf32>,
      %slice3A_74 = vector.extract_strided_slice %convert_element_type3A_37 {offsets = [2, 0, 0], sizes = [1, 1024, 8], strides = [1, 1, 1]} : vector<8x1024x8xf32> to vector<1x1024x8xf32>
      %squeeze3A_75 = vector.shape_cast %slice3A_74 : vector<1x1024x8xf32> to vector<1024x8xf32>
      %dot_general3A_76 = arith.constant dense<0.000000e+00> : vector<1024x200xf32>
      %dot_general3A_77 = tpu.matmul %squeeze3A_75, %get3A_10, %dot_general3A_76 {dimension_numbers = #tpu.dot_dimension_numbers<[1], [0], [0], [1], [0, 0, 1, 1], [], []>, transpose_lhs_hint = false} : vector<1024x8xf32>, vector<8x200xf32>, vector<1024x200xf32> -> vector<1024x200xf32>
      %add3A_78 = arith.addf %dot_general3A_77, %get3A_13 : vector<1024x200xf32>
      %mul3A_79 = arith.mulf %add3A_78, %add3A_78 : vector<1024x200xf32>
      %reduce_sum3A_80 = arith.constant dense<0.000000e+00> : vector<1024xf32>
      %reduce_sum3A_81 = vector.multi_reduction <add>, %mul3A_79, %reduce_sum3A_80 [1] : vector<1024x200xf32> to vector<1024xf32>
      %div3A_82 = arith.constant 2.000000e+02 : f32
      %div3A_83 = vector.broadcast %div3A_82 : f32 to vector<1024xf32>
      %div3A_84 = arith.divf %reduce_sum3A_81, %div3A_83 : vector<1024xf32>
      %add3A_85 = arith.constant 9.99999997E-7 : f32
      %add3A_86 = vector.broadcast %add3A_85 : f32 to vector<1024xf32>
      %add3A_87 = arith.addf %div3A_84, %add3A_86 : vector<1024xf32>
      %rsqrt3A_88 = math.rsqrt %add3A_87 : vector<1024xf32>
      %swap3A_89 = arith.constant 2 : index
      %swap3A_90 = arith.constant 0 : index
      %swap3A_91 = vector.load %arg6[%swap3A_89, %swap3A_90] : memref<8x1024xf32, #tpu.memory_space<vmem>>, vector<1x1024xf32>
      %swap3A_92 = vector.shape_cast %swap3A_91 : vector<1x1024xf32> to vector<1024xf32>
      %swap3A_93 = vector.shape_cast %rsqrt3A_88 : vector<1024xf32> to vector<1x1024xf32>
      tpu.vector_store %arg6[%swap3A_89, %swap3A_90], %swap3A_93 {strides = array<i32>} : memref<8x1024xf32, #tpu.memory_space<vmem>>, vector<1x1024xf32>,
      %slice3A_94 = vector.extract_strided_slice %convert_element_type3A_37 {offsets = [3, 0, 0], sizes = [1, 1024, 8], strides = [1, 1, 1]} : vector<8x1024x8xf32> to vector<1x1024x8xf32>
      %squeeze3A_95 = vector.shape_cast %slice3A_94 : vector<1x1024x8xf32> to vector<1024x8xf32>
      %dot_general3A_96 = arith.constant dense<0.000000e+00> : vector<1024x200xf32>
      %dot_general3A_97 = tpu.matmul %squeeze3A_95, %get3A_10, %dot_general3A_96 {dimension_numbers = #tpu.dot_dimension_numbers<[1], [0], [0], [1], [0, 0, 1, 1], [], []>, transpose_lhs_hint = false} : vector<1024x8xf32>, vector<8x200xf32>, vector<1024x200xf32> -> vector<1024x200xf32>
      %add3A_98 = arith.addf %dot_general3A_97, %get3A_13 : vector<1024x200xf32>
      %mul3A_99 = arith.mulf %add3A_98, %add3A_98 : vector<1024x200xf32>
      %reduce_sum3A_100 = arith.constant dense<0.000000e+00> : vector<1024xf32>
      %reduce_sum3A_101 = vector.multi_reduction <add>, %mul3A_99, %reduce_sum3A_100 [1] : vector<1024x200xf32> to vector<1024xf32>
      %div3A_102 = arith.constant 2.000000e+02 : f32
      %div3A_103 = vector.broadcast %div3A_102 : f32 to vector<1024xf32>
      %div3A_104 = arith.divf %reduce_sum3A_101, %div3A_103 : vector<1024xf32>
      %add3A_105 = arith.constant 9.99999997E-7 : f32
      %add3A_106 = vector.broadcast %add3A_105 : f32 to vector<1024xf32>
      %add3A_107 = arith.addf %div3A_104, %add3A_106 : vector<1024xf32>
      %rsqrt3A_108 = math.rsqrt %add3A_107 : vector<1024xf32>
      %swap3A_109 = arith.constant 3 : index
      %swap3A_110 = arith.constant 0 : index
      %swap3A_111 = vector.load %arg6[%swap3A_109, %swap3A_110] : memref<8x1024xf32, #tpu.memory_space<vmem>>, vector<1x1024xf32>
      %swap3A_112 = vector.shape_cast %swap3A_111 : vector<1x1024xf32> to vector<1024xf32>
      %swap3A_113 = vector.shape_cast %rsqrt3A_108 : vector<1024xf32> to vector<1x1024xf32>
      tpu.vector_store %arg6[%swap3A_109, %swap3A_110], %swap3A_113 {strides = array<i32>} : memref<8x1024xf32, #tpu.memory_space<vmem>>, vector<1x1024xf32>,
      %slice3A_114 = vector.extract_strided_slice %convert_element_type3A_37 {offsets = [4, 0, 0], sizes = [1, 1024, 8], strides = [1, 1, 1]} : vector<8x1024x8xf32> to vector<1x1024x8xf32>
      %squeeze3A_115 = vector.shape_cast %slice3A_114 : vector<1x1024x8xf32> to vector<1024x8xf32>
      %dot_general3A_116 = arith.constant dense<0.000000e+00> : vector<1024x200xf32>
      %dot_general3A_117 = tpu.matmul %squeeze3A_115, %get3A_10, %dot_general3A_116 {dimension_numbers = #tpu.dot_dimension_numbers<[1], [0], [0], [1], [0, 0, 1, 1], [], []>, transpose_lhs_hint = false} : vector<1024x8xf32>, vector<8x200xf32>, vector<1024x200xf32> -> vector<1024x200xf32>
      %add3A_118 = arith.addf %dot_general3A_117, %get3A_13 : vector<1024x200xf32>
      %mul3A_119 = arith.mulf %add3A_118, %add3A_118 : vector<1024x200xf32>
      %reduce_sum3A_120 = arith.constant dense<0.000000e+00> : vector<1024xf32>
      %reduce_sum3A_121 = vector.multi_reduction <add>, %mul3A_119, %reduce_sum3A_120 [1] : vector<1024x200xf32> to vector<1024xf32>
      %div3A_122 = arith.constant 2.000000e+02 : f32
      %div3A_123 = vector.broadcast %div3A_122 : f32 to vector<1024xf32>
      %div3A_124 = arith.divf %reduce_sum3A_121, %div3A_123 : vector<1024xf32>
      %add3A_125 = arith.constant 9.99999997E-7 : f32
      %add3A_126 = vector.broadcast %add3A_125 : f32 to vector<1024xf32>
      %add3A_127 = arith.addf %div3A_124, %add3A_126 : vector<1024xf32>
      %rsqrt3A_128 = math.rsqrt %add3A_127 : vector<1024xf32>
      %swap3A_129 = arith.constant 4 : index
      %swap3A_130 = arith.constant 0 : index
      %swap3A_131 = vector.load %arg6[%swap3A_129, %swap3A_130] : memref<8x1024xf32, #tpu.memory_space<vmem>>, vector<1x1024xf32>
      %swap3A_132 = vector.shape_cast %swap3A_131 : vector<1x1024xf32> to vector<1024xf32>
      %swap3A_133 = vector.shape_cast %rsqrt3A_128 : vector<1024xf32> to vector<1x1024xf32>
      tpu.vector_store %arg6[%swap3A_129, %swap3A_130], %swap3A_133 {strides = array<i32>} : memref<8x1024xf32, #tpu.memory_space<vmem>>, vector<1x1024xf32>,
      %slice3A_134 = vector.extract_strided_slice %convert_element_type3A_37 {offsets = [5, 0, 0], sizes = [1, 1024, 8], strides = [1, 1, 1]} : vector<8x1024x8xf32> to vector<1x1024x8xf32>
      %squeeze3A_135 = vector.shape_cast %slice3A_134 : vector<1x1024x8xf32> to vector<1024x8xf32>
      %dot_general3A_136 = arith.constant dense<0.000000e+00> : vector<1024x200xf32>
      %dot_general3A_137 = tpu.matmul %squeeze3A_135, %get3A_10, %dot_general3A_136 {dimension_numbers = #tpu.dot_dimension_numbers<[1], [0], [0], [1], [0, 0, 1, 1], [], []>, transpose_lhs_hint = false} : vector<1024x8xf32>, vector<8x200xf32>, vector<1024x200xf32> -> vector<1024x200xf32>
      %add3A_138 = arith.addf %dot_general3A_137, %get3A_13 : vector<1024x200xf32>
      %mul3A_139 = arith.mulf %add3A_138, %add3A_138 : vector<1024x200xf32>
      %reduce_sum3A_140 = arith.constant dense<0.000000e+00> : vector<1024xf32>
      %reduce_sum3A_141 = vector.multi_reduction <add>, %mul3A_139, %reduce_sum3A_140 [1] : vector<1024x200xf32> to vector<1024xf32>
      %div3A_142 = arith.constant 2.000000e+02 : f32
      %div3A_143 = vector.broadcast %div3A_142 : f32 to vector<1024xf32>
      %div3A_144 = arith.divf %reduce_sum3A_141, %div3A_143 : vector<1024xf32>
      %add3A_145 = arith.constant 9.99999997E-7 : f32
      %add3A_146 = vector.broadcast %add3A_145 : f32 to vector<1024xf32>
      %add3A_147 = arith.addf %div3A_144, %add3A_146 : vector<1024xf32>
      %rsqrt3A_148 = math.rsqrt %add3A_147 : vector<1024xf32>
      %swap3A_149 = arith.constant 5 : index
      %swap3A_150 = arith.constant 0 : index
      %swap3A_151 = vector.load %arg6[%swap3A_149, %swap3A_150] : memref<8x1024xf32, #tpu.memory_space<vmem>>, vector<1x1024xf32>
      %swap3A_152 = vector.shape_cast %swap3A_151 : vector<1x1024xf32> to vector<1024xf32>
      %swap3A_153 = vector.shape_cast %rsqrt3A_148 : vector<1024xf32> to vector<1x1024xf32>
      tpu.vector_store %arg6[%swap3A_149, %swap3A_150], %swap3A_153 {strides = array<i32>} : memref<8x1024xf32, #tpu.memory_space<vmem>>, vector<1x1024xf32>,
      %slice3A_154 = vector.extract_strided_slice %convert_element_type3A_37 {offsets = [6, 0, 0], sizes = [1, 1024, 8], strides = [1, 1, 1]} : vector<8x1024x8xf32> to vector<1x1024x8xf32>
      %squeeze3A_155 = vector.shape_cast %slice3A_154 : vector<1x1024x8xf32> to vector<1024x8xf32>
      %dot_general3A_156 = arith.constant dense<0.000000e+00> : vector<1024x200xf32>
      %dot_general3A_157 = tpu.matmul %squeeze3A_155, %get3A_10, %dot_general3A_156 {dimension_numbers = #tpu.dot_dimension_numbers<[1], [0], [0], [1], [0, 0, 1, 1], [], []>, transpose_lhs_hint = false} : vector<1024x8xf32>, vector<8x200xf32>, vector<1024x200xf32> -> vector<1024x200xf32>
      %add3A_158 = arith.addf %dot_general3A_157, %get3A_13 : vector<1024x200xf32>
      %mul3A_159 = arith.mulf %add3A_158, %add3A_158 : vector<1024x200xf32>
      %reduce_sum3A_160 = arith.constant dense<0.000000e+00> : vector<1024xf32>
      %reduce_sum3A_161 = vector.multi_reduction <add>, %mul3A_159, %reduce_sum3A_160 [1] : vector<1024x200xf32> to vector<1024xf32>
      %div3A_162 = arith.constant 2.000000e+02 : f32
      %div3A_163 = vector.broadcast %div3A_162 : f32 to vector<1024xf32>
      %div3A_164 = arith.divf %reduce_sum3A_161, %div3A_163 : vector<1024xf32>
      %add3A_165 = arith.constant 9.99999997E-7 : f32
      %add3A_166 = vector.broadcast %add3A_165 : f32 to vector<1024xf32>
      %add3A_167 = arith.addf %div3A_164, %add3A_166 : vector<1024xf32>
      %rsqrt3A_168 = math.rsqrt %add3A_167 : vector<1024xf32>
      %swap3A_169 = arith.constant 6 : index
      %swap3A_170 = arith.constant 0 : index
      %swap3A_171 = vector.load %arg6[%swap3A_169, %swap3A_170] : memref<8x1024xf32, #tpu.memory_space<vmem>>, vector<1x1024xf32>
      %swap3A_172 = vector.shape_cast %swap3A_171 : vector<1x1024xf32> to vector<1024xf32>
      %swap3A_173 = vector.shape_cast %rsqrt3A_168 : vector<1024xf32> to vector<1x1024xf32>
      tpu.vector_store %arg6[%swap3A_169, %swap3A_170], %swap3A_173 {strides = array<i32>} : memref<8x1024xf32, #tpu.memory_space<vmem>>, vector<1x1024xf32>,
      %slice3A_174 = vector.extract_strided_slice %convert_element_type3A_37 {offsets = [7, 0, 0], sizes = [1, 1024, 8], strides = [1, 1, 1]} : vector<8x1024x8xf32> to vector<1x1024x8xf32>
      %squeeze3A_175 = vector.shape_cast %slice3A_174 : vector<1x1024x8xf32> to vector<1024x8xf32>
      %dot_general3A_176 = arith.constant dense<0.000000e+00> : vector<1024x200xf32>
      %dot_general3A_177 = tpu.matmul %squeeze3A_175, %get3A_10, %dot_general3A_176 {dimension_numbers = #tpu.dot_dimension_numbers<[1], [0], [0], [1], [0, 0, 1, 1], [], []>, transpose_lhs_hint = false} : vector<1024x8xf32>, vector<8x200xf32>, vector<1024x200xf32> -> vector<1024x200xf32>
      %add3A_178 = arith.addf %dot_general3A_177, %get3A_13 : vector<1024x200xf32>
      %mul3A_179 = arith.mulf %add3A_178, %add3A_178 : vector<1024x200xf32>
      %reduce_sum3A_180 = arith.constant dense<0.000000e+00> : vector<1024xf32>
      %reduce_sum3A_181 = vector.multi_reduction <add>, %mul3A_179, %reduce_sum3A_180 [1] : vector<1024x200xf32> to vector<1024xf32>
      %div3A_182 = arith.constant 2.000000e+02 : f32
      %div3A_183 = vector.broadcast %div3A_182 : f32 to vector<1024xf32>
      %div3A_184 = arith.divf %reduce_sum3A_181, %div3A_183 : vector<1024xf32>
      %add3A_185 = arith.constant 9.99999997E-7 : f32
      %add3A_186 = vector.broadcast %add3A_185 : f32 to vector<1024xf32>
      %add3A_187 = arith.addf %div3A_184, %add3A_186 : vector<1024xf32>
      %rsqrt3A_188 = math.rsqrt %add3A_187 : vector<1024xf32>
      %swap3A_189 = arith.constant 7 : index
      %swap3A_190 = arith.constant 0 : index
      %swap3A_191 = vector.load %arg6[%swap3A_189, %swap3A_190] : memref<8x1024xf32, #tpu.memory_space<vmem>>, vector<1x1024xf32>
      %swap3A_192 = vector.shape_cast %swap3A_191 : vector<1x1024xf32> to vector<1024xf32>
      %swap3A_193 = vector.shape_cast %rsqrt3A_188 : vector<1024xf32> to vector<1x1024xf32>
      tpu.vector_store %arg6[%swap3A_189, %swap3A_190], %swap3A_193 {strides = array<i32>} : memref<8x1024xf32, #tpu.memory_space<vmem>>, vector<1x1024xf32>,
    } else {
    }
    return
  }
  func.func @transform_0(%arg0: i32) -> (i32, i32) {
    %c0_i32 = arith.constant 0 : i32
    %c0_i32_0 = arith.constant 0 : i32
    return %c0_i32, %arg0 : i32, i32
  }
  func.func @transform_1(%arg0: i32) -> (i32, i32) {
    %c0_i32 = arith.constant 0 : i32
    %c0_i32_0 = arith.constant 0 : i32
    %c0_i32_1 = arith.constant 0 : i32
    return %c0_i32, %c0_i32_0 : i32, i32
  }
  func.func @transform_2(%arg0: i32) -> (i32, i32) {
    %c0_i32 = arith.constant 0 : i32
    %c0_i32_0 = arith.constant 0 : i32
    return %arg0, %c0_i32 : i32, i32
  }
  func.func @transform_3(%arg0: i32) -> (i32, i32) {
    %c0_i32 = arith.constant 0 : i32
    %c0_i32_0 = arith.constant 0 : i32
    return %c0_i32, %arg0 : i32, i32
  }
  func.func @transform_4(%arg0: i32) -> (i32, i32) {
    %c0_i32 = arith.constant 0 : i32
    %c0_i32_0 = arith.constant 0 : i32
    return %c0_i32, %arg0 : i32, i32
  }
  func.func @transform_5(%arg0: i32) -> (i32, i32) {
    %c0_i32 = arith.constant 0 : i32
    %c0_i32_0 = arith.constant 0 : i32
    %c0_i32_1 = arith.constant 0 : i32
    return %c0_i32, %c0_i32_0 : i32, i32
  }
}

module attributes {stable_mosaic.version = 14 : i64} {
  func.func @_main_blk(%arg0: i32, %arg1: memref<8x1024xi32, #tpu.memory_space<vmem>>, %arg2: memref<8x200xf32, #tpu.memory_space<vmem>>, %arg3: memref<1024x200xf32, #tpu.memory_space<vmem>>, %arg4: memref<1x200xf32, #tpu.memory_space<vmem>>, %arg5: memref<8x1024xf32, #tpu.memory_space<vmem>>, %arg6: memref<8x1024xf32, #tpu.memory_space<vmem>>, %arg7: memref<8x1024x200xf32, #tpu.memory_space<vmem>>) attributes {dimension_semantics = [#tpu.dimension_semantics<arbitrary>], iteration_bounds = array<i64: 17>, scalar_prefetch = 0 : i64, scratch_operands = 0 : i64, tpu.core_type = #tpu.core_type<tc>, window_params = [{transform_indices = @transform_0, window_bounds = array<i64: 8, 1024>}, {pipeline_mode = #tpu.pipeline_mode<synchronous>, transform_indices = @transform_1, window_bounds = array<i64: 8, 200>}, {transform_indices = @transform_2, window_bounds = array<i64: 1024, 200>}, {pipeline_mode = #tpu.pipeline_mode<synchronous>, transform_indices = @transform_3, window_bounds = array<i64: 1, 200>}, {transform_indices = @transform_4, window_bounds = array<i64: 8, 1024>}, {pipeline_mode = #tpu.pipeline_mode<synchronous>, transform_indices = @transform_5, window_bounds = array<i64: 8, 1024>}, {transform_indices = @transform_6, window_bounds = array<i64: 8, 1024, 200>}]} {
    %get3A = arith.constant 0 : index
    %get3A_0 = arith.constant 0 : index
    %get3A_1 = vector.load %arg1[%get3A, %get3A_0] : memref<8x1024xi32, #tpu.memory_space<vmem>>, vector<8x1024xi32>
    %iota3A = tpu.iota {dimensions = array<i32: 2>} : vector<8x1024x8xi32>
    %broadcast_in_dim3A = vector.shape_cast %get3A_1 : vector<8x1024xi32> to vector<8x1024x1xi32>
    %eq3A = vector.broadcast %broadcast_in_dim3A : vector<8x1024x1xi32> to vector<8x1024x8xi32>
    %eq3A_2 = arith.cmpi eq, %eq3A, %iota3A : vector<8x1024x8xi32>
    %convert_element_type3A = arith.extui %eq3A_2 : vector<8x1024x8xi1> to vector<8x1024x8xi32>
    %convert_element_type3A_3 = arith.sitofp %convert_element_type3A : vector<8x1024x8xi32> to vector<8x1024x8xf32>
    %get3A_4 = arith.constant 0 : index
    %get3A_5 = arith.constant 0 : index
    %get3A_6 = vector.load %arg2[%get3A_4, %get3A_5] : memref<8x200xf32, #tpu.memory_space<vmem>>, vector<8x200xf32>
    %get3A_7 = arith.constant 0 : index
    %get3A_8 = arith.constant 0 : index
    %get3A_9 = vector.load %arg3[%get3A_7, %get3A_8] : memref<1024x200xf32, #tpu.memory_space<vmem>>, vector<1024x200xf32>
    %get3A_10 = arith.constant 0 : index
    %get3A_11 = arith.constant 0 : index
    %get3A_12 = vector.load %arg4[%get3A_10, %get3A_11] : memref<1x200xf32, #tpu.memory_space<vmem>>, vector<1x200xf32>
    %eq3A_13 = arith.constant 16 : i32
    %eq3A_14 = arith.cmpi eq, %arg0, %eq3A_13 : i32
    %get3A_15 = arith.constant 0 : index
    %get3A_16 = arith.constant 0 : index
    %get3A_17 = vector.load %arg6[%get3A_15, %get3A_16] : memref<8x1024xf32, #tpu.memory_space<vmem>>, vector<8x1024xf32>
    %get3A_18 = arith.constant 0 : index
    %get3A_19 = arith.constant 0 : index
    %get3A_20 = vector.load %arg5[%get3A_18, %get3A_19] : memref<8x1024xf32, #tpu.memory_space<vmem>>, vector<8x1024xf32>
    %select_n3A = arith.select %eq3A_14, %get3A_17, %get3A_20 : vector<8x1024xf32>
    %slice3A = vector.extract_strided_slice %convert_element_type3A_3 {offsets = [0, 0, 0], sizes = [1, 1024, 8], strides = [1, 1, 1]} : vector<8x1024x8xf32> to vector<1x1024x8xf32>
    %squeeze3A = vector.shape_cast %slice3A : vector<1x1024x8xf32> to vector<1024x8xf32>
    %dot_general3A = arith.constant dense<0.000000e+00> : vector<1024x200xf32>
    %dot_general3A_21 = tpu.matmul %squeeze3A, %get3A_6, %dot_general3A {dimension_numbers = #tpu.dot_dimension_numbers<[1], [0], [0], [1], [0, 0, 1, 1], [], []>, transpose_lhs_hint = false} : vector<1024x8xf32>, vector<8x200xf32>, vector<1024x200xf32> -> vector<1024x200xf32>
    %add3A = arith.addf %dot_general3A_21, %get3A_9 : vector<1024x200xf32>
    %slice3A_22 = vector.extract_strided_slice %select_n3A {offsets = [0, 0], sizes = [1, 1024], strides = [1, 1]} : vector<8x1024xf32> to vector<1x1024xf32>
    %squeeze3A_23 = vector.shape_cast %slice3A_22 : vector<1x1024xf32> to vector<1024xf32>
    %broadcast_in_dim3A_24 = vector.shape_cast %squeeze3A_23 : vector<1024xf32> to vector<1024x1xf32>
    %mul3A = vector.broadcast %broadcast_in_dim3A_24 : vector<1024x1xf32> to vector<1024x200xf32>
    %mul3A_25 = arith.mulf %add3A, %mul3A : vector<1024x200xf32>
    %mul3A_26 = vector.broadcast %get3A_12 : vector<1x200xf32> to vector<1024x200xf32>
    %mul3A_27 = arith.mulf %mul3A_25, %mul3A_26 : vector<1024x200xf32>
    %swap3A = arith.constant 0 : index
    %swap3A_28 = arith.constant 0 : index
    %swap3A_29 = arith.constant 0 : index
    %swap3A_30 = vector.load %arg7[%swap3A, %swap3A_28, %swap3A_29] : memref<8x1024x200xf32, #tpu.memory_space<vmem>>, vector<1x1024x200xf32>
    %swap3A_31 = vector.shape_cast %swap3A_30 : vector<1x1024x200xf32> to vector<1024x200xf32>
    %swap3A_32 = vector.shape_cast %mul3A_27 : vector<1024x200xf32> to vector<1x1024x200xf32>
    tpu.vector_store %arg7[%swap3A, %swap3A_28, %swap3A_29], %swap3A_32 {strides = array<i32>} : memref<8x1024x200xf32, #tpu.memory_space<vmem>>, vector<1x1024x200xf32>,
    %slice3A_33 = vector.extract_strided_slice %convert_element_type3A_3 {offsets = [1, 0, 0], sizes = [1, 1024, 8], strides = [1, 1, 1]} : vector<8x1024x8xf32> to vector<1x1024x8xf32>
    %squeeze3A_34 = vector.shape_cast %slice3A_33 : vector<1x1024x8xf32> to vector<1024x8xf32>
    %dot_general3A_35 = arith.constant dense<0.000000e+00> : vector<1024x200xf32>
    %dot_general3A_36 = tpu.matmul %squeeze3A_34, %get3A_6, %dot_general3A_35 {dimension_numbers = #tpu.dot_dimension_numbers<[1], [0], [0], [1], [0, 0, 1, 1], [], []>, transpose_lhs_hint = false} : vector<1024x8xf32>, vector<8x200xf32>, vector<1024x200xf32> -> vector<1024x200xf32>
    %add3A_37 = arith.addf %dot_general3A_36, %get3A_9 : vector<1024x200xf32>
    %slice3A_38 = vector.extract_strided_slice %select_n3A {offsets = [1, 0], sizes = [1, 1024], strides = [1, 1]} : vector<8x1024xf32> to vector<1x1024xf32>
    %squeeze3A_39 = vector.shape_cast %slice3A_38 : vector<1x1024xf32> to vector<1024xf32>
    %broadcast_in_dim3A_40 = vector.shape_cast %squeeze3A_39 : vector<1024xf32> to vector<1024x1xf32>
    %mul3A_41 = vector.broadcast %broadcast_in_dim3A_40 : vector<1024x1xf32> to vector<1024x200xf32>
    %mul3A_42 = arith.mulf %add3A_37, %mul3A_41 : vector<1024x200xf32>
    %mul3A_43 = vector.broadcast %get3A_12 : vector<1x200xf32> to vector<1024x200xf32>
    %mul3A_44 = arith.mulf %mul3A_42, %mul3A_43 : vector<1024x200xf32>
    %swap3A_45 = arith.constant 1 : index
    %swap3A_46 = arith.constant 0 : index
    %swap3A_47 = arith.constant 0 : index
    %swap3A_48 = vector.load %arg7[%swap3A_45, %swap3A_46, %swap3A_47] : memref<8x1024x200xf32, #tpu.memory_space<vmem>>, vector<1x1024x200xf32>
    %swap3A_49 = vector.shape_cast %swap3A_48 : vector<1x1024x200xf32> to vector<1024x200xf32>
    %swap3A_50 = vector.shape_cast %mul3A_44 : vector<1024x200xf32> to vector<1x1024x200xf32>
    tpu.vector_store %arg7[%swap3A_45, %swap3A_46, %swap3A_47], %swap3A_50 {strides = array<i32>} : memref<8x1024x200xf32, #tpu.memory_space<vmem>>, vector<1x1024x200xf32>,
    %slice3A_51 = vector.extract_strided_slice %convert_element_type3A_3 {offsets = [2, 0, 0], sizes = [1, 1024, 8], strides = [1, 1, 1]} : vector<8x1024x8xf32> to vector<1x1024x8xf32>
    %squeeze3A_52 = vector.shape_cast %slice3A_51 : vector<1x1024x8xf32> to vector<1024x8xf32>
    %dot_general3A_53 = arith.constant dense<0.000000e+00> : vector<1024x200xf32>
    %dot_general3A_54 = tpu.matmul %squeeze3A_52, %get3A_6, %dot_general3A_53 {dimension_numbers = #tpu.dot_dimension_numbers<[1], [0], [0], [1], [0, 0, 1, 1], [], []>, transpose_lhs_hint = false} : vector<1024x8xf32>, vector<8x200xf32>, vector<1024x200xf32> -> vector<1024x200xf32>
    %add3A_55 = arith.addf %dot_general3A_54, %get3A_9 : vector<1024x200xf32>
    %slice3A_56 = vector.extract_strided_slice %select_n3A {offsets = [2, 0], sizes = [1, 1024], strides = [1, 1]} : vector<8x1024xf32> to vector<1x1024xf32>
    %squeeze3A_57 = vector.shape_cast %slice3A_56 : vector<1x1024xf32> to vector<1024xf32>
    %broadcast_in_dim3A_58 = vector.shape_cast %squeeze3A_57 : vector<1024xf32> to vector<1024x1xf32>
    %mul3A_59 = vector.broadcast %broadcast_in_dim3A_58 : vector<1024x1xf32> to vector<1024x200xf32>
    %mul3A_60 = arith.mulf %add3A_55, %mul3A_59 : vector<1024x200xf32>
    %mul3A_61 = vector.broadcast %get3A_12 : vector<1x200xf32> to vector<1024x200xf32>
    %mul3A_62 = arith.mulf %mul3A_60, %mul3A_61 : vector<1024x200xf32>
    %swap3A_63 = arith.constant 2 : index
    %swap3A_64 = arith.constant 0 : index
    %swap3A_65 = arith.constant 0 : index
    %swap3A_66 = vector.load %arg7[%swap3A_63, %swap3A_64, %swap3A_65] : memref<8x1024x200xf32, #tpu.memory_space<vmem>>, vector<1x1024x200xf32>
    %swap3A_67 = vector.shape_cast %swap3A_66 : vector<1x1024x200xf32> to vector<1024x200xf32>
    %swap3A_68 = vector.shape_cast %mul3A_62 : vector<1024x200xf32> to vector<1x1024x200xf32>
    tpu.vector_store %arg7[%swap3A_63, %swap3A_64, %swap3A_65], %swap3A_68 {strides = array<i32>} : memref<8x1024x200xf32, #tpu.memory_space<vmem>>, vector<1x1024x200xf32>,
    %slice3A_69 = vector.extract_strided_slice %convert_element_type3A_3 {offsets = [3, 0, 0], sizes = [1, 1024, 8], strides = [1, 1, 1]} : vector<8x1024x8xf32> to vector<1x1024x8xf32>
    %squeeze3A_70 = vector.shape_cast %slice3A_69 : vector<1x1024x8xf32> to vector<1024x8xf32>
    %dot_general3A_71 = arith.constant dense<0.000000e+00> : vector<1024x200xf32>
    %dot_general3A_72 = tpu.matmul %squeeze3A_70, %get3A_6, %dot_general3A_71 {dimension_numbers = #tpu.dot_dimension_numbers<[1], [0], [0], [1], [0, 0, 1, 1], [], []>, transpose_lhs_hint = false} : vector<1024x8xf32>, vector<8x200xf32>, vector<1024x200xf32> -> vector<1024x200xf32>
    %add3A_73 = arith.addf %dot_general3A_72, %get3A_9 : vector<1024x200xf32>
    %slice3A_74 = vector.extract_strided_slice %select_n3A {offsets = [3, 0], sizes = [1, 1024], strides = [1, 1]} : vector<8x1024xf32> to vector<1x1024xf32>
    %squeeze3A_75 = vector.shape_cast %slice3A_74 : vector<1x1024xf32> to vector<1024xf32>
    %broadcast_in_dim3A_76 = vector.shape_cast %squeeze3A_75 : vector<1024xf32> to vector<1024x1xf32>
    %mul3A_77 = vector.broadcast %broadcast_in_dim3A_76 : vector<1024x1xf32> to vector<1024x200xf32>
    %mul3A_78 = arith.mulf %add3A_73, %mul3A_77 : vector<1024x200xf32>
    %mul3A_79 = vector.broadcast %get3A_12 : vector<1x200xf32> to vector<1024x200xf32>
    %mul3A_80 = arith.mulf %mul3A_78, %mul3A_79 : vector<1024x200xf32>
    %swap3A_81 = arith.constant 3 : index
    %swap3A_82 = arith.constant 0 : index
    %swap3A_83 = arith.constant 0 : index
    %swap3A_84 = vector.load %arg7[%swap3A_81, %swap3A_82, %swap3A_83] : memref<8x1024x200xf32, #tpu.memory_space<vmem>>, vector<1x1024x200xf32>
    %swap3A_85 = vector.shape_cast %swap3A_84 : vector<1x1024x200xf32> to vector<1024x200xf32>
    %swap3A_86 = vector.shape_cast %mul3A_80 : vector<1024x200xf32> to vector<1x1024x200xf32>
    tpu.vector_store %arg7[%swap3A_81, %swap3A_82, %swap3A_83], %swap3A_86 {strides = array<i32>} : memref<8x1024x200xf32, #tpu.memory_space<vmem>>, vector<1x1024x200xf32>,
    %slice3A_87 = vector.extract_strided_slice %convert_element_type3A_3 {offsets = [4, 0, 0], sizes = [1, 1024, 8], strides = [1, 1, 1]} : vector<8x1024x8xf32> to vector<1x1024x8xf32>
    %squeeze3A_88 = vector.shape_cast %slice3A_87 : vector<1x1024x8xf32> to vector<1024x8xf32>
    %dot_general3A_89 = arith.constant dense<0.000000e+00> : vector<1024x200xf32>
    %dot_general3A_90 = tpu.matmul %squeeze3A_88, %get3A_6, %dot_general3A_89 {dimension_numbers = #tpu.dot_dimension_numbers<[1], [0], [0], [1], [0, 0, 1, 1], [], []>, transpose_lhs_hint = false} : vector<1024x8xf32>, vector<8x200xf32>, vector<1024x200xf32> -> vector<1024x200xf32>
    %add3A_91 = arith.addf %dot_general3A_90, %get3A_9 : vector<1024x200xf32>
    %slice3A_92 = vector.extract_strided_slice %select_n3A {offsets = [4, 0], sizes = [1, 1024], strides = [1, 1]} : vector<8x1024xf32> to vector<1x1024xf32>
    %squeeze3A_93 = vector.shape_cast %slice3A_92 : vector<1x1024xf32> to vector<1024xf32>
    %broadcast_in_dim3A_94 = vector.shape_cast %squeeze3A_93 : vector<1024xf32> to vector<1024x1xf32>
    %mul3A_95 = vector.broadcast %broadcast_in_dim3A_94 : vector<1024x1xf32> to vector<1024x200xf32>
    %mul3A_96 = arith.mulf %add3A_91, %mul3A_95 : vector<1024x200xf32>
    %mul3A_97 = vector.broadcast %get3A_12 : vector<1x200xf32> to vector<1024x200xf32>
    %mul3A_98 = arith.mulf %mul3A_96, %mul3A_97 : vector<1024x200xf32>
    %swap3A_99 = arith.constant 4 : index
    %swap3A_100 = arith.constant 0 : index
    %swap3A_101 = arith.constant 0 : index
    %swap3A_102 = vector.load %arg7[%swap3A_99, %swap3A_100, %swap3A_101] : memref<8x1024x200xf32, #tpu.memory_space<vmem>>, vector<1x1024x200xf32>
    %swap3A_103 = vector.shape_cast %swap3A_102 : vector<1x1024x200xf32> to vector<1024x200xf32>
    %swap3A_104 = vector.shape_cast %mul3A_98 : vector<1024x200xf32> to vector<1x1024x200xf32>
    tpu.vector_store %arg7[%swap3A_99, %swap3A_100, %swap3A_101], %swap3A_104 {strides = array<i32>} : memref<8x1024x200xf32, #tpu.memory_space<vmem>>, vector<1x1024x200xf32>,
    %slice3A_105 = vector.extract_strided_slice %convert_element_type3A_3 {offsets = [5, 0, 0], sizes = [1, 1024, 8], strides = [1, 1, 1]} : vector<8x1024x8xf32> to vector<1x1024x8xf32>
    %squeeze3A_106 = vector.shape_cast %slice3A_105 : vector<1x1024x8xf32> to vector<1024x8xf32>
    %dot_general3A_107 = arith.constant dense<0.000000e+00> : vector<1024x200xf32>
    %dot_general3A_108 = tpu.matmul %squeeze3A_106, %get3A_6, %dot_general3A_107 {dimension_numbers = #tpu.dot_dimension_numbers<[1], [0], [0], [1], [0, 0, 1, 1], [], []>, transpose_lhs_hint = false} : vector<1024x8xf32>, vector<8x200xf32>, vector<1024x200xf32> -> vector<1024x200xf32>
    %add3A_109 = arith.addf %dot_general3A_108, %get3A_9 : vector<1024x200xf32>
    %slice3A_110 = vector.extract_strided_slice %select_n3A {offsets = [5, 0], sizes = [1, 1024], strides = [1, 1]} : vector<8x1024xf32> to vector<1x1024xf32>
    %squeeze3A_111 = vector.shape_cast %slice3A_110 : vector<1x1024xf32> to vector<1024xf32>
    %broadcast_in_dim3A_112 = vector.shape_cast %squeeze3A_111 : vector<1024xf32> to vector<1024x1xf32>
    %mul3A_113 = vector.broadcast %broadcast_in_dim3A_112 : vector<1024x1xf32> to vector<1024x200xf32>
    %mul3A_114 = arith.mulf %add3A_109, %mul3A_113 : vector<1024x200xf32>
    %mul3A_115 = vector.broadcast %get3A_12 : vector<1x200xf32> to vector<1024x200xf32>
    %mul3A_116 = arith.mulf %mul3A_114, %mul3A_115 : vector<1024x200xf32>
    %swap3A_117 = arith.constant 5 : index
    %swap3A_118 = arith.constant 0 : index
    %swap3A_119 = arith.constant 0 : index
    %swap3A_120 = vector.load %arg7[%swap3A_117, %swap3A_118, %swap3A_119] : memref<8x1024x200xf32, #tpu.memory_space<vmem>>, vector<1x1024x200xf32>
    %swap3A_121 = vector.shape_cast %swap3A_120 : vector<1x1024x200xf32> to vector<1024x200xf32>
    %swap3A_122 = vector.shape_cast %mul3A_116 : vector<1024x200xf32> to vector<1x1024x200xf32>
    tpu.vector_store %arg7[%swap3A_117, %swap3A_118, %swap3A_119], %swap3A_122 {strides = array<i32>} : memref<8x1024x200xf32, #tpu.memory_space<vmem>>, vector<1x1024x200xf32>,
    %slice3A_123 = vector.extract_strided_slice %convert_element_type3A_3 {offsets = [6, 0, 0], sizes = [1, 1024, 8], strides = [1, 1, 1]} : vector<8x1024x8xf32> to vector<1x1024x8xf32>
    %squeeze3A_124 = vector.shape_cast %slice3A_123 : vector<1x1024x8xf32> to vector<1024x8xf32>
    %dot_general3A_125 = arith.constant dense<0.000000e+00> : vector<1024x200xf32>
    %dot_general3A_126 = tpu.matmul %squeeze3A_124, %get3A_6, %dot_general3A_125 {dimension_numbers = #tpu.dot_dimension_numbers<[1], [0], [0], [1], [0, 0, 1, 1], [], []>, transpose_lhs_hint = false} : vector<1024x8xf32>, vector<8x200xf32>, vector<1024x200xf32> -> vector<1024x200xf32>
    %add3A_127 = arith.addf %dot_general3A_126, %get3A_9 : vector<1024x200xf32>
    %slice3A_128 = vector.extract_strided_slice %select_n3A {offsets = [6, 0], sizes = [1, 1024], strides = [1, 1]} : vector<8x1024xf32> to vector<1x1024xf32>
    %squeeze3A_129 = vector.shape_cast %slice3A_128 : vector<1x1024xf32> to vector<1024xf32>
    %broadcast_in_dim3A_130 = vector.shape_cast %squeeze3A_129 : vector<1024xf32> to vector<1024x1xf32>
    %mul3A_131 = vector.broadcast %broadcast_in_dim3A_130 : vector<1024x1xf32> to vector<1024x200xf32>
    %mul3A_132 = arith.mulf %add3A_127, %mul3A_131 : vector<1024x200xf32>
    %mul3A_133 = vector.broadcast %get3A_12 : vector<1x200xf32> to vector<1024x200xf32>
    %mul3A_134 = arith.mulf %mul3A_132, %mul3A_133 : vector<1024x200xf32>
    %swap3A_135 = arith.constant 6 : index
    %swap3A_136 = arith.constant 0 : index
    %swap3A_137 = arith.constant 0 : index
    %swap3A_138 = vector.load %arg7[%swap3A_135, %swap3A_136, %swap3A_137] : memref<8x1024x200xf32, #tpu.memory_space<vmem>>, vector<1x1024x200xf32>
    %swap3A_139 = vector.shape_cast %swap3A_138 : vector<1x1024x200xf32> to vector<1024x200xf32>
    %swap3A_140 = vector.shape_cast %mul3A_134 : vector<1024x200xf32> to vector<1x1024x200xf32>
    tpu.vector_store %arg7[%swap3A_135, %swap3A_136, %swap3A_137], %swap3A_140 {strides = array<i32>} : memref<8x1024x200xf32, #tpu.memory_space<vmem>>, vector<1x1024x200xf32>,
    %slice3A_141 = vector.extract_strided_slice %convert_element_type3A_3 {offsets = [7, 0, 0], sizes = [1, 1024, 8], strides = [1, 1, 1]} : vector<8x1024x8xf32> to vector<1x1024x8xf32>
    %squeeze3A_142 = vector.shape_cast %slice3A_141 : vector<1x1024x8xf32> to vector<1024x8xf32>
    %dot_general3A_143 = arith.constant dense<0.000000e+00> : vector<1024x200xf32>
    %dot_general3A_144 = tpu.matmul %squeeze3A_142, %get3A_6, %dot_general3A_143 {dimension_numbers = #tpu.dot_dimension_numbers<[1], [0], [0], [1], [0, 0, 1, 1], [], []>, transpose_lhs_hint = false} : vector<1024x8xf32>, vector<8x200xf32>, vector<1024x200xf32> -> vector<1024x200xf32>
    %add3A_145 = arith.addf %dot_general3A_144, %get3A_9 : vector<1024x200xf32>
    %slice3A_146 = vector.extract_strided_slice %select_n3A {offsets = [7, 0], sizes = [1, 1024], strides = [1, 1]} : vector<8x1024xf32> to vector<1x1024xf32>
    %squeeze3A_147 = vector.shape_cast %slice3A_146 : vector<1x1024xf32> to vector<1024xf32>
    %broadcast_in_dim3A_148 = vector.shape_cast %squeeze3A_147 : vector<1024xf32> to vector<1024x1xf32>
    %mul3A_149 = vector.broadcast %broadcast_in_dim3A_148 : vector<1024x1xf32> to vector<1024x200xf32>
    %mul3A_150 = arith.mulf %add3A_145, %mul3A_149 : vector<1024x200xf32>
    %mul3A_151 = vector.broadcast %get3A_12 : vector<1x200xf32> to vector<1024x200xf32>
    %mul3A_152 = arith.mulf %mul3A_150, %mul3A_151 : vector<1024x200xf32>
    %swap3A_153 = arith.constant 7 : index
    %swap3A_154 = arith.constant 0 : index
    %swap3A_155 = arith.constant 0 : index
    %swap3A_156 = vector.load %arg7[%swap3A_153, %swap3A_154, %swap3A_155] : memref<8x1024x200xf32, #tpu.memory_space<vmem>>, vector<1x1024x200xf32>
    %swap3A_157 = vector.shape_cast %swap3A_156 : vector<1x1024x200xf32> to vector<1024x200xf32>
    %swap3A_158 = vector.shape_cast %mul3A_152 : vector<1024x200xf32> to vector<1x1024x200xf32>
    tpu.vector_store %arg7[%swap3A_153, %swap3A_154, %swap3A_155], %swap3A_158 {strides = array<i32>} : memref<8x1024x200xf32, #tpu.memory_space<vmem>>, vector<1x1024x200xf32>,
    return
  }
  func.func @transform_0(%arg0: i32) -> (i32, i32) {
    %c0_i32 = arith.constant 0 : i32
    %c0_i32_0 = arith.constant 0 : i32
    return %c0_i32, %arg0 : i32, i32
  }
  func.func @transform_1(%arg0: i32) -> (i32, i32) {
    %c0_i32 = arith.constant 0 : i32
    %c0_i32_0 = arith.constant 0 : i32
    %c0_i32_1 = arith.constant 0 : i32
    return %c0_i32, %c0_i32_0 : i32, i32
  }
  func.func @transform_2(%arg0: i32) -> (i32, i32) {
    %c0_i32 = arith.constant 0 : i32
    %c0_i32_0 = arith.constant 0 : i32
    return %arg0, %c0_i32 : i32, i32
  }
  func.func @transform_3(%arg0: i32) -> (i32, i32) {
    %c0_i32 = arith.constant 0 : i32
    %c0_i32_0 = arith.constant 0 : i32
    %c0_i32_1 = arith.constant 0 : i32
    return %c0_i32, %c0_i32_0 : i32, i32
  }
  func.func @transform_4(%arg0: i32) -> (i32, i32) {
    %c0_i32 = arith.constant 0 : i32
    %c0_i32_0 = arith.constant 0 : i32
    return %c0_i32, %arg0 : i32, i32
  }
  func.func @transform_5(%arg0: i32) -> (i32, i32) {
    %c0_i32 = arith.constant 0 : i32
    %c0_i32_0 = arith.constant 0 : i32
    %c0_i32_1 = arith.constant 0 : i32
    return %c0_i32, %c0_i32_0 : i32, i32
  }
  func.func @transform_6(%arg0: i32) -> (i32, i32, i32) {
    %c0_i32 = arith.constant 0 : i32
    %c0_i32_0 = arith.constant 0 : i32
    %c0_i32_1 = arith.constant 0 : i32
    return %c0_i32, %arg0, %c0_i32_0 : i32, i32, i32
  }
}

</mosaic_0001>

<sc_bundles>
// kernel: kernel.5.cloned.1.call-start
scs
__scs_entry_jumppad:
0x0: {  	(pc) =	sbr.rel $0x88, $3  }
0x1: {  	(tag) =	ssettag $0x0;
	lr =	simm.s32 $0x1  }
0x2: {  	[smem:$0x3F9D] =	sst lr;
	_ =	strace $0xD0000000  }
0x3: {  	_ = 	snop  }
0x4: {  	_ = 	snop  }
0x5: {  	_ = 	snop  }
0x6: {  	_ = 	snop  }
0x7: {  	_ = 	snop  }
__scs_overlays_trampoline_lowered:
0x8: {  	[smem:$0x3FAC] =	sst s0  }
0x9: {  	[smem:$0x3FAD] =	sst s1  }
0xa: {  	[smem:$0x3FAE] =	sst s2  }
0xb: {  	[smem:$0x3FAF] =	sst s3  }
0xc: {  	[smem:$0x3FB0] =	sst s4  }
0xd: {  	[smem:$0x3FB1] =	sst s5  }
0xe: {  	[smem:$0x3FB2] =	sst s6  }
0xf: {  	[smem:$0x3FB3] =	sst s7  }
0x10: {  	[smem:$0x3FB4] =	sst s8  }
0x11: {  	[smem:$0x3FB5] =	sst s9;
	s0 =	simm.s32 @!p0 $0x0  }
0x12: {  	s1 =	sld [smem:$0x3F9B];
	s0 =	simm.s32 @p0 $0x1  }
0x13: {  	[smem:$0x3FB6] =	sst s0;
	s0 =	simm.s32 @!p1 $0x0  }
0x14: {  	s2 =	sld [smem:$0x3F9A];
	s0 =	simm.s32 @p1 $0x1  }
0x15: {  	[smem:$0x3FB7] =	sst s0;
	s0 =	simm.s32 @!p2 $0x0  }
0x16: {  	s3 =	sld [smem:$0x3FDB];
	s0 =	simm.s32 @p2 $0x1  }
0x17: {  	s4 =	simm.s32 $0x1BF5;
	[smem:$0x3FB9] =	sst s0  }
0x18: {  	s0 =	sld [smem:$0x3F9C];
	_ =	swait.ge [sflag:s4], $0x0  }
0x19: {  	s7 =	sld [smem:$0x3F9D]  }
0x1a: {  	s8 =	sadd.s32 $0xFFFFE003, lr  }
0x1b: {  	s9 =	sadd.s32 $0xFFFFFEF7, lr;
	s5 =	simm.s32 $0xFFFFFFFF;
	p2 =	slt.u32 s8, $0xFFFFF086  }
0x1c: {  	p1 =	slt.u32 s9, $0xF7A;
	s5 =	simm.s32 @!p2 $0x0  }
0x1d: {  	s5 =	simm.s32 @p1 $0x1;
	p0 =	seq.s32 s7, s2  }
0x1e: {  	s7 =	smul.u32 @!p0 $0xF7A, s2;
	p2 =	seq.s32 @!p0 s5, $0x0  }
0x1f: {  	s9 =	smul.u32 $0xF7A, s1;
	s8 =	simm.s32 @!p0 $0x1BF5;
	p2 =	por !p2, p0  }
0x20: {  	[sflag:s8] =	ssyncset.s32 @!p0 $0xFFFFF086;
	s6 =	sadd.s32 @!p0 s3, s7;
	s7 =	simm.s32 @!p0 $0x108  }
0x21: {  	s3 =	sadd.s32 s3, s9;
	s6 =	sadd.s32 @!p0 $0x88, s6;
	s7 =	simm.s32 @p2 $0x1082  }
0x22: {  	[simem:s7], [sflag:s8] =	dma.local @!p0 [hbm:s6], $0xF7A  }
0x23: {  	s9 =	sor.u32 $0xD0000000, s2;
	s6 =	simm.s32 $0x108;
	_ =	swait.ge @!p0 [sflag:s8], $0x0  }
0x24: {  	s3 =	sadd.s32 $0x88, s3;
	s6 =	simm.s32 @!p1 $0x1082;
	[sflag:s4] =	ssyncset.s32 $0xFFFFF086  }
0x25: {  	[simem:s6], [sflag:s4] =	dma.local [hbm:s3], $0xF7A  }
0x26: {  	[smem:$0x3F9D] =	sst s1;
	(tag) =	ssettag s2;
	_ =	strace s9  }
0x27: {  	s1 =	sld [smem:$0x3FAD]  }
0x28: {  	s2 =	sld [smem:$0x3FAE]  }
0x29: {  	s4 =	sld [smem:$0x3FB0]  }
0x2a: {  	p0 =	seq.s32 s5, $0x0;
	s5 =	sld [smem:$0x3FB1]  }
0x2b: {  	s6 =	sld [smem:$0x3FB2]  }
0x2c: {  	s7 =	sld [smem:$0x3FB3]  }
0x2d: {  	s3 =	simm.s32 $0x108;
	s8 =	sld [smem:$0x3FB4]  }
0x2e: {  	s3 =	simm.s32 @!p0 $0x1082;
	s9 =	sld [smem:$0x3FB5]  }
0x2f: {  	lr =	sadd.s32 s0, s3;
	s0 =	sld [smem:$0x3FAC]  }
0x30: {  	s3 =	sld [smem:$0x3FAF]  }
0x31: {  	[smem:$0x3FB8] =	sst s10  }
0x32: {  	s10 =	sld [smem:$0x3FB6];
	_ =	sdelay $0x3  }
0x33: {  	p0 =	seq.s32 s10, $0x1;
	s10 =	sld [smem:$0x3FB8];
	_ =	sdelay $0x3  }
0x34: {  	[smem:$0x3FB8] =	sst s10  }
0x35: {  	s10 =	sld [smem:$0x3FB7];
	_ =	sdelay $0x3  }
0x36: {  	p1 =	seq.s32 s10, $0x1;
	s10 =	sld [smem:$0x3FB8];
	_ =	sdelay $0x3  }
0x37: {  	[smem:$0x3FB8] =	sst s10  }
0x38: {  	s10 =	sld [smem:$0x3FB9]  }
0x39: {  	_ = 	snop;
	(pc) =	sbr.ind lr, $3  }
0x3a: {  	_ = 	snop  }
0x3b: {  	_ = 	snop  }
0x3c: {  	p2 =	seq.s32 s10, $0x1;
	s10 =	sld [smem:$0x3FB8]  }
0x3d: {  	_ =	shalt  }
0x3e: {  	_ =	shalt  }
0x3f: {  	_ =	shalt  }
0x40: {  	_ =	shalt  }
0x41: {  	_ =	shalt  }
0x42: {  	_ =	shalt  }
0x43: {  	_ =	shalt  }
0x44: {  	_ =	shalt  }
0x45: {  	_ =	shalt  }
0x46: {  	_ =	shalt  }
0x47: {  	_ =	shalt  }
0x48: {  	_ =	shalt  }
0x49: {  	_ =	shalt  }
0x4a: {  	_ =	shalt  }
0x4b: {  	_ =	shalt  }
0x4c: {  	_ =	shalt  }
0x4d: {  	_ =	shalt  }
0x4e: {  	_ =	shalt  }
0x4f: {  	_ =	shalt  }
0x50: {  	_ =	shalt  }
0x51: {  	_ =	shalt  }
0x52: {  	_ =	shalt  }
0x53: {  	_ =	shalt  }
0x54: {  	_ =	shalt  }
0x55: {  	_ =	shalt  }
0x56: {  	_ =	shalt  }
0x57: {  	_ =	shalt  }
0x58: {  	_ =	shalt  }
0x59: {  	_ =	shalt  }
0x5a: {  	_ =	shalt  }
0x5b: {  	_ =	shalt  }
0x5c: {  	_ =	shalt  }
0x5d: {  	_ =	shalt  }
0x5e: {  	_ =	shalt  }
0x5f: {  	_ =	shalt  }
0x60: {  	_ =	shalt  }
0x61: {  	_ =	shalt  }
0x62: {  	_ =	shalt  }
0x63: {  	_ =	shalt  }
0x64: {  	_ =	shalt  }
0x65: {  	_ =	shalt  }
0x66: {  	_ =	shalt  }
0x67: {  	_ =	shalt  }
0x68: {  	_ =	shalt  }
0x69: {  	_ =	shalt  }
0x6a: {  	_ =	shalt  }
0x6b: {  	_ =	shalt  }
0x6c: {  	_ =	shalt  }
0x6d: {  	_ =	shalt  }
0x6e: {  	_ =	shalt  }
0x6f: {  	_ =	shalt  }
0x70: {  	_ =	shalt  }
0x71: {  	_ =	shalt  }
0x72: {  	_ =	shalt  }
0x73: {  	_ =	shalt  }
0x74: {  	_ =	shalt  }
0x75: {  	_ =	shalt  }
0x76: {  	_ =	shalt  }
0x77: {  	_ =	shalt  }
0x78: {  	_ =	shalt  }
0x79: {  	_ =	shalt  }
0x7a: {  	_ =	shalt  }
0x7b: {  	_ =	shalt  }
0x7c: {  	_ =	shalt  }
0x7d: {  	_ =	shalt  }
0x7e: {  	_ =	shalt  }
0x7f: {  	_ =	shalt  }
0x80: {  	_ =	shalt  }
0x81: {  	_ =	shalt  }
0x82: {  	_ =	shalt  }
0x83: {  	_ =	shalt  }
0x84: {  	_ =	shalt  }
0x85: {  	_ =	shalt  }
0x86: {  	_ =	shalt  }
0x87: {  	_ =	shalt  }
.Lfunc_end0:
.L_simem_size_0:
called_computation_lowered:
.L_overlay_start_0:
0x88: {  	s2 =	sld [smem:$0x3FD9]  }
0x89: {  	s3 =	sld [smem:$0x3FFE];
	_ =	sdelay $0x1  }
0x8a: {  	s1 =	srdreg.scid  }
0x8b: {  	s0 =	sand.u32 $0x1, s1  }
0x8c: {  	s16 =	sshll.u32 s0, $0xA;
	s2 =	sadd.s32 s3, s2  }
0x8d: {  	s2 =	sadd.s32 s2, s16  }
0x8e: {  	[smem:$0x3FC4] =	sst s2  }
0x8f: {  	_ = 	snop  }
0x90: {  	(tm) =	ssettm $0x1  }
0x91: {  	s17 =	sld [smem:$0x3FFB];
	_ =	sdelay $0x3  }
0x92: {  	_ =	strace s17  }
0x93: {  	s2 =	sld [smem:$0x3FFC];
	_ =	sdelay $0x3  }
0x94: {  	_ =	strace s2  }
0x95: {  	s2 =	sld [smem:$0x3FFD];
	_ =	sdelay $0x3  }
0x96: {  	_ =	strace s2  }
0x97: {  	_ =	strace $0x8FFFFFFF  }
0x98: {  	s18 =	sld [smem:$0x3FDB];
	_ =	sdelay $0x1  }
0x99: {  	s19 =	simm.s32 $_scs_section_size  }
0x9a: {  	s4 =	simm.s32 $_size__tile_overlayer_lowered;
	s5 =	simm.s32 $_tile_overlayer_lowered  }
0x9b: {  	s22 =	simm.s32 $0x1BFF;
	s21 =	sshll.u32 s5, $0x1;
	s2 =	sadd.s32 s19, s18  }
0x9c: {  	s6 =	simm.s32 $0x0;
	s20 =	sshll.u32 s4, $0x1;
	s4 =	sadd.s32 s21, s2  }
0x9d: {  	[timem:s6], [sflag:s22] =	dma.local [hbm:s4], s20  }
0x9e: {  	_ =	swait.ge [sflag:s22], s20  }
0x9f: {  	s3 =	ssub.s32 $0x0, s20;
	[sflag:s22] =	ssyncset.done $0x0  }
0xa0: {  	[sflag:s22] =	ssyncadd.s32 s3;
	_ =	sdelay $0x1  }
0xa1: {  	s23 =	simm.s32 $0x1B8B  }
0xa2: {  	_ =	swait.ge [sflag:s23], $0x1  }
0xa3: {  	[sflag:s23] =	ssyncset.done $0x0  }
0xa4: {  	s25 =	simm.s32 $0x1B8E;
	s24 =	sld [smem:$0x3FFE];
	[sflag:s23] =	ssyncadd.s32 $0xFFFFFFFF  }
0xa5: {  	s26 =	simm.s32 $execute0_lowered;
	[smem:$0x3FD2] =	sst s25  }
0xa6: {  	s4 =	sshll.u32 s26, $0x1;
	_ =	strace $0x80000046;
	[dreg:$0x1] =	wrdreg $0xFFFFFFFF  }
0xa7: {  	s28 =	simm.s32 $_size_execute0_lowered;
	s2 =	sadd.s32 s2, s4;
	[dreg:$0x0] =	wrdreg $0x0  }
0xa8: {  	s4 =	sshll.u32 s28, $0x1;
	[dreg:$0x2] =	wrdreg s2  }
0xa9: {  	[dreg:$0x3] =	wrdreg s4  }
0xaa: {  	[dreg:$0x4] =	wrdreg $0xC0  }
0xab: {  	_ =	task [dreg:s6], $0x5FFFF  }
0xac: {  	[dreg:$0x1] =	wrdreg $0xFFFFFFFF  }
0xad: {  	[dreg:$0x0] =	wrdreg $0x60  }
0xae: {  	[dreg:$0x2] =	wrdreg s24  }
0xaf: {  	[dreg:$0x3] =	wrdreg $0x9  }
0xb0: {  	_ =	task.clear_ibuf [dreg:s6], $0x4FFFF;
	_ =	strace $0x90000046  }
0xb1: {  	s29 =	simm.s32 $0x9;
	_ =	strace $0x80000048  }
0xb2: {  	_ =	swait.ge [sflag:s29], $0x1  }
0xb3: {  	[sflag:s29] =	ssyncadd.s32 $0xFFFFFFFF  }
0xb4: {  	_ =	strace $0x90000048  }
0xb5: {  	_ =	sfence  }
0xb6: {  	s30 =	sld [smem:$0x0];
	_ =	sdelay $0x2  }
0xb7: {  	s31 =	sshll.u32 s1, $0xD;
	s1 =	sshrl.u32 s1, $0x2  }
0xb8: {  	s3 =	sand.u32 $0x4000, s31;
	s1 =	sadd.s32 s1, s30  }
0xb9: {  	s0 =	sor.u32 s3, s0;
	s1 =	sshll.u32 s1, $0x11  }
0xba: {  	s0 =	sor.u32 s1, s0  }
0xbb: {  	s0 =	sadd.s32 $0x8F2B, s0  }
0xbc: {  	[sflag:s0] =	ssyncadd.remote.s32 $0x1  }
0xbd: {  	_ =	sfence.sel $0xFFFF  }
0xbe: {  	[dreg:$0x0] =	wrdreg $0xFFFFFFFF;
	(pc) =	sbr.abs _section_cstart, $3  }
0xbf: {  	[dreg:$0x1] =	wrdreg $0xFFFFFFFF  }
0xc0: {  	_ =	task.clear_ibuf [dreg:s6], $0x2FFFF;
	_ =	strace $0x9FFFFFFF  }
0xc1: {  	(tm) =	ssettm $0x7FFFFFFF  }
tec
execute0_lowered:
.L_overlay_start_1:
0x0: {  	(tag) =	ssettag $0x1  }
0x1: {  	s2 =	srdreg.scid;
	s18 =	stileid.u32  }
0x2: {  	s2 =	sand.u32 $0x1, s2;
	s3 =	sshll.u32 s18, $0x1  }
0x3: {  	s0 =	rddreg [dreg:$0x0];
	s5 =	ssub.s32 $0x2, s2;
	s2 =	sor.u32 s2, s3  }
0x4: {  	s1 =	simm.s32 $0x0;
	s31 =	sshrl.u32 s5, $0x1;
	s6 =	sshll.u32 s2, $0x6  }
0x5: {  	s4 =	sadd.s32 $0xE00, s0;
	s16 =	ssub.s32 s5, s31;
	s5 =	sadd.s32 $0x40, s6  }
0x6: {  	[smem:$0x7FF] =	sst s1;
	s12 =	sadd.s32 $0x8C0, s6;
	s11 =	sadd.s32 s4, s5  }
0x7: {  	s13 =	sadd.s32 $0x1140, s6;
	s8 =	sadd.s32 s4, s12;
	[dreg:$0x2] =	wrdreg s11  }
0x8: {  	s17 =	sadd.s32 $0x19C0, s6;
	s14 =	sadd.s32 s4, s13;
	[dreg:$0x3] =	wrdreg s8  }
0x9: {  	s10 =	sadd.s32 $0x2AC0, s6;
	s9 =	sadd.s32 s4, s17;
	[dreg:$0x4] =	wrdreg s14  }
0xa: {  	s7 =	sadd.s32 $0x5200, s0;
	s20 =	sadd.s32 s4, s10;
	[dreg:$0x5] =	wrdreg s9  }
0xb: {  	s21 =	sadd.s32 s7, s5;
	[dreg:$0x7] =	wrdreg s20  }
0xc: {  	s22 =	sadd.s32 s7, s12;
	[dreg:$0x8] =	wrdreg s21  }
0xd: {  	s23 =	sadd.s32 s7, s13;
	[dreg:$0x9] =	wrdreg s22  }
0xe: {  	s19 =	sadd.s32 $0x2240, s6;
	s24 =	sadd.s32 s7, s17;
	[dreg:$0xa] =	wrdreg s23  }
0xf: {  	s15 =	sadd.s32 $0x9600, s0;
	s25 =	sadd.s32 s7, s19;
	[dreg:$0xb] =	wrdreg s24  }
0x10: {  	s0 =	sadd.s32 s15, s5;
	[dreg:$0xc] =	wrdreg s25  }
0x11: {  	s28 =	sadd.s32 s15, s12;
	[dreg:$0xd] =	wrdreg s0  }
0x12: {  	s29 =	sadd.s32 s15, s13;
	[dreg:$0xe] =	wrdreg s28  }
0x13: {  	s30 =	sadd.s32 s15, s17;
	[dreg:$0xf] =	wrdreg s29  }
0x14: {  	s31 =	sadd.s32 s15, s19;
	[dreg:$0x10] =	wrdreg s30  }
0x15: {  	s5 =	sadd.s32 s7, s10;
	[dreg:$0x11] =	wrdreg s31  }
0x16: {  	p0 =	sgt.u32 s18, $0x1;
	s11 =	sadd.s32 s4, s19;
	[dreg:$0x12] =	wrdreg s5  }
0x17: {  	s26 =	sadd.s32 $0x3340, s6;
	s8 =	sadd.s32 s15, s10;
	[dreg:$0x6] =	wrdreg s11  }
0x18: {  	s18 =	simm.s32 $0x0;
	s9 =	sadd.s32 s7, s26;
	[dreg:$0x13] =	wrdreg s8  }
0x19: {  	s6 =	sadd.s32 $0x3BC0, s6;
	s10 =	sadd.s32 s15, s26;
	[dreg:$0x14] =	wrdreg s9  }
0x1a: {  	s3 =	smul.u32 $0x280, s2;
	s19 =	sadd.s32 s7, s6;
	[dreg:$0x15] =	wrdreg s10  }
0x1b: {  	s16 =	smax.u32 s16, $0x1;
	s20 =	sadd.s32 s15, s6;
	[dreg:$0x16] =	wrdreg s19  }
0x1c: {  	s11 =	sshrl.u32 s3, $0x3;
	[dreg:$0x17] =	wrdreg s20;
	s19 =	simm.s32 $0x2F80  }
0x1d: {  	s21 =	sadd.s32 $0x880, s11;
	s22 =	sor.u32 $0x1100, s11;
	s23 =	sadd.s32 s4, s11  }
0x1e: {  	s26 =	sadd.s32 $0x1980, s11;
	s12 =	sor.u32 $0x2200, s11;
	s13 =	sadd.s32 $0x2A80, s11  }
0x1f: {  	s31 =	sadd.s32 s7, s11;
	s14 =	sor.u32 $0x3300, s11;
	s17 =	sadd.s32 $0x3B80, s11  }
0x20: {  	s8 =	sadd.s32 s15, s11;
	[dreg:$0x18] =	wrdreg s23;
	s24 =	sadd.s32 s4, s21  }
0x21: {  	s25 =	sadd.s32 s4, s22;
	s28 =	sadd.s32 s4, s26;
	s29 =	sadd.s32 s4, s12  }
0x22: {  	s30 =	sadd.s32 s4, s13;
	[dreg:$0x1e] =	wrdreg s31;
	s0 =	sadd.s32 s7, s21  }
0x23: {  	s2 =	sadd.s32 s7, s22;
	s3 =	sadd.s32 s7, s26;
	s4 =	sadd.s32 s7, s12  }
0x24: {  	s5 =	sadd.s32 s7, s13;
	s6 =	sadd.s32 s7, s14;
	s7 =	sadd.s32 s7, s17  }
0x25: {  	s9 =	sadd.s32 s15, s21;
	s10 =	sadd.s32 s15, s22;
	[dreg:$0x19] =	wrdreg s24  }
.Ltmp0:
0x26: {  	s11 =	sadd.s32 s15, s26;
	[dreg:$0x1a] =	wrdreg s25;
	(pc) =	sbr.rel .LBB2_1-.Ltmp0, $4  }
0x27: {  	s12 =	sadd.s32 s15, s12;
	s13 =	sadd.s32 s15, s13;
	[dreg:$0x1b] =	wrdreg s28  }
0x28: {  	s14 =	sadd.s32 s15, s14;
	s15 =	sadd.s32 s15, s17;
	[dreg:$0x1c] =	wrdreg s29  }
0x29: {  	s17 =	simm.s32 $0x1;
	s26 =	simm.s32 $0x2D00;
	[dreg:$0x1d] =	wrdreg s30  }
0x2a: {  	s23 =	simm.s32 $0x3200;
	s21 =	simm.s32 $0x3480;
	_ =	strace $0x80000047  }
.LBB2_12:
0x2b: {  	s18 =	sadd.s32 $0x1, s18  }
0x2c: {  	p1 =	sne.s32 s18, s16  }
.Ltmp1:
0x2d: {  	_ = 	snop;
	(pc) =	sbr.rel @!p1 .LBB2_13-.Ltmp1, $1  }
0x2e: {  	_ =	sdelay $0x3  }
.LBB2_1:
.Ltmp2:
0x2f: {  	(pc) =	sbr.rel @p0 .LBB2_7-.Ltmp2, $2  }
0x30: {  	_ =	sdelay $0x2  }
0x31: {  	s28 =	simm.s32 $0x0  }
0x32: {  	s20 =	rddreg [dreg:$0x18]  }
0x33: {  	[tilespmem:s28], [sflag:$0x1] =	stream.linear.gather [hbm4b:s20+s28], $0x280, $0x38;
	[tilespmem:$0x3700] =	vst v63  }
0x34: {  	_ =	swait.ge [sflag:s17], $0x280  }
0x35: {  	[sflag:s17] =	ssyncset.done $0x0  }
0x36: {  	s22 =	simm.s32 $0x280;
	s31 =	rddreg [dreg:$0x19];
	[sflag:s17] =	ssyncadd.s32 $0xFFFFFD80  }
0x37: {  	[tilespmem:s22], [sflag:$0x1] =	stream.linear.gather [hbm4b:s31+s28], $0x280, $0x38;
	[tilespmem:$0x3700] =	vst v63  }
0x38: {  	_ =	swait.ge [sflag:s17], $0x280  }
0x39: {  	[sflag:s17] =	ssyncset.done $0x0  }
0x3a: {  	s24 =	simm.s32 $0x500;
	s22 =	rddreg [dreg:$0x1a];
	[sflag:s17] =	ssyncadd.s32 $0xFFFFFD80  }
0x3b: {  	[tilespmem:s24], [sflag:$0x1] =	stream.linear.gather [hbm4b:s22+s28], $0x280, $0x38;
	[tilespmem:$0x3700] =	vst v63  }
0x3c: {  	_ =	swait.ge [sflag:s17], $0x280  }
0x3d: {  	[sflag:s17] =	ssyncset.done $0x0  }
0x3e: {  	s29 =	simm.s32 $0x780;
	s25 =	rddreg [dreg:$0x1b];
	[sflag:s17] =	ssyncadd.s32 $0xFFFFFD80  }
0x3f: {  	[tilespmem:s29], [sflag:$0x1] =	stream.linear.gather [hbm4b:s25+s28], $0x280, $0x38;
	[tilespmem:$0x3700] =	vst v63  }
0x40: {  	_ =	swait.ge [sflag:s17], $0x280  }
0x41: {  	[sflag:s17] =	ssyncset.done $0x0  }
0x42: {  	s31 =	simm.s32 $0xA00;
	s30 =	rddreg [dreg:$0x1c];
	[sflag:s17] =	ssyncadd.s32 $0xFFFFFD80  }
0x43: {  	[tilespmem:s31], [sflag:$0x1] =	stream.linear.gather [hbm4b:s30+s28], $0x280, $0x38;
	[tilespmem:$0x3700] =	vst v63  }
0x44: {  	_ =	swait.ge [sflag:s17], $0x280  }
0x45: {  	[sflag:s17] =	ssyncset.done $0x0  }
0x46: {  	s25 =	simm.s32 $0xC80;
	s24 =	rddreg [dreg:$0x1d];
	[sflag:s17] =	ssyncadd.s32 $0xFFFFFD80  }
0x47: {  	[tilespmem:s25], [sflag:$0x1] =	stream.linear.gather [hbm4b:s24+s28], $0x280, $0x38;
	[tilespmem:$0x3700] =	vst v63  }
0x48: {  	_ =	swait.ge [sflag:s17], $0x280  }
0x49: {  	[sflag:s17] =	ssyncset.done $0x0  }
0x4a: {  	s30 =	simm.s32 $0xF00;
	s29 =	rddreg [dreg:$0x1e];
	[sflag:s17] =	ssyncadd.s32 $0xFFFFFD80  }
0x4b: {  	[tilespmem:s30], [sflag:$0x1] =	stream.linear.gather [hbm4b:s29+s28], $0x280, $0x38;
	[tilespmem:$0x3700] =	vst v63  }
0x4c: {  	_ =	swait.ge [sflag:s17], $0x280  }
0x4d: {  	[sflag:s17] =	ssyncset.done $0x0  }
0x4e: {  	s31 =	simm.s32 $0x1180;
	[sflag:s17] =	ssyncadd.s32 $0xFFFFFD80  }
0x4f: {  	[tilespmem:s31], [sflag:$0x1] =	stream.linear.gather [hbm4b:s0+s28], $0x280, $0x38;
	[tilespmem:$0x3700] =	vst v63  }
0x50: {  	_ =	swait.ge [sflag:s17], $0x280  }
0x51: {  	[sflag:s17] =	ssyncset.done $0x0  }
0x52: {  	s22 =	simm.s32 $0x1400;
	[sflag:s17] =	ssyncadd.s32 $0xFFFFFD80  }
0x53: {  	[tilespmem:s22], [sflag:$0x1] =	stream.linear.gather [hbm4b:s2+s28], $0x280, $0x38;
	[tilespmem:$0x3700] =	vst v63  }
0x54: {  	_ =	swait.ge [sflag:s17], $0x280  }
0x55: {  	[sflag:s17] =	ssyncset.done $0x0  }
0x56: {  	s24 =	simm.s32 $0x1680;
	[sflag:s17] =	ssyncadd.s32 $0xFFFFFD80  }
0x57: {  	[tilespmem:s24], [sflag:$0x1] =	stream.linear.gather [hbm4b:s3+s28], $0x280, $0x38;
	[tilespmem:$0x3700] =	vst v63  }
0x58: {  	_ =	swait.ge [sflag:s17], $0x280  }
0x59: {  	[sflag:s17] =	ssyncset.done $0x0  }
0x5a: {  	s25 =	simm.s32 $0x1900;
	[sflag:s17] =	ssyncadd.s32 $0xFFFFFD80  }
0x5b: {  	[tilespmem:s25], [sflag:$0x1] =	stream.linear.gather [hbm4b:s4+s28], $0x280, $0x38;
	[tilespmem:$0x3700] =	vst v63  }
0x5c: {  	_ =	swait.ge [sflag:s17], $0x280  }
0x5d: {  	[sflag:s17] =	ssyncset.done $0x0  }
0x5e: {  	s29 =	simm.s32 $0x1B80;
	[sflag:s17] =	ssyncadd.s32 $0xFFFFFD80  }
0x5f: {  	[tilespmem:s29], [sflag:$0x1] =	stream.linear.gather [hbm4b:s5+s28], $0x280, $0x38;
	[tilespmem:$0x3700] =	vst v63  }
0x60: {  	_ =	swait.ge [sflag:s17], $0x280  }
0x61: {  	[sflag:s17] =	ssyncset.done $0x0  }
0x62: {  	s30 =	simm.s32 $0x1E00;
	[sflag:s17] =	ssyncadd.s32 $0xFFFFFD80  }
0x63: {  	[tilespmem:s30], [sflag:$0x1] =	stream.linear.gather [hbm4b:s6+s28], $0x280, $0x38;
	[tilespmem:$0x3700] =	vst v63  }
0x64: {  	_ =	swait.ge [sflag:s17], $0x280  }
0x65: {  	[sflag:s17] =	ssyncset.done $0x0  }
0x66: {  	s31 =	simm.s32 $0x2080;
	[sflag:s17] =	ssyncadd.s32 $0xFFFFFD80  }
0x67: {  	[tilespmem:s31], [sflag:$0x1] =	stream.linear.gather [hbm4b:s7+s28], $0x280, $0x38;
	[tilespmem:$0x3700] =	vst v63  }
0x68: {  	_ =	swait.ge [sflag:s17], $0x280  }
0x69: {  	[sflag:s17] =	ssyncset.done $0x0  }
0x6a: {  	s24 =	simm.s32 $0xF20;
	s25 =	simm.s32 $0x2320;
	[sflag:s17] =	ssyncadd.s32 $0xFFFFFD80  }
.LBB2_3:
0x6b: {  	v0 =	vld [tilespmem:s24+$0xFFFFFFF0]  }
0x6c: {  	v12 =	vld [tilespmem:s24+$0xFFFFFFE0]  }
0x6d: {  	s20 =	simm.s32 $0x780;
	v14 =	vld [tilespmem:s24+$0x10]  }
0x6e: {  	v1 =	vld [tilespmem:s20+$0x2A0]  }
0x6f: {  	v2 =	vld [tilespmem:s20+$0x510]  }
0x70: {  	v3 =	vld [tilespmem:s20+$0x290]  }
0x71: {  	v4 =	vld [tilespmem:s20+$0xFFFFFD90]  }
0x72: {  	v5 =	vld [tilespmem:s20+$0x0]  }
0x73: {  	v6 =	vld [tilespmem:s20+$0xFFFFFDA0]  }
0x74: {  	v7 =	vld [tilespmem:s20+$0x10]  }
0x75: {  	v9 =	vld [tilespmem:s20+$0xFFFFF890]  }
0x76: {  	v8 =	vld [tilespmem:s20+$0xFFFFFB10]  }
0x77: {  	v10 =	vld [tilespmem:s20+$0xFFFFFB00]  }
0x78: {  	v11 =	vld [tilespmem:s20+$0xFFFFFB30]  }
0x79: {  	s22 =	sadd.s32 $0x40, s24;
	v13 =	vld [tilespmem:s20+$0xFFFFF880];
	vm0 =	veq.s32 v0, $0x0;
	vm1 =	veq.s32 v0, $0x1  }
0x7a: {  	v61 =	vld [tilespmem:s22+$0xFFFFFFE0];
	vm2 =	veq.s32 v0, $0x3;
	vm3 =	veq.s32 v0, $0x5;
	v9 =	vnsel vm0, $0x0, v9  }
0x7b: {  	vm4 =	veq.s32 v12, $0x4;
	vm0 =	veq.s32 v0, $0x2;
	v8 =	vsel vm1, v8, v9;
	v9 =	vld [tilespmem:s24+$0x0]  }
0x7c: {  	vm5 =	veq.s32 v14, $0x1;
	vm1 =	veq.s32 v0, $0x4;
	v0 =	vsel vm0, v4, v8;
	v4 =	vld [tilespmem:s20+$0xFFFFF8A0]  }
0x7d: {  	vm15 =	veq.s32 v14, $0x2;
	v8 =	vld [tilespmem:s20+$0xFFFFFB20];
	vm0 =	veq.s32 v12, $0x0;
	v0 =	vsel vm2, v7, v0  }
0x7e: {  	vm2 =	veq.s32 v12, $0x1;
	v7 =	vld [tilespmem:s20+$0xFFFFF8B0];
	v0 =	vsel vm1, v3, v0;
	v3 =	vnsel vm0, $0x0, v13  }
0x7f: {  	vm9 =	veq.s32 v61, $0x2;
	vm10 =	veq.s32 v61, $0x3;
	v3 =	vsel vm2, v10, v3;
	v10 =	vld [tilespmem:s20+$0x20]  }
0x80: {  	vm1 =	veq.s32 v12, $0x2;
	vm2 =	veq.s32 v12, $0x3;
	v0 =	vsel vm3, v2, v0;
	v2 =	vld [tilespmem:s20+$0xFFFFFD80]  }
0x81: {  	v15 =	vld [tilespmem:s20+$0x280];
	vm3 =	veq.s32 v14, $0x0;
	vm0 =	veq.s32 v9, $0x0;
	vm6 =	veq.s32 v9, $0x1  }
0x82: {  	v13 =	vld [tilespmem:s20+$0x520];
	vm14 =	veq.s32 v9, $0x2;
	v0 =	vmul.f32 $4.999999890e-03, v0;
	v4 =	vnsel vm0, $0x0, v4  }
0x83: {  	vm0 =	veq.s32 v14, $0x3;
	v4 =	vsel vm6, v8, v4;
	v7 =	vnsel vm3, $0x0, v7;
	v8 =	vld [tilespmem:s20+$0x500]  }
0x84: {  	vm3 =	veq.s32 v9, $0x3;
	v0 =	vmax.f32 v0, $0.0e+00;
	v4 =	vsel vm14, v6, v4;
	v6 =	vld [tilespmem:s20+$0xFFFFFDB0]  }
0x85: {  	v4 =	vsel vm3, v10, v4;
	vm3 =	veq.s32 v9, $0x4;
	v2 =	vsel vm1, v2, v3;
	v3 =	vld [tilespmem:s20+$0x30]  }
0x86: {  	v7 =	vsel vm5, v11, v7;
	v0 =	vadd.f32 $9.999999970e-07, v0;
	v1 =	vsel vm3, v1, v4;
	v4 =	vld [tilespmem:s20+$0x2B0]  }
0x87: {  	vm1 =	veq.s32 v9, $0x5;
	v2 =	vsel vm2, v5, v2;
	v5 =	vld [tilespmem:s20+$0x530];
	vm2 =	veq.s32 v14, $0x4  }
0x88: {  	v9 =	vshrl.u32 v0, $0x1;
	v1 =	vsel vm1, v13, v1;
	v2 =	vsel vm4, v15, v2  }
0x89: {  	s20 =	simm.s32 $0x7C0;
	vm1 =	veq.s32 v12, $0x5;
	v1 =	vmul.f32 $4.999999890e-03, v1;
	v6 =	vsel vm15, v6, v7  }
0x8a: {  	v11 =	vmul.f32 $5.000000000e-01, v0;
	v10 =	vld [tilespmem:s20+$0xFFFFFD90];
	v2 =	vsel vm1, v8, v2;
	v3 =	vsel vm0, v3, v6  }
0x8b: {  	v7 =	vld [tilespmem:s22+$0xFFFFFFF0];
	v1 =	vmax.f32 v1, $0.0e+00;
	vm0 =	veq.s32 v14, $0x5;
	v3 =	vsel vm2, v4, v3  }
0x8c: {  	v16 =	vld [tilespmem:s20+$0xFFFFFB10];
	v2 =	vmul.f32 $4.999999890e-03, v2;
	v1 =	vadd.f32 $9.999999970e-07, v1;
	v3 =	vsel vm0, v5, v3  }
0x8d: {  	vm3 =	veq.s32 v61, $0x1;
	v9 =	vsub.s32 $0x5F3759DF, v9;
	v18 =	vld [tilespmem:s20+$0xFFFFFDA0];
	v3 =	vmul.f32 $4.999999890e-03, v3  }
0x8e: {  	v19 =	vld [tilespmem:s20+$0x10];
	v2 =	vmax.f32 v2, $0.0e+00;
	v6 =	vshrl.u32 v1, $0x1;
	v0 =	vmul.f32 $5.000000000e-01, v1  }
0x8f: {  	v1 =	vadd.f32 $9.999999970e-07, v2;
	v17 =	vsub.s32 $0x5F3759DF, v6;
	v6 =	vld [tilespmem:s20+$0xFFFFF890];
	v2 =	vmax.f32 v3, $0.0e+00  }
0x90: {  	v22 =	vld [tilespmem:s20+$0xFFFFF880];
	vm0 =	veq.s32 v7, $0x0;
	v3 =	vmul.f32 v9, v11;
	v15 =	vadd.f32 $9.999999970e-07, v2  }
0x91: {  	v23 =	vld [tilespmem:s20+$0xFFFFFB00];
	vm1 =	veq.s32 v7, $0x1;
	vm2 =	veq.s32 v7, $0x2;
	v14 =	vshrl.u32 v1, $0x1  }
0x92: {  	v62 =	vld [tilespmem:s20+$0xFFFFFB20];
	v2 =	vmul.f32 $5.000000000e-01, v1;
	v3 =	vmul.f32 v9, v3;
	v20 =	vshrl.u32 v15, $0x1  }
0x93: {  	v5 =	vld [tilespmem:s20+$0x290];
	v21 =	vsub.s32 $0x5F3759DF, v14;
	v1 =	vmul.f32 $5.000000000e-01, v15;
	v15 =	vsub.s32 $0x5F3759DF, v20  }
0x94: {  	v4 =	vld [tilespmem:s20+$0x510];
	v3 =	vsub.f32 $1.500000000e+00, v3;
	v6 =	vnsel vm0, $0x0, v6;
	vm0 =	veq.s32 v7, $0x3  }
0x95: {  	v14 =	vmul.f32 v15, v1;
	v6 =	vsel vm1, v16, v6;
	vm1 =	veq.s32 v7, $0x4;
	v16 =	vld [tilespmem:s22+$0x0]  }
0x96: {  	v3 =	vmul.f32 v9, v3;
	v6 =	vsel vm2, v10, v6;
	vm2 =	veq.s32 v7, $0x5;
	v10 =	vld [tilespmem:s22+$0x10]  }
0x97: {  	v9 =	vmul.f32 v15, v14;
	v14 =	vld [tilespmem:s20+$0xFFFFF8B0];
	v6 =	vsel vm0, v19, v6;
	vm0 =	veq.s32 v61, $0x0  }
0x98: {  	v19 =	vld [tilespmem:s20+$0xFFFFF8A0];
	v7 =	vmul.f32 v3, v11;
	v5 =	vsel vm1, v5, v6;
	v6 =	vnsel vm0, $0x0, v22  }
0x99: {  	v24 =	vld [tilespmem:s20+$0xFFFFFB30];
	v13 =	vmul.f32 v17, v0;
	v9 =	vsub.f32 $1.500000000e+00, v9;
	v23 =	vsel vm3, v23, v6  }
0x9a: {  	v8 =	vld [tilespmem:s20+$0x2A0];
	vm3 =	veq.s32 v61, $0x4;
	v4 =	vsel vm2, v4, v5;
	v5 =	vmul.f32 v7, v3  }
0x9b: {  	v7 =	vld [tilespmem:s20+$0x20];
	vm11 =	veq.s32 v16, $0x0;
	vm12 =	veq.s32 v16, $0x2;
	vm13 =	veq.s32 v16, $0x3  }
0x9c: {  	vm14 =	veq.s32 v16, $0x4;
	v6 =	vmul.f32 v15, v9;
	vm1 =	veq.s32 v10, $0x0;
	v9 =	vld [tilespmem:s20+$0xFFFFFD80]  }
0x9d: {  	v15 =	vld [tilespmem:s20+$0x520];
	v14 =	vnsel vm1, $0x0, v14;
	v19 =	vnsel vm11, $0x0, v19;
	vm1 =	veq.s32 v16, $0x1  }
0x9e: {  	v12 =	vld [tilespmem:s20+$0x0];
	vm15 =	veq.s32 v16, $0x5;
	vm2 =	veq.s32 v10, $0x1;
	v19 =	vsel vm1, v62, v19  }
0x9f: {  	v25 =	vld [tilespmem:s20+$0x280];
	vm0 =	veq.s32 v10, $0x3;
	v5 =	vsub.f32 $1.500000000e+00, v5;
	v18 =	vsel vm12, v18, v19  }
0xa0: {  	vm7 =	veq.s32 v10, $0x2;
	vm1 =	veq.s32 v10, $0x5;
	v7 =	vsel vm13, v7, v18  }
0xa1: {  	v63 =	vld [tilespmem:s20+$0x500];
	v14 =	vsel vm2, v24, v14;
	v5 =	vmul.f32 v5, v3;
	v7 =	vsel vm14, v8, v7  }
0xa2: {  	vm2 =	veq.s32 v10, $0x4;
	v9 =	vsel vm9, v9, v23;
	v7 =	vsel vm15, v15, v7  }
0xa3: {  	v10 =	vmul.f32 v5, v11;
	v8 =	vsel vm10, v12, v9;
	v7 =	vmul.f32 $4.999999890e-03, v7  }
0xa4: {  	v18 =	vld [tilespmem:s20+$0xFFFFFDB0];
	v11 =	vmul.f32 $4.999999890e-03, v4;
	v3 =	vsel vm3, v25, v8;
	v8 =	vmul.f32 v21, v2  }
0xa5: {  	v4 =	vmul.f32 v17, v13;
	vm3 =	veq.s32 v61, $0x5;
	v7 =	vmax.f32 v7, $0.0e+00  }
0xa6: {  	v3 =	vsel vm3, v63, v3;
	v12 =	vmul.f32 v21, v8;
	v7 =	vadd.f32 $9.999999970e-07, v7  }
0xa7: {  	v19 =	vsub.f32 $1.500000000e+00, v4;
	v3 =	vmul.f32 $4.999999890e-03, v3  }
0xa8: {  	v13 =	vshrl.u32 v7, $0x1;
	v8 =	vmul.f32 $5.000000000e-01, v7;
	v7 =	vsub.f32 $1.500000000e+00, v12;
	v12 =	vld [tilespmem:s20+$0x30]  }
0xa9: {  	v10 =	vmul.f32 v10, v5;
	v9 =	vsel vm7, v18, v14;
	v14 =	vld [tilespmem:s20+$0x2B0];
	v3 =	vmax.f32 v3, $0.0e+00  }
0xaa: {  	v15 =	vld [tilespmem:s20+$0x530];
	v17 =	vmul.f32 v17, v19;
	v18 =	vadd.f32 $9.999999970e-07, v3;
	v3 =	vsub.s32 $0x5F3759DF, v13  }
0xab: {  	s31 =	simm.s32 $0x4;
	v4 =	vmul.f32 v3, v8;
	v16 =	vmul.f32 v21, v7  }
0xac: {  	s29 =	smov.u32 s25;
	s30 =	smov.u32 s25;
	s22 =	sadd.s32 $0x40, s22;
	v7 =	vsub.f32 $1.500000000e+00, v10;
	v10 =	vshrl.u32 v18, $0x1;
	v13 =	vmul.f32 $5.000000000e-01, v18  }
.LBB2_4:
0xad: {  	v18 =	vld [tilespmem:s22+$0xFFFFFFF0];
	s31 =	sadd.s32 $0x4, s31;
	v11 =	vmax.f32 v11, $0.0e+00;
	v12 =	vsel vm0, v12, v9;
	s20 =	sadd.s32 $0x40, s20;
	v19 =	vmul.f32 v16, v2;
	s29 =	sadd.s32 $0x40, s29  }
0xae: {  	v9 =	vld [tilespmem:s20+$0x2A0];
	p1 =	slt.u32 s31, $0x24;
	v20 =	vadd.f32 $9.999999970e-07, v11;
	v11 =	vsel vm2, v14, v12;
	v12 =	vmul.f32 v17, v0  }
0xaf: {  	v21 =	vld [tilespmem:s20+$0x510];
	v11 =	vsel vm1, v15, v11;
	v14 =	vmul.f32 v19, v16;
	v15 =	vmul.f32 v6, v1  }
0xb0: {  	v19 =	vld [tilespmem:s20+$0x290];
	v22 =	vshrl.u32 v20, $0x1;
	v23 =	vmul.f32 $4.999999890e-03, v11;
	v24 =	vmul.f32 v12, v17  }
0xb1: {  	v11 =	vld [tilespmem:s20+$0x280];
	v22 =	vsub.s32 $0x5F3759DF, v22;
	v14 =	vsub.f32 $1.500000000e+00, v14;
	v15 =	vmul.f32 v15, v6  }
0xb2: {  	v12 =	vmul.f32 $5.000000000e-01, v20;
	vm0 =	veq.s32 v18, $0x0;
	v25 =	vld [tilespmem:s20+$0xFFFFFD90];
	v20 =	vsub.f32 $1.500000000e+00, v24  }
0xb3: {  	vm2 =	veq.s32 v18, $0x1;
	v23 =	vmax.f32 v23, $0.0e+00;
	v24 =	vld [tilespmem:s20+$0x0];
	v15 =	vsub.f32 $1.500000000e+00, v15  }
0xb4: {  	vm1 =	veq.s32 v18, $0x2;
	v14 =	vmul.f32 v14, v16;
	v26 =	vld [tilespmem:s20+$0xFFFFFDA0];
	v16 =	vmul.f32 v20, v17  }
0xb5: {  	v23 =	vadd.f32 $9.999999970e-07, v23;
	v20 =	vmul.f32 v22, v12;
	v17 =	vld [tilespmem:s20+$0x10];
	v6 =	vmul.f32 v15, v6  }
0xb6: {  	v10 =	vsub.s32 $0x5F3759DF, v10;
	v27 =	vmul.f32 v14, v2;
	v2 =	vmovc v13;
	v15 =	vld [tilespmem:s20+$0xFFFFFB10];
	v28 =	vmul.f32 v16, v0;
	v0 =	vmovc v8  }
0xb7: {  	v13 =	vmul.f32 v22, v20;
	v20 =	vshrl.u32 v23, $0x1;
	v23 =	vmul.f32 $5.000000000e-01, v23;
	v8 =	vld [tilespmem:s20+$0xFFFFF890]  }
0xb8: {  	v20 =	vsub.s32 $0x5F3759DF, v20;
	v27 =	vmul.f32 v27, v14;
	v30 =	vmul.f32 v6, v1;
	v29 =	vld [tilespmem:s20+$0xFFFFFB00]  }
0xb9: {  	vm3 =	veq.s32 v18, $0x3;
	v32 =	vmul.f32 v20, v23;
	v28 =	vmul.f32 v28, v16;
	v1 =	vmovc v23;
	v31 =	vld [tilespmem:s20+$0xFFFFFB30]  }
0xba: {  	vm4 =	veq.s32 v18, $0x4;
	v13 =	vsub.f32 $1.500000000e+00, v13;
	v30 =	vmul.f32 v30, v6;
	v23 =	vld [tilespmem:s20+$0xFFFFF880]  }
0xbb: {  	vm6 =	veq.s32 v18, $0x5;
	v27 =	vsub.f32 $1.500000000e+00, v27;
	v18 =	vmul.f32 v20, v32;
	v33 =	vld [tilespmem:s22+$0xFFFFFFE0]  }
0xbc: {  	v13 =	vmul.f32 v22, v13;
	v22 =	vsub.f32 $1.500000000e+00, v30;
	v8 =	vnsel vm0, $0x0, v8;
	v32 =	vld [tilespmem:s20+$0xFFFFFB20]  }
0xbd: {  	v5 =	vmul.f32 v7, v5;
	v14 =	vmul.f32 v27, v14;
	v8 =	vsel vm2, v15, v8;
	v30 =	vld [tilespmem:s20+$0xFFFFF8B0]  }
0xbe: {  	v15 =	vsub.f32 $1.500000000e+00, v28;
	v7 =	vsel vm1, v25, v8;
	v8 =	vld [tilespmem:s20+$0xFFFFF8A0];
	v25 =	vmul.f32 v13, v12  }
0xbf: {  	v18 =	vsub.f32 $1.500000000e+00, v18;
	v6 =	vmul.f32 v22, v6;
	v7 =	vsel vm3, v17, v7;
	v17 =	vld [tilespmem:s22+$0x10];
	[tilespmem:s30+$0xFFFFFFE0] =	vst v14  }
0xc0: {  	vm0 =	veq.s32 v33, $0x0;
	vm1 =	veq.s32 v33, $0x1;
	v7 =	vsel vm4, v19, v7;
	v19 =	vld [tilespmem:s22+$0x0];
	[tilespmem:s30+$0xFFFFFFF0] =	vst v5  }
0xc1: {  	v16 =	vmul.f32 v15, v16;
	vm4 =	veq.s32 v33, $0x2;
	v5 =	vnsel vm0, $0x0, v23;
	v14 =	vld [tilespmem:s20+$0x2B0];
	[tilespmem:s30+$0x10] =	vst v6  }
0xc2: {  	vm5 =	veq.s32 v33, $0x3;
	vm3 =	veq.s32 v33, $0x4;
	v5 =	vsel vm1, v29, v5;
	v15 =	vld [tilespmem:s20+$0x530]  }
0xc3: {  	v22 =	vmul.f32 v25, v13;
	v7 =	vsel vm6, v21, v7;
	v6 =	vmul.f32 v20, v18;
	v21 =	vld [tilespmem:s20+$0x520];
	[tilespmem:s30+$0x0] =	vst v16;
	s30 =	smov.u32 s29  }
0xc4: {  	v16 =	vld [tilespmem:s20+$0x20];
	vm1 =	veq.s32 v17, $0x0;
	vm2 =	veq.s32 v17, $0x1;
	vm0 =	veq.s32 v17, $0x3  }
0xc5: {  	vm6 =	veq.s32 v17, $0x2;
	v18 =	vld [tilespmem:s20+$0xFFFFFD80];
	vm7 =	veq.s32 v19, $0x0;
	v20 =	vnsel vm1, $0x0, v30  }
0xc6: {  	v22 =	vsub.f32 $1.500000000e+00, v22;
	vm1 =	veq.s32 v19, $0x1;
	v8 =	vnsel vm7, $0x0, v8  }
0xc7: {  	vm7 =	veq.s32 v19, $0x2;
	v8 =	vsel vm1, v32, v8;
	vm1 =	veq.s32 v17, $0x5  }
0xc8: {  	v20 =	vsel vm2, v31, v20;
	v23 =	vld [tilespmem:s20+$0x500];
	v8 =	vsel vm7, v26, v8;
	vm7 =	veq.s32 v19, $0x3  }
0xc9: {  	vm2 =	veq.s32 v17, $0x4;
	v8 =	vsel vm7, v16, v8;
	vm7 =	veq.s32 v19, $0x4;
	v16 =	vld [tilespmem:s20+$0xFFFFFDB0]  }
0xca: {  	v5 =	vsel vm4, v18, v5;
	v8 =	vsel vm7, v9, v8;
	vm4 =	veq.s32 v19, $0x5  }
0xcb: {  	v9 =	vsel vm5, v24, v5;
	v8 =	vsel vm4, v21, v8;
	v5 =	vmul.f32 v22, v13  }
0xcc: {  	v9 =	vsel vm3, v11, v9;
	vm3 =	veq.s32 v33, $0x5;
	v8 =	vmul.f32 $4.999999890e-03, v8  }
0xcd: {  	v11 =	vmul.f32 v10, v2;
	v9 =	vsel vm3, v23, v9;
	v12 =	vmul.f32 v5, v12  }
0xce: {  	v13 =	vmul.f32 $4.999999890e-03, v9;
	v8 =	vmax.f32 v8, $0.0e+00;
	v9 =	vsel vm6, v16, v20  }
0xcf: {  	v16 =	vmul.f32 v10, v11;
	v8 =	vadd.f32 $9.999999970e-07, v8;
	v17 =	vmul.f32 v12, v5  }
.Ltmp3:
0xd0: {  	v4 =	vmul.f32 v3, v4;
	v11 =	vmul.f32 $4.999999890e-03, v7;
	v13 =	vmax.f32 v13, $0.0e+00;
	v12 =	vld [tilespmem:s20+$0x30];
	(pc) =	sbr.rel @p1 .LBB2_4-.Ltmp3, $4  }
0xd1: {  	v16 =	vsub.f32 $1.500000000e+00, v16;
	v7 =	vshrl.u32 v8, $0x1;
	v8 =	vmul.f32 $5.000000000e-01, v8  }
0xd2: {  	v19 =	vsub.f32 $1.500000000e+00, v4;
	v13 =	vadd.f32 $9.999999970e-07, v13;
	v18 =	vsub.s32 $0x5F3759DF, v7  }
0xd3: {  	v16 =	vmul.f32 v10, v16;
	v7 =	vsub.f32 $1.500000000e+00, v17;
	v4 =	vmul.f32 v18, v8  }
0xd4: {  	s22 =	sadd.s32 $0x40, s22;
	v17 =	vmul.f32 v3, v19;
	v10 =	vshrl.u32 v13, $0x1;
	v13 =	vmul.f32 $5.000000000e-01, v13;
	v3 =	vmovc v18  }
0xd5: {  	v11 =	vmax.f32 v11, $0.0e+00;
	v9 =	vsel vm0, v12, v9;
	v33 =	vmul.f32 v16, v2  }
0xd6: {  	v18 =	vmul.f32 v6, v1;
	v10 =	vsub.s32 $0x5F3759DF, v10;
	v4 =	vmul.f32 v3, v4  }
0xd7: {  	v5 =	vmul.f32 v7, v5;
	v11 =	vadd.f32 $9.999999970e-07, v11;
	v9 =	vsel vm2, v14, v9  }
0xd8: {  	v34 =	vmul.f32 v17, v0;
	v37 =	vmul.f32 v10, v13;
	v9 =	vsel vm1, v15, v9  }
0xd9: {  	v12 =	vmul.f32 v33, v16;
	v9 =	vmul.f32 $4.999999890e-03, v9  }
0xda: {  	v18 =	vmul.f32 v18, v6;
	v4 =	vsub.f32 $1.500000000e+00, v4;
	v35 =	vshrl.u32 v11, $0x1  }
0xdb: {  	v14 =	vmul.f32 v34, v17;
	v11 =	vmul.f32 $5.000000000e-01, v11;
	v9 =	vmax.f32 v9, $0.0e+00  }
0xdc: {  	v15 =	vsub.s32 $0x5F3759DF, v35;
	v12 =	vsub.f32 $1.500000000e+00, v12;
	v9 =	vadd.f32 $9.999999970e-07, v9  }
0xdd: {  	v18 =	vsub.f32 $1.500000000e+00, v18;
	v46 =	vmul.f32 v3, v4;
	v14 =	vsub.f32 $1.500000000e+00, v14  }
0xde: {  	v19 =	vmul.f32 v15, v11;
	v36 =	vshrl.u32 v9, $0x1;
	v9 =	vmul.f32 $5.000000000e-01, v9  }
0xdf: {  	v12 =	vmul.f32 v12, v16;
	v14 =	vmul.f32 v14, v17;
	v16 =	vsub.s32 $0x5F3759DF, v36  }
0xe0: {  	v17 =	vmul.f32 v10, v37;
	v20 =	vmul.f32 v16, v9  }
0xe1: {  	v39 =	vmul.f32 v18, v6;
	v19 =	vmul.f32 v15, v19  }
0xe2: {  	v49 =	vmul.f32 v46, v8;
	v17 =	vsub.f32 $1.500000000e+00, v17;
	v40 =	vmul.f32 v16, v20  }
0xe3: {  	v38 =	vmul.f32 v12, v2;
	v50 =	vmul.f32 v39, v1;
	v19 =	vsub.f32 $1.500000000e+00, v19  }
0xe4: {  	v18 =	vmul.f32 v49, v46;
	v10 =	vmul.f32 v10, v17;
	v42 =	vsub.f32 $1.500000000e+00, v40  }
0xe5: {  	v41 =	vmul.f32 v14, v0;
	v15 =	vmul.f32 v15, v19  }
0xe6: {  	v44 =	vmul.f32 v10, v13;
	v43 =	vmul.f32 v16, v42  }
0xe7: {  	v2 =	vmul.f32 v38, v12;
	v45 =	vmul.f32 v15, v11  }
0xe8: {  	v47 =	vmul.f32 v44, v10;
	v48 =	vmul.f32 v43, v9  }
0xe9: {  	v1 =	vmul.f32 v50, v39;
	v52 =	vsub.f32 $1.500000000e+00, v18;
	v17 =	vmul.f32 v45, v15  }
0xea: {  	v2 =	vsub.f32 $1.500000000e+00, v2;
	v4 =	vsub.f32 $1.500000000e+00, v47;
	v16 =	vmul.f32 v48, v43  }
0xeb: {  	v0 =	vmul.f32 v41, v14;
	v3 =	vmul.f32 v52, v46;
	v17 =	vsub.f32 $1.500000000e+00, v17  }
0xec: {  	v2 =	vmul.f32 v2, v12;
	v4 =	vmul.f32 v4, v10;
	v16 =	vsub.f32 $1.500000000e+00, v16  }
0xed: {  	v55 =	vmul.f32 v3, v8;
	v51 =	vmul.f32 v17, v15  }
0xee: {  	v53 =	vmul.f32 v4, v13;
	v12 =	vmul.f32 v16, v43  }
0xef: {  	v1 =	vsub.f32 $1.500000000e+00, v1;
	v8 =	vmul.f32 v55, v3;
	v11 =	vmul.f32 v51, v11  }
0xf0: {  	v0 =	vsub.f32 $1.500000000e+00, v0;
	v54 =	vmul.f32 v53, v4;
	v9 =	vmul.f32 v12, v9  }
0xf1: {  	[tilespmem:s30+$0xFFFFFFF0] =	vst v5;
	v1 =	vmul.f32 v1, v39;
	v62 =	vsub.f32 $1.500000000e+00, v8;
	v11 =	vmul.f32 v11, v51  }
0xf2: {  	s28 =	sadd.s32 $0x1, s28;
	v0 =	vmul.f32 v0, v14;
	[tilespmem:s30+$0xFFFFFFE0] =	vst v2;
	v57 =	vsub.f32 $1.500000000e+00, v54;
	v56 =	vmul.f32 v9, v12  }
0xf3: {  	p1 =	sne.s32 s28, $0x8;
	[tilespmem:s30+$0x10] =	vst v1;
	v63 =	vmul.f32 v62, v3;
	v58 =	vsub.f32 $1.500000000e+00, v11  }
.Ltmp4:
0xf4: {  	s20 =	sadd.s32 $0x40, s29;
	[tilespmem:s30+$0x0] =	vst v0;
	v60 =	vmul.f32 v57, v4;
	v59 =	vsub.f32 $1.500000000e+00, v56;
	(pc) =	sbr.rel @p1 .LBB2_3-.Ltmp4, $4  }
0xf5: {  	[tilespmem:s20+$0x0] =	vst v63;
	v61 =	vmul.f32 v58, v51  }
0xf6: {  	[tilespmem:s20+$0xFFFFFFE0] =	vst v60;
	v1 =	vmul.f32 v59, v12  }
0xf7: {  	[tilespmem:s20+$0xFFFFFFF0] =	vst v61  }
0xf8: {  	s24 =	sadd.s32 $0x280, s24;
	s25 =	sadd.s32 $0x280, s25;
	[tilespmem:s20+$0x10] =	vst v1  }
0xf9: {  	s20 =	simm.s32 $0x2300  }
0xfa: {  	[hbm4b:s8+s1] =	stream.linear.scatter [tilespmem:s20], [sflag:$0x1], $0x280, $0x38;
	[tilespmem:$0x3700] =	vst v63  }
0xfb: {  	_ =	swait.ge [sflag:s17], $0x280  }
0xfc: {  	[sflag:s17] =	ssyncset.done $0x0  }
0xfd: {  	s29 =	simm.s32 $0x2580;
	[sflag:s17] =	ssyncadd.s32 $0xFFFFFD80  }
0xfe: {  	[hbm4b:s9+s1] =	stream.linear.scatter [tilespmem:s29], [sflag:$0x1], $0x280, $0x38;
	[tilespmem:$0x3700] =	vst v63  }
0xff: {  	_ =	swait.ge [sflag:s17], $0x280  }
0x100: {  	[sflag:s17] =	ssyncset.done $0x0  }
0x101: {  	s30 =	simm.s32 $0x2800;
	[sflag:s17] =	ssyncadd.s32 $0xFFFFFD80  }
0x102: {  	[hbm4b:s10+s1] =	stream.linear.scatter [tilespmem:s30], [sflag:$0x1], $0x280, $0x38;
	[tilespmem:$0x3700] =	vst v63  }
0x103: {  	_ =	swait.ge [sflag:s17], $0x280  }
0x104: {  	[sflag:s17] =	ssyncset.done $0x0  }
0x105: {  	s31 =	simm.s32 $0x2A80;
	[sflag:s17] =	ssyncadd.s32 $0xFFFFFD80  }
0x106: {  	[hbm4b:s11+s1] =	stream.linear.scatter [tilespmem:s31], [sflag:$0x1], $0x280, $0x38;
	[tilespmem:$0x3700] =	vst v63  }
0x107: {  	_ =	swait.ge [sflag:s17], $0x280  }
0x108: {  	[sflag:s17] =	ssyncset.done $0x0  }
0x109: {  	[sflag:s17] =	ssyncadd.s32 $0xFFFFFD80  }
0x10a: {  	[hbm4b:s12+s1] =	stream.linear.scatter [tilespmem:s26], [sflag:$0x1], $0x280, $0x38;
	[tilespmem:$0x3700] =	vst v63  }
0x10b: {  	_ =	swait.ge [sflag:s17], $0x280  }
0x10c: {  	[sflag:s17] =	ssyncset.done $0x0  }
0x10d: {  	[sflag:s17] =	ssyncadd.s32 $0xFFFFFD80  }
0x10e: {  	[hbm4b:s13+s1] =	stream.linear.scatter [tilespmem:s19], [sflag:$0x1], $0x280, $0x38;
	[tilespmem:$0x3700] =	vst v63  }
0x10f: {  	_ =	swait.ge [sflag:s17], $0x280  }
0x110: {  	[sflag:s17] =	ssyncset.done $0x0  }
0x111: {  	[sflag:s17] =	ssyncadd.s32 $0xFFFFFD80  }
0x112: {  	[hbm4b:s14+s1] =	stream.linear.scatter [tilespmem:s23], [sflag:$0x1], $0x280, $0x38;
	[tilespmem:$0x3700] =	vst v63  }
0x113: {  	_ =	swait.ge [sflag:s17], $0x280  }
0x114: {  	[sflag:s17] =	ssyncset.done $0x0  }
.Ltmp5:
0x115: {  	[sflag:s17] =	ssyncadd.s32 $0xFFFFFD80;
	(pc) =	sbr.rel .LBB2_12-.Ltmp5, $4  }
0x116: {  	[hbm4b:s15+s1] =	stream.linear.scatter [tilespmem:s21], [sflag:$0x1], $0x280, $0x38;
	[tilespmem:$0x3700] =	vst v63  }
0x117: {  	_ =	swait.ge [sflag:s17], $0x280  }
0x118: {  	[sflag:s17] =	ssyncset.done $0x0  }
0x119: {  	[sflag:s17] =	ssyncadd.s32 $0xFFFFFD80  }
.LBB2_7:
0x11a: {  	s20 =	rddreg [dreg:$0x2]  }
0x11b: {  	[tilespmem:s28], [sflag:$0x1] =	stream.linear.gather [hbm4b:s20+s28], $0x200, $0x38;
	[tilespmem:$0x3700] =	vst v63  }
0x11c: {  	_ =	swait.ge [sflag:s17], $0x200  }
0x11d: {  	[sflag:s17] =	ssyncset.done $0x0  }
0x11e: {  	s22 =	simm.s32 $0x280;
	s31 =	rddreg [dreg:$0x3];
	[sflag:s17] =	ssyncadd.s32 $0xFFFFFE00  }
0x11f: {  	[tilespmem:s22], [sflag:$0x1] =	stream.linear.gather [hbm4b:s31+s28], $0x200, $0x38;
	[tilespmem:$0x3700] =	vst v63  }
0x120: {  	_ =	swait.ge [sflag:s17], $0x200  }
0x121: {  	[sflag:s17] =	ssyncset.done $0x0  }
0x122: {  	s25 =	simm.s32 $0x500;
	s24 =	rddreg [dreg:$0x4];
	[sflag:s17] =	ssyncadd.s32 $0xFFFFFE00  }
0x123: {  	[tilespmem:s25], [sflag:$0x1] =	stream.linear.gather [hbm4b:s24+s28], $0x200, $0x38;
	[tilespmem:$0x3700] =	vst v63  }
0x124: {  	_ =	swait.ge [sflag:s17], $0x200  }
0x125: {  	[sflag:s17] =	ssyncset.done $0x0  }
0x126: {  	s31 =	simm.s32 $0x780;
	s30 =	rddreg [dreg:$0x5];
	[sflag:s17] =	ssyncadd.s32 $0xFFFFFE00  }
0x127: {  	[tilespmem:s31], [sflag:$0x1] =	stream.linear.gather [hbm4b:s30+s28], $0x200, $0x38;
	[tilespmem:$0x3700] =	vst v63  }
0x128: {  	_ =	swait.ge [sflag:s17], $0x200  }
0x129: {  	[sflag:s17] =	ssyncset.done $0x0  }
0x12a: {  	s25 =	simm.s32 $0xA00;
	s24 =	rddreg [dreg:$0x6];
	[sflag:s17] =	ssyncadd.s32 $0xFFFFFE00  }
0x12b: {  	[tilespmem:s25], [sflag:$0x1] =	stream.linear.gather [hbm4b:s24+s28], $0x200, $0x38;
	[tilespmem:$0x3700] =	vst v63  }
0x12c: {  	_ =	swait.ge [sflag:s17], $0x200  }
0x12d: {  	[sflag:s17] =	ssyncset.done $0x0  }
0x12e: {  	s31 =	simm.s32 $0xC80;
	s30 =	rddreg [dreg:$0x7];
	[sflag:s17] =	ssyncadd.s32 $0xFFFFFE00  }
0x12f: {  	[tilespmem:s31], [sflag:$0x1] =	stream.linear.gather [hbm4b:s30+s28], $0x200, $0x38;
	[tilespmem:$0x3700] =	vst v63  }
0x130: {  	_ =	swait.ge [sflag:s17], $0x200  }
0x131: {  	[sflag:s17] =	ssyncset.done $0x0  }
0x132: {  	s25 =	simm.s32 $0xF00;
	s24 =	rddreg [dreg:$0x8];
	[sflag:s17] =	ssyncadd.s32 $0xFFFFFE00  }
0x133: {  	[tilespmem:s25], [sflag:$0x1] =	stream.linear.gather [hbm4b:s24+s28], $0x200, $0x38;
	[tilespmem:$0x3700] =	vst v63  }
0x134: {  	_ =	swait.ge [sflag:s17], $0x200  }
0x135: {  	[sflag:s17] =	ssyncset.done $0x0  }
0x136: {  	s31 =	simm.s32 $0x1180;
	s30 =	rddreg [dreg:$0x9];
	[sflag:s17] =	ssyncadd.s32 $0xFFFFFE00  }
0x137: {  	[tilespmem:s31], [sflag:$0x1] =	stream.linear.gather [hbm4b:s30+s28], $0x200, $0x38;
	[tilespmem:$0x3700] =	vst v63  }
0x138: {  	_ =	swait.ge [sflag:s17], $0x200  }
0x139: {  	[sflag:s17] =	ssyncset.done $0x0  }
0x13a: {  	s25 =	simm.s32 $0x1400;
	s24 =	rddreg [dreg:$0xa];
	[sflag:s17] =	ssyncadd.s32 $0xFFFFFE00  }
0x13b: {  	[tilespmem:s25], [sflag:$0x1] =	stream.linear.gather [hbm4b:s24+s28], $0x200, $0x38;
	[tilespmem:$0x3700] =	vst v63  }
0x13c: {  	_ =	swait.ge [sflag:s17], $0x200  }
0x13d: {  	[sflag:s17] =	ssyncset.done $0x0  }
0x13e: {  	s31 =	simm.s32 $0x1680;
	s30 =	rddreg [dreg:$0xb];
	[sflag:s17] =	ssyncadd.s32 $0xFFFFFE00  }
0x13f: {  	[tilespmem:s31], [sflag:$0x1] =	stream.linear.gather [hbm4b:s30+s28], $0x200, $0x38;
	[tilespmem:$0x3700] =	vst v63  }
0x140: {  	_ =	swait.ge [sflag:s17], $0x200  }
0x141: {  	[sflag:s17] =	ssyncset.done $0x0  }
0x142: {  	s25 =	simm.s32 $0x1900;
	s24 =	rddreg [dreg:$0xc];
	[sflag:s17] =	ssyncadd.s32 $0xFFFFFE00  }
0x143: {  	[tilespmem:s25], [sflag:$0x1] =	stream.linear.gather [hbm4b:s24+s28], $0x200, $0x38;
	[tilespmem:$0x3700] =	vst v63  }
0x144: {  	_ =	swait.ge [sflag:s17], $0x200  }
0x145: {  	[sflag:s17] =	ssyncset.done $0x0  }
0x146: {  	s31 =	simm.s32 $0x1B80;
	s30 =	rddreg [dreg:$0x12];
	[sflag:s17] =	ssyncadd.s32 $0xFFFFFE00  }
0x147: {  	[tilespmem:s31], [sflag:$0x1] =	stream.linear.gather [hbm4b:s30+s28], $0x200, $0x38;
	[tilespmem:$0x3700] =	vst v63  }
0x148: {  	_ =	swait.ge [sflag:s17], $0x200  }
0x149: {  	[sflag:s17] =	ssyncset.done $0x0  }
0x14a: {  	s25 =	simm.s32 $0x1E00;
	s24 =	rddreg [dreg:$0x14];
	[sflag:s17] =	ssyncadd.s32 $0xFFFFFE00  }
0x14b: {  	[tilespmem:s25], [sflag:$0x1] =	stream.linear.gather [hbm4b:s24+s28], $0x200, $0x38;
	[tilespmem:$0x3700] =	vst v63  }
0x14c: {  	_ =	swait.ge [sflag:s17], $0x200  }
0x14d: {  	[sflag:s17] =	ssyncset.done $0x0  }
0x14e: {  	s31 =	simm.s32 $0x2080;
	s30 =	rddreg [dreg:$0x16];
	[sflag:s17] =	ssyncadd.s32 $0xFFFFFE00  }
0x14f: {  	[tilespmem:s31], [sflag:$0x1] =	stream.linear.gather [hbm4b:s30+s28], $0x200, $0x38;
	[tilespmem:$0x3700] =	vst v63  }
0x150: {  	_ =	swait.ge [sflag:s17], $0x200  }
0x151: {  	[sflag:s17] =	ssyncset.done $0x0  }
0x152: {  	s29 =	simm.s32 $0x2320;
	s24 =	simm.s32 $0xF20;
	[sflag:s17] =	ssyncadd.s32 $0xFFFFFE00  }
.LBB2_8:
0x153: {  	v0 =	vld [tilespmem:s24+$0xFFFFFFF0]  }
0x154: {  	v12 =	vld [tilespmem:s24+$0xFFFFFFE0]  }
0x155: {  	s20 =	simm.s32 $0x780;
	v14 =	vld [tilespmem:s24+$0x10]  }
0x156: {  	v1 =	vld [tilespmem:s20+$0x2A0]  }
0x157: {  	v2 =	vld [tilespmem:s20+$0x510]  }
0x158: {  	v3 =	vld [tilespmem:s20+$0x290]  }
0x159: {  	v4 =	vld [tilespmem:s20+$0xFFFFFD90]  }
0x15a: {  	v5 =	vld [tilespmem:s20+$0x0]  }
0x15b: {  	v6 =	vld [tilespmem:s20+$0xFFFFFDA0]  }
0x15c: {  	v7 =	vld [tilespmem:s20+$0x10]  }
0x15d: {  	v9 =	vld [tilespmem:s20+$0xFFFFF890]  }
0x15e: {  	v8 =	vld [tilespmem:s20+$0xFFFFFB10]  }
0x15f: {  	v10 =	vld [tilespmem:s20+$0xFFFFFB00]  }
0x160: {  	v11 =	vld [tilespmem:s20+$0xFFFFFB30]  }
0x161: {  	s22 =	sadd.s32 $0x40, s24;
	v13 =	vld [tilespmem:s20+$0xFFFFF880];
	vm0 =	veq.s32 v0, $0x0;
	vm1 =	veq.s32 v0, $0x1  }
0x162: {  	v61 =	vld [tilespmem:s22+$0xFFFFFFE0];
	vm2 =	veq.s32 v0, $0x3;
	vm3 =	veq.s32 v0, $0x5;
	v9 =	vnsel vm0, $0x0, v9  }
0x163: {  	vm4 =	veq.s32 v12, $0x4;
	vm0 =	veq.s32 v0, $0x2;
	v8 =	vsel vm1, v8, v9;
	v9 =	vld [tilespmem:s24+$0x0]  }
0x164: {  	vm5 =	veq.s32 v14, $0x1;
	vm1 =	veq.s32 v0, $0x4;
	v0 =	vsel vm0, v4, v8;
	v4 =	vld [tilespmem:s20+$0xFFFFF8A0]  }
0x165: {  	vm15 =	veq.s32 v14, $0x2;
	v8 =	vld [tilespmem:s20+$0xFFFFFB20];
	vm0 =	veq.s32 v12, $0x0;
	v0 =	vsel vm2, v7, v0  }
0x166: {  	vm2 =	veq.s32 v12, $0x1;
	v7 =	vld [tilespmem:s20+$0xFFFFF8B0];
	v0 =	vsel vm1, v3, v0;
	v3 =	vnsel vm0, $0x0, v13  }
0x167: {  	vm9 =	veq.s32 v61, $0x2;
	vm10 =	veq.s32 v61, $0x3;
	v3 =	vsel vm2, v10, v3;
	v10 =	vld [tilespmem:s20+$0x20]  }
0x168: {  	vm1 =	veq.s32 v12, $0x2;
	vm2 =	veq.s32 v12, $0x3;
	v0 =	vsel vm3, v2, v0;
	v2 =	vld [tilespmem:s20+$0xFFFFFD80]  }
0x169: {  	v15 =	vld [tilespmem:s20+$0x280];
	vm3 =	veq.s32 v14, $0x0;
	vm0 =	veq.s32 v9, $0x0;
	vm6 =	veq.s32 v9, $0x1  }
0x16a: {  	v13 =	vld [tilespmem:s20+$0x520];
	vm14 =	veq.s32 v9, $0x2;
	v0 =	vmul.f32 $4.999999890e-03, v0;
	v4 =	vnsel vm0, $0x0, v4  }
0x16b: {  	vm0 =	veq.s32 v14, $0x3;
	v4 =	vsel vm6, v8, v4;
	v7 =	vnsel vm3, $0x0, v7;
	v8 =	vld [tilespmem:s20+$0x500]  }
0x16c: {  	vm3 =	veq.s32 v9, $0x3;
	v0 =	vmax.f32 v0, $0.0e+00;
	v4 =	vsel vm14, v6, v4;
	v6 =	vld [tilespmem:s20+$0xFFFFFDB0]  }
0x16d: {  	v4 =	vsel vm3, v10, v4;
	vm3 =	veq.s32 v9, $0x4;
	v2 =	vsel vm1, v2, v3;
	v3 =	vld [tilespmem:s20+$0x30]  }
0x16e: {  	v7 =	vsel vm5, v11, v7;
	v0 =	vadd.f32 $9.999999970e-07, v0;
	v1 =	vsel vm3, v1, v4;
	v4 =	vld [tilespmem:s20+$0x2B0]  }
0x16f: {  	vm1 =	veq.s32 v9, $0x5;
	v2 =	vsel vm2, v5, v2;
	v5 =	vld [tilespmem:s20+$0x530];
	vm2 =	veq.s32 v14, $0x4  }
0x170: {  	v9 =	vshrl.u32 v0, $0x1;
	v1 =	vsel vm1, v13, v1;
	v2 =	vsel vm4, v15, v2  }
0x171: {  	s20 =	simm.s32 $0x7C0;
	vm1 =	veq.s32 v12, $0x5;
	v1 =	vmul.f32 $4.999999890e-03, v1;
	v6 =	vsel vm15, v6, v7  }
0x172: {  	v11 =	vmul.f32 $5.000000000e-01, v0;
	v10 =	vld [tilespmem:s20+$0xFFFFFD90];
	v2 =	vsel vm1, v8, v2;
	v3 =	vsel vm0, v3, v6  }
0x173: {  	v7 =	vld [tilespmem:s22+$0xFFFFFFF0];
	v1 =	vmax.f32 v1, $0.0e+00;
	vm0 =	veq.s32 v14, $0x5;
	v3 =	vsel vm2, v4, v3  }
0x174: {  	v16 =	vld [tilespmem:s20+$0xFFFFFB10];
	v2 =	vmul.f32 $4.999999890e-03, v2;
	v1 =	vadd.f32 $9.999999970e-07, v1;
	v3 =	vsel vm0, v5, v3  }
0x175: {  	vm3 =	veq.s32 v61, $0x1;
	v9 =	vsub.s32 $0x5F3759DF, v9;
	v18 =	vld [tilespmem:s20+$0xFFFFFDA0];
	v3 =	vmul.f32 $4.999999890e-03, v3  }
0x176: {  	v19 =	vld [tilespmem:s20+$0x10];
	v2 =	vmax.f32 v2, $0.0e+00;
	v6 =	vshrl.u32 v1, $0x1;
	v0 =	vmul.f32 $5.000000000e-01, v1  }
0x177: {  	v1 =	vadd.f32 $9.999999970e-07, v2;
	v17 =	vsub.s32 $0x5F3759DF, v6;
	v6 =	vld [tilespmem:s20+$0xFFFFF890];
	v2 =	vmax.f32 v3, $0.0e+00  }
0x178: {  	v22 =	vld [tilespmem:s20+$0xFFFFF880];
	vm0 =	veq.s32 v7, $0x0;
	v3 =	vmul.f32 v9, v11;
	v15 =	vadd.f32 $9.999999970e-07, v2  }
0x179: {  	v23 =	vld [tilespmem:s20+$0xFFFFFB00];
	vm1 =	veq.s32 v7, $0x1;
	vm2 =	veq.s32 v7, $0x2;
	v14 =	vshrl.u32 v1, $0x1  }
0x17a: {  	v62 =	vld [tilespmem:s20+$0xFFFFFB20];
	v2 =	vmul.f32 $5.000000000e-01, v1;
	v3 =	vmul.f32 v9, v3;
	v20 =	vshrl.u32 v15, $0x1  }
0x17b: {  	v5 =	vld [tilespmem:s20+$0x290];
	v21 =	vsub.s32 $0x5F3759DF, v14;
	v1 =	vmul.f32 $5.000000000e-01, v15;
	v15 =	vsub.s32 $0x5F3759DF, v20  }
0x17c: {  	v4 =	vld [tilespmem:s20+$0x510];
	v3 =	vsub.f32 $1.500000000e+00, v3;
	v6 =	vnsel vm0, $0x0, v6;
	vm0 =	veq.s32 v7, $0x3  }
0x17d: {  	v14 =	vmul.f32 v15, v1;
	v6 =	vsel vm1, v16, v6;
	vm1 =	veq.s32 v7, $0x4;
	v16 =	vld [tilespmem:s22+$0x0]  }
0x17e: {  	v3 =	vmul.f32 v9, v3;
	v6 =	vsel vm2, v10, v6;
	vm2 =	veq.s32 v7, $0x5;
	v10 =	vld [tilespmem:s22+$0x10]  }
0x17f: {  	v9 =	vmul.f32 v15, v14;
	v14 =	vld [tilespmem:s20+$0xFFFFF8B0];
	v6 =	vsel vm0, v19, v6;
	vm0 =	veq.s32 v61, $0x0  }
0x180: {  	v19 =	vld [tilespmem:s20+$0xFFFFF8A0];
	v7 =	vmul.f32 v3, v11;
	v5 =	vsel vm1, v5, v6;
	v6 =	vnsel vm0, $0x0, v22  }
0x181: {  	v24 =	vld [tilespmem:s20+$0xFFFFFB30];
	v13 =	vmul.f32 v17, v0;
	v9 =	vsub.f32 $1.500000000e+00, v9;
	v23 =	vsel vm3, v23, v6  }
0x182: {  	v8 =	vld [tilespmem:s20+$0x2A0];
	vm3 =	veq.s32 v61, $0x4;
	v4 =	vsel vm2, v4, v5;
	v5 =	vmul.f32 v7, v3  }
0x183: {  	v7 =	vld [tilespmem:s20+$0x20];
	vm11 =	veq.s32 v16, $0x0;
	vm12 =	veq.s32 v16, $0x2;
	vm13 =	veq.s32 v16, $0x3  }
0x184: {  	vm14 =	veq.s32 v16, $0x4;
	v6 =	vmul.f32 v15, v9;
	vm1 =	veq.s32 v10, $0x0;
	v9 =	vld [tilespmem:s20+$0xFFFFFD80]  }
0x185: {  	v15 =	vld [tilespmem:s20+$0x520];
	v14 =	vnsel vm1, $0x0, v14;
	v19 =	vnsel vm11, $0x0, v19;
	vm1 =	veq.s32 v16, $0x1  }
0x186: {  	v12 =	vld [tilespmem:s20+$0x0];
	vm15 =	veq.s32 v16, $0x5;
	vm2 =	veq.s32 v10, $0x1;
	v19 =	vsel vm1, v62, v19  }
0x187: {  	v25 =	vld [tilespmem:s20+$0x280];
	vm0 =	veq.s32 v10, $0x3;
	v5 =	vsub.f32 $1.500000000e+00, v5;
	v18 =	vsel vm12, v18, v19  }
0x188: {  	vm7 =	veq.s32 v10, $0x2;
	vm1 =	veq.s32 v10, $0x5;
	v7 =	vsel vm13, v7, v18  }
0x189: {  	v63 =	vld [tilespmem:s20+$0x500];
	v14 =	vsel vm2, v24, v14;
	v5 =	vmul.f32 v5, v3;
	v7 =	vsel vm14, v8, v7  }
0x18a: {  	vm2 =	veq.s32 v10, $0x4;
	v9 =	vsel vm9, v9, v23;
	v7 =	vsel vm15, v15, v7  }
0x18b: {  	v10 =	vmul.f32 v5, v11;
	v8 =	vsel vm10, v12, v9;
	v7 =	vmul.f32 $4.999999890e-03, v7  }
0x18c: {  	v18 =	vld [tilespmem:s20+$0xFFFFFDB0];
	v11 =	vmul.f32 $4.999999890e-03, v4;
	v3 =	vsel vm3, v25, v8;
	v8 =	vmul.f32 v21, v2  }
0x18d: {  	v4 =	vmul.f32 v17, v13;
	vm3 =	veq.s32 v61, $0x5;
	v7 =	vmax.f32 v7, $0.0e+00  }
0x18e: {  	v3 =	vsel vm3, v63, v3;
	v12 =	vmul.f32 v21, v8;
	v7 =	vadd.f32 $9.999999970e-07, v7  }
0x18f: {  	v19 =	vsub.f32 $1.500000000e+00, v4;
	v3 =	vmul.f32 $4.999999890e-03, v3  }
0x190: {  	v13 =	vshrl.u32 v7, $0x1;
	v8 =	vmul.f32 $5.000000000e-01, v7;
	v7 =	vsub.f32 $1.500000000e+00, v12;
	v12 =	vld [tilespmem:s20+$0x30]  }
0x191: {  	v10 =	vmul.f32 v10, v5;
	v9 =	vsel vm7, v18, v14;
	v14 =	vld [tilespmem:s20+$0x2B0];
	v3 =	vmax.f32 v3, $0.0e+00  }
0x192: {  	v15 =	vld [tilespmem:s20+$0x530];
	v17 =	vmul.f32 v17, v19;
	v18 =	vadd.f32 $9.999999970e-07, v3;
	v3 =	vsub.s32 $0x5F3759DF, v13  }
0x193: {  	s31 =	simm.s32 $0x4;
	v4 =	vmul.f32 v3, v8;
	v16 =	vmul.f32 v21, v7  }
0x194: {  	s30 =	smov.u32 s29;
	s25 =	smov.u32 s29;
	s22 =	sadd.s32 $0x40, s22;
	v7 =	vsub.f32 $1.500000000e+00, v10;
	v10 =	vshrl.u32 v18, $0x1;
	v13 =	vmul.f32 $5.000000000e-01, v18  }
.LBB2_9:
0x195: {  	v18 =	vld [tilespmem:s22+$0xFFFFFFF0];
	s31 =	sadd.s32 $0x4, s31;
	v11 =	vmax.f32 v11, $0.0e+00;
	v12 =	vsel vm0, v12, v9;
	s20 =	sadd.s32 $0x40, s20;
	v19 =	vmul.f32 v16, v2;
	s30 =	sadd.s32 $0x40, s30  }
0x196: {  	v9 =	vld [tilespmem:s20+$0x2A0];
	p1 =	slt.u32 s31, $0x1C;
	v20 =	vadd.f32 $9.999999970e-07, v11;
	v11 =	vsel vm2, v14, v12;
	v12 =	vmul.f32 v17, v0  }
0x197: {  	v21 =	vld [tilespmem:s20+$0x510];
	v11 =	vsel vm1, v15, v11;
	v14 =	vmul.f32 v19, v16;
	v15 =	vmul.f32 v6, v1  }
0x198: {  	v19 =	vld [tilespmem:s20+$0x290];
	v22 =	vshrl.u32 v20, $0x1;
	v23 =	vmul.f32 $4.999999890e-03, v11;
	v24 =	vmul.f32 v12, v17  }
0x199: {  	v11 =	vld [tilespmem:s20+$0x280];
	v22 =	vsub.s32 $0x5F3759DF, v22;
	v14 =	vsub.f32 $1.500000000e+00, v14;
	v15 =	vmul.f32 v15, v6  }
0x19a: {  	v12 =	vmul.f32 $5.000000000e-01, v20;
	vm0 =	veq.s32 v18, $0x0;
	v25 =	vld [tilespmem:s20+$0xFFFFFD90];
	v20 =	vsub.f32 $1.500000000e+00, v24  }
0x19b: {  	vm2 =	veq.s32 v18, $0x1;
	v23 =	vmax.f32 v23, $0.0e+00;
	v24 =	vld [tilespmem:s20+$0x0];
	v15 =	vsub.f32 $1.500000000e+00, v15  }
0x19c: {  	vm1 =	veq.s32 v18, $0x2;
	v14 =	vmul.f32 v14, v16;
	v26 =	vld [tilespmem:s20+$0xFFFFFDA0];
	v16 =	vmul.f32 v20, v17  }
0x19d: {  	v23 =	vadd.f32 $9.999999970e-07, v23;
	v20 =	vmul.f32 v22, v12;
	v17 =	vld [tilespmem:s20+$0x10];
	v6 =	vmul.f32 v15, v6  }
0x19e: {  	v10 =	vsub.s32 $0x5F3759DF, v10;
	v27 =	vmul.f32 v14, v2;
	v2 =	vmovc v13;
	v15 =	vld [tilespmem:s20+$0xFFFFFB10];
	v28 =	vmul.f32 v16, v0;
	v0 =	vmovc v8  }
0x19f: {  	v13 =	vmul.f32 v22, v20;
	v20 =	vshrl.u32 v23, $0x1;
	v23 =	vmul.f32 $5.000000000e-01, v23;
	v8 =	vld [tilespmem:s20+$0xFFFFF890]  }
0x1a0: {  	v20 =	vsub.s32 $0x5F3759DF, v20;
	v27 =	vmul.f32 v27, v14;
	v30 =	vmul.f32 v6, v1;
	v29 =	vld [tilespmem:s20+$0xFFFFFB00]  }
0x1a1: {  	vm3 =	veq.s32 v18, $0x3;
	v32 =	vmul.f32 v20, v23;
	v28 =	vmul.f32 v28, v16;
	v1 =	vmovc v23;
	v31 =	vld [tilespmem:s20+$0xFFFFFB30]  }
0x1a2: {  	vm4 =	veq.s32 v18, $0x4;
	v13 =	vsub.f32 $1.500000000e+00, v13;
	v30 =	vmul.f32 v30, v6;
	v23 =	vld [tilespmem:s20+$0xFFFFF880]  }
0x1a3: {  	vm6 =	veq.s32 v18, $0x5;
	v27 =	vsub.f32 $1.500000000e+00, v27;
	v18 =	vmul.f32 v20, v32;
	v33 =	vld [tilespmem:s22+$0xFFFFFFE0]  }
0x1a4: {  	v13 =	vmul.f32 v22, v13;
	v22 =	vsub.f32 $1.500000000e+00, v30;
	v8 =	vnsel vm0, $0x0, v8;
	v32 =	vld [tilespmem:s20+$0xFFFFFB20]  }
0x1a5: {  	v5 =	vmul.f32 v7, v5;
	v14 =	vmul.f32 v27, v14;
	v8 =	vsel vm2, v15, v8;
	v30 =	vld [tilespmem:s20+$0xFFFFF8B0]  }
0x1a6: {  	v15 =	vsub.f32 $1.500000000e+00, v28;
	v7 =	vsel vm1, v25, v8;
	v8 =	vld [tilespmem:s20+$0xFFFFF8A0];
	v25 =	vmul.f32 v13, v12  }
0x1a7: {  	v18 =	vsub.f32 $1.500000000e+00, v18;
	v6 =	vmul.f32 v22, v6;
	v7 =	vsel vm3, v17, v7;
	v17 =	vld [tilespmem:s22+$0x10];
	[tilespmem:s25+$0xFFFFFFE0] =	vst v14  }
0x1a8: {  	vm0 =	veq.s32 v33, $0x0;
	vm1 =	veq.s32 v33, $0x1;
	v7 =	vsel vm4, v19, v7;
	v19 =	vld [tilespmem:s22+$0x0];
	[tilespmem:s25+$0xFFFFFFF0] =	vst v5  }
0x1a9: {  	v16 =	vmul.f32 v15, v16;
	vm4 =	veq.s32 v33, $0x2;
	v5 =	vnsel vm0, $0x0, v23;
	v14 =	vld [tilespmem:s20+$0x2B0];
	[tilespmem:s25+$0x10] =	vst v6  }
0x1aa: {  	vm5 =	veq.s32 v33, $0x3;
	vm3 =	veq.s32 v33, $0x4;
	v5 =	vsel vm1, v29, v5;
	v15 =	vld [tilespmem:s20+$0x530]  }
0x1ab: {  	v22 =	vmul.f32 v25, v13;
	v7 =	vsel vm6, v21, v7;
	v6 =	vmul.f32 v20, v18;
	v21 =	vld [tilespmem:s20+$0x520];
	[tilespmem:s25+$0x0] =	vst v16;
	s25 =	smov.u32 s30  }
0x1ac: {  	v16 =	vld [tilespmem:s20+$0x20];
	vm1 =	veq.s32 v17, $0x0;
	vm2 =	veq.s32 v17, $0x1;
	vm0 =	veq.s32 v17, $0x3  }
0x1ad: {  	vm6 =	veq.s32 v17, $0x2;
	v18 =	vld [tilespmem:s20+$0xFFFFFD80];
	vm7 =	veq.s32 v19, $0x0;
	v20 =	vnsel vm1, $0x0, v30  }
0x1ae: {  	v22 =	vsub.f32 $1.500000000e+00, v22;
	vm1 =	veq.s32 v19, $0x1;
	v8 =	vnsel vm7, $0x0, v8  }
0x1af: {  	vm7 =	veq.s32 v19, $0x2;
	v8 =	vsel vm1, v32, v8;
	vm1 =	veq.s32 v17, $0x5  }
0x1b0: {  	v20 =	vsel vm2, v31, v20;
	v23 =	vld [tilespmem:s20+$0x500];
	v8 =	vsel vm7, v26, v8;
	vm7 =	veq.s32 v19, $0x3  }
0x1b1: {  	vm2 =	veq.s32 v17, $0x4;
	v8 =	vsel vm7, v16, v8;
	vm7 =	veq.s32 v19, $0x4;
	v16 =	vld [tilespmem:s20+$0xFFFFFDB0]  }
0x1b2: {  	v5 =	vsel vm4, v18, v5;
	v8 =	vsel vm7, v9, v8;
	vm4 =	veq.s32 v19, $0x5  }
0x1b3: {  	v9 =	vsel vm5, v24, v5;
	v8 =	vsel vm4, v21, v8;
	v5 =	vmul.f32 v22, v13  }
0x1b4: {  	v9 =	vsel vm3, v11, v9;
	vm3 =	veq.s32 v33, $0x5;
	v8 =	vmul.f32 $4.999999890e-03, v8  }
0x1b5: {  	v11 =	vmul.f32 v10, v2;
	v9 =	vsel vm3, v23, v9;
	v12 =	vmul.f32 v5, v12  }
0x1b6: {  	v13 =	vmul.f32 $4.999999890e-03, v9;
	v8 =	vmax.f32 v8, $0.0e+00;
	v9 =	vsel vm6, v16, v20  }
0x1b7: {  	v16 =	vmul.f32 v10, v11;
	v8 =	vadd.f32 $9.999999970e-07, v8;
	v17 =	vmul.f32 v12, v5  }
.Ltmp6:
0x1b8: {  	v4 =	vmul.f32 v3, v4;
	v11 =	vmul.f32 $4.999999890e-03, v7;
	v13 =	vmax.f32 v13, $0.0e+00;
	v12 =	vld [tilespmem:s20+$0x30];
	(pc) =	sbr.rel @p1 .LBB2_9-.Ltmp6, $4  }
0x1b9: {  	v16 =	vsub.f32 $1.500000000e+00, v16;
	v7 =	vshrl.u32 v8, $0x1;
	v8 =	vmul.f32 $5.000000000e-01, v8  }
0x1ba: {  	v19 =	vsub.f32 $1.500000000e+00, v4;
	v13 =	vadd.f32 $9.999999970e-07, v13;
	v18 =	vsub.s32 $0x5F3759DF, v7  }
0x1bb: {  	v16 =	vmul.f32 v10, v16;
	v7 =	vsub.f32 $1.500000000e+00, v17;
	v4 =	vmul.f32 v18, v8  }
0x1bc: {  	s22 =	sadd.s32 $0x40, s22;
	v17 =	vmul.f32 v3, v19;
	v10 =	vshrl.u32 v13, $0x1;
	v13 =	vmul.f32 $5.000000000e-01, v13;
	v3 =	vmovc v18  }
0x1bd: {  	v11 =	vmax.f32 v11, $0.0e+00;
	v9 =	vsel vm0, v12, v9;
	v33 =	vmul.f32 v16, v2  }
0x1be: {  	v18 =	vmul.f32 v6, v1;
	v10 =	vsub.s32 $0x5F3759DF, v10;
	v4 =	vmul.f32 v3, v4  }
0x1bf: {  	v5 =	vmul.f32 v7, v5;
	v11 =	vadd.f32 $9.999999970e-07, v11;
	v9 =	vsel vm2, v14, v9  }
0x1c0: {  	v34 =	vmul.f32 v17, v0;
	v37 =	vmul.f32 v10, v13;
	v9 =	vsel vm1, v15, v9  }
0x1c1: {  	v12 =	vmul.f32 v33, v16;
	v9 =	vmul.f32 $4.999999890e-03, v9  }
0x1c2: {  	v18 =	vmul.f32 v18, v6;
	v4 =	vsub.f32 $1.500000000e+00, v4;
	v35 =	vshrl.u32 v11, $0x1  }
0x1c3: {  	v14 =	vmul.f32 v34, v17;
	v11 =	vmul.f32 $5.000000000e-01, v11;
	v9 =	vmax.f32 v9, $0.0e+00  }
0x1c4: {  	v15 =	vsub.s32 $0x5F3759DF, v35;
	v12 =	vsub.f32 $1.500000000e+00, v12;
	v9 =	vadd.f32 $9.999999970e-07, v9  }
0x1c5: {  	v18 =	vsub.f32 $1.500000000e+00, v18;
	v46 =	vmul.f32 v3, v4;
	v14 =	vsub.f32 $1.500000000e+00, v14  }
0x1c6: {  	v19 =	vmul.f32 v15, v11;
	v36 =	vshrl.u32 v9, $0x1;
	v9 =	vmul.f32 $5.000000000e-01, v9  }
0x1c7: {  	v12 =	vmul.f32 v12, v16;
	v14 =	vmul.f32 v14, v17;
	v16 =	vsub.s32 $0x5F3759DF, v36  }
0x1c8: {  	v17 =	vmul.f32 v10, v37;
	v20 =	vmul.f32 v16, v9  }
0x1c9: {  	v39 =	vmul.f32 v18, v6;
	v19 =	vmul.f32 v15, v19  }
0x1ca: {  	v49 =	vmul.f32 v46, v8;
	v17 =	vsub.f32 $1.500000000e+00, v17;
	v40 =	vmul.f32 v16, v20  }
0x1cb: {  	v38 =	vmul.f32 v12, v2;
	v50 =	vmul.f32 v39, v1;
	v19 =	vsub.f32 $1.500000000e+00, v19  }
0x1cc: {  	v18 =	vmul.f32 v49, v46;
	v10 =	vmul.f32 v10, v17;
	v42 =	vsub.f32 $1.500000000e+00, v40  }
0x1cd: {  	v41 =	vmul.f32 v14, v0;
	v15 =	vmul.f32 v15, v19  }
0x1ce: {  	v44 =	vmul.f32 v10, v13;
	v43 =	vmul.f32 v16, v42  }
0x1cf: {  	v2 =	vmul.f32 v38, v12;
	v45 =	vmul.f32 v15, v11  }
0x1d0: {  	v47 =	vmul.f32 v44, v10;
	v48 =	vmul.f32 v43, v9  }
0x1d1: {  	v1 =	vmul.f32 v50, v39;
	v52 =	vsub.f32 $1.500000000e+00, v18;
	v17 =	vmul.f32 v45, v15  }
0x1d2: {  	v2 =	vsub.f32 $1.500000000e+00, v2;
	v4 =	vsub.f32 $1.500000000e+00, v47;
	v16 =	vmul.f32 v48, v43  }
0x1d3: {  	v0 =	vmul.f32 v41, v14;
	v3 =	vmul.f32 v52, v46;
	v17 =	vsub.f32 $1.500000000e+00, v17  }
0x1d4: {  	v2 =	vmul.f32 v2, v12;
	v4 =	vmul.f32 v4, v10;
	v16 =	vsub.f32 $1.500000000e+00, v16  }
0x1d5: {  	v55 =	vmul.f32 v3, v8;
	v51 =	vmul.f32 v17, v15  }
0x1d6: {  	v53 =	vmul.f32 v4, v13;
	v12 =	vmul.f32 v16, v43  }
0x1d7: {  	v1 =	vsub.f32 $1.500000000e+00, v1;
	v8 =	vmul.f32 v55, v3;
	v11 =	vmul.f32 v51, v11  }
0x1d8: {  	v0 =	vsub.f32 $1.500000000e+00, v0;
	v54 =	vmul.f32 v53, v4;
	v9 =	vmul.f32 v12, v9  }
0x1d9: {  	[tilespmem:s25+$0xFFFFFFF0] =	vst v5;
	v1 =	vmul.f32 v1, v39;
	v62 =	vsub.f32 $1.500000000e+00, v8;
	v11 =	vmul.f32 v11, v51  }
0x1da: {  	s28 =	sadd.s32 $0x1, s28;
	v0 =	vmul.f32 v0, v14;
	[tilespmem:s25+$0xFFFFFFE0] =	vst v2;
	v57 =	vsub.f32 $1.500000000e+00, v54;
	v56 =	vmul.f32 v9, v12  }
0x1db: {  	p1 =	sne.s32 s28, $0x8;
	[tilespmem:s25+$0x10] =	vst v1;
	v63 =	vmul.f32 v62, v3;
	v58 =	vsub.f32 $1.500000000e+00, v11  }
.Ltmp7:
0x1dc: {  	s20 =	sadd.s32 $0x40, s30;
	[tilespmem:s25+$0x0] =	vst v0;
	v60 =	vmul.f32 v57, v4;
	v59 =	vsub.f32 $1.500000000e+00, v56;
	(pc) =	sbr.rel @p1 .LBB2_8-.Ltmp7, $4  }
0x1dd: {  	[tilespmem:s20+$0x0] =	vst v63;
	v61 =	vmul.f32 v58, v51  }
0x1de: {  	[tilespmem:s20+$0xFFFFFFE0] =	vst v60;
	v1 =	vmul.f32 v59, v12  }
0x1df: {  	[tilespmem:s20+$0xFFFFFFF0] =	vst v61  }
0x1e0: {  	s24 =	sadd.s32 $0x280, s24;
	s29 =	sadd.s32 $0x280, s29;
	[tilespmem:s20+$0x10] =	vst v1  }
0x1e1: {  	s20 =	rddreg [dreg:$0xd];
	s22 =	simm.s32 $0x2300  }
0x1e2: {  	[hbm4b:s20+s1] =	stream.linear.scatter [tilespmem:s22], [sflag:$0x1], $0x200, $0x38;
	[tilespmem:$0x3700] =	vst v63  }
0x1e3: {  	_ =	swait.ge [sflag:s17], $0x200  }
0x1e4: {  	[sflag:s17] =	ssyncset.done $0x0  }
0x1e5: {  	s29 =	simm.s32 $0x2580;
	s28 =	rddreg [dreg:$0xe];
	[sflag:s17] =	ssyncadd.s32 $0xFFFFFE00  }
0x1e6: {  	[hbm4b:s28+s1] =	stream.linear.scatter [tilespmem:s29], [sflag:$0x1], $0x200, $0x38;
	[tilespmem:$0x3700] =	vst v63  }
0x1e7: {  	_ =	swait.ge [sflag:s17], $0x200  }
0x1e8: {  	[sflag:s17] =	ssyncset.done $0x0  }
0x1e9: {  	s31 =	simm.s32 $0x2800;
	s30 =	rddreg [dreg:$0xf];
	[sflag:s17] =	ssyncadd.s32 $0xFFFFFE00  }
0x1ea: {  	[hbm4b:s30+s1] =	stream.linear.scatter [tilespmem:s31], [sflag:$0x1], $0x200, $0x38;
	[tilespmem:$0x3700] =	vst v63  }
0x1eb: {  	_ =	swait.ge [sflag:s17], $0x200  }
0x1ec: {  	[sflag:s17] =	ssyncset.done $0x0  }
0x1ed: {  	s25 =	simm.s32 $0x2A80;
	s24 =	rddreg [dreg:$0x10];
	[sflag:s17] =	ssyncadd.s32 $0xFFFFFE00  }
0x1ee: {  	[hbm4b:s24+s1] =	stream.linear.scatter [tilespmem:s25], [sflag:$0x1], $0x200, $0x38;
	[tilespmem:$0x3700] =	vst v63  }
0x1ef: {  	_ =	swait.ge [sflag:s17], $0x200  }
0x1f0: {  	[sflag:s17] =	ssyncset.done $0x0  }
0x1f1: {  	s28 =	rddreg [dreg:$0x11];
	[sflag:s17] =	ssyncadd.s32 $0xFFFFFE00  }
0x1f2: {  	[hbm4b:s28+s1] =	stream.linear.scatter [tilespmem:s26], [sflag:$0x1], $0x200, $0x38;
	[tilespmem:$0x3700] =	vst v63  }
0x1f3: {  	_ =	swait.ge [sflag:s17], $0x200  }
0x1f4: {  	[sflag:s17] =	ssyncset.done $0x0  }
0x1f5: {  	s29 =	rddreg [dreg:$0x13];
	[sflag:s17] =	ssyncadd.s32 $0xFFFFFE00  }
0x1f6: {  	[hbm4b:s29+s1] =	stream.linear.scatter [tilespmem:s19], [sflag:$0x1], $0x200, $0x38;
	[tilespmem:$0x3700] =	vst v63  }
0x1f7: {  	_ =	swait.ge [sflag:s17], $0x200  }
0x1f8: {  	[sflag:s17] =	ssyncset.done $0x0  }
0x1f9: {  	s30 =	rddreg [dreg:$0x15];
	[sflag:s17] =	ssyncadd.s32 $0xFFFFFE00  }
0x1fa: {  	[hbm4b:s30+s1] =	stream.linear.scatter [tilespmem:s23], [sflag:$0x1], $0x200, $0x38;
	[tilespmem:$0x3700] =	vst v63  }
0x1fb: {  	_ =	swait.ge [sflag:s17], $0x200  }
0x1fc: {  	[sflag:s17] =	ssyncset.done $0x0  }
.Ltmp8:
0x1fd: {  	s31 =	rddreg [dreg:$0x17];
	[sflag:s17] =	ssyncadd.s32 $0xFFFFFE00;
	(pc) =	sbr.rel .LBB2_12-.Ltmp8, $4  }
0x1fe: {  	[hbm4b:s31+s1] =	stream.linear.scatter [tilespmem:s21], [sflag:$0x1], $0x200, $0x38;
	[tilespmem:$0x3700] =	vst v63  }
0x1ff: {  	_ =	swait.ge [sflag:s17], $0x200  }
0x200: {  	[sflag:s17] =	ssyncset.done $0x0  }
0x201: {  	[sflag:s17] =	ssyncadd.s32 $0xFFFFFE00  }
.LBB2_13:
0x202: {  	_ =	sfence.sel $0x180000  }
0x203: {  	[bflag:$0x0] =	sbarrier.arrive $0xFFFF  }
0x204: {  	_ =	strace $0x90000047  }
0x205: {  	s0 =	stileid.u32;
	[bflag:$0x2] =	sbarrier.arrive $0xFFFF  }
0x206: {  	p0 =	sne.s32 s0, $0x0;
	s0 =	rddreg [dreg:$0x1]  }
0x207: {  	s0 =	sadd.s32 @!p0 $0x100000, s0  }
0x208: {  	[sflag:s0] =	ssyncadd.tile.s32 @!p0 $0x1;
	_ =	shalt  }
.Lfunc_end2:
_tile_overlayer_lowered:
.L_overlay_start_2:
0x209: {  	(tag) =	ssettag $0x2  }
0x20a: {  	s0 =	rddreg [dreg:$0x0];
	s2 =	stileid.u32  }
0x20b: {  	s1 =	rddreg [dreg:$0x1];
	p0 =	sne.s32 s2, $0x0  }
0x20c: {  	s3 =	rddreg [dreg:$0x2];
	[bflag:$0x3] =	sbarrier.arrive $0xFFFF;
	s2 =	simm.s32 @!p0 $0x1C01  }
0x20d: {  	[timem:s3], [sflag:s2] =	dma.local @!p0 [hbm:s0], s1  }
0x20e: {  	s0 =	simm.s32 @!p0 $0x1  }
0x20f: {  	_ =	swait.ge @!p0 [sflag:s0], s1  }
0x210: {  	s1 =	ssub.s32 @!p0 $0x0, s1;
	[sflag:s0] =	ssyncset.done @!p0 $0x0  }
0x211: {  	[sflag:s0] =	ssyncadd.s32 @!p0 s1  }
0x212: {  	[bflag:$0x3] =	sbarrier.arrive $0xFFFF  }
0x213: {  	_ =	shalt  }

</sc_bundles>
